<compile_context>
chip_gen: v7x
topology: tpu7x:2x2x1
jax: 0.10.2.dev20260603
libtpu: 0.0.44.dev20260713+nightly
codegen_flags: <defaults>
</compile_context>

<pallas_src>
import functools

import jax
import jax.numpy as jnp
from jax import lax
from jax.experimental import pallas as pl
from jax.experimental.pallas import tpu as pltpu
from jax.experimental.pallas import tpu_sc as plsc

N = 10000
E = 160000
DI = 256
DH = 512
DO = 40
NC = 2
NS = 16
NW = NC * NS
HALF = DI // 2
BK = 1000

_sc_mesh = plsc.VectorSubcoreMesh(core_axis_name="c", subcore_axis_name="s")
_sc_params = pltpu.CompilerParams(use_tc_tiling_on_sc=False)


def _vcopy(src_ref, dst_ref, n):
    offs = list(range(0, n - 15, 16))
    if offs[-1] != n - 16:
        offs.append(n - 16)
    for o in offs:
        dst_ref[pl.ds(o, 16)] = src_ref[pl.ds(o, 16)]


CH = 128
NROW = 1280
ND = NROW // NW
CH_D = CH


@functools.partial(
    pl.kernel,
    out_type=jax.ShapeDtypeStruct((NC * N, 8), jnp.float32),
    mesh=_sc_mesh,
    compiler_params=_sc_params,
    scratch_types=[
        pltpu.VMEM((CH_D,), jnp.int32),
        pltpu.VMEM((CH_D,), jnp.int32),
        pltpu.VMEM((CH_D,), jnp.int32),
        pltpu.VMEM((CH_D,), jnp.int32),
        pltpu.VMEM((CH_D, 8), jnp.float32),
        pltpu.VMEM((1000, 8), jnp.float32),
        pltpu.SemaphoreType.DMA,
        pltpu.SemaphoreType.DMA,
        pltpu.SemaphoreType.DMA,
        pltpu.SemaphoreType.DMA,
        pltpu.VMEM_SHARED((N + 128, 8), jnp.float32),
    ],
)
def _deg_kernel(dst_hbm, ones_hbm, zeros_hbm, out_hbm,
                dst0, dst1, sdst0, sdst1, onesv, zbuf,
                isem0, isem1, ssem0, ssem1, acc):
    c = lax.axis_index("c")
    s = lax.axis_index("s")
    w = s * NC + c
    dstb = (dst0, dst1)
    sdstb = (sdst0, sdst1)
    isems = (isem0, isem1)
    ssems = (ssem0, ssem1)
    pltpu.sync_copy(zeros_hbm, zbuf)
    pltpu.sync_copy(ones_hbm, onesv)

    @pl.when(s < 10)
    def _():
        pltpu.sync_copy(zbuf, acc.at[pl.ds(s * 1000, 1000)])

    plsc.subcore_barrier()

    def off_of(k):
        return (w + k * NW) * CH_D

    pltpu.async_copy(dst_hbm.at[pl.ds(off_of(0), CH_D)], dst0, isem0)

    def iter_k(k, b):
        nb = 1 - b
        pltpu.make_async_copy(dst_hbm.at[pl.ds(0, CH_D)], dstb[b],
                              isems[b]).wait()

        @pl.when(k >= 2)
        def _():
            pltpu.make_async_copy(onesv, acc.at[sdstb[b]], ssems[b]).wait()

        _vcopy(dstb[b], sdstb[b], CH_D)

        @pl.when(k + 1 < ND)
        def _():
            pltpu.async_copy(dst_hbm.at[pl.ds(off_of(k + 1), CH_D)],
                             dstb[nb], isems[nb])

        pltpu.async_copy(onesv, acc.at[sdstb[b]], ssems[b], add=True)

    def pair(k2, carry):
        iter_k(2 * k2, 0)
        iter_k(2 * k2 + 1, 1)
        return carry

    lax.fori_loop(0, ND // 2, pair, 0)
    if ND % 2:
        iter_k(ND - 1, (ND - 1) % 2)
    pltpu.make_async_copy(onesv, acc.at[sdstb[(ND - 2) % 2]],
                          ssems[(ND - 2) % 2]).wait()
    pltpu.make_async_copy(onesv, acc.at[sdstb[(ND - 1) % 2]],
                          ssems[(ND - 1) % 2]).wait()
    plsc.subcore_barrier()

    @pl.when(s < 10)
    def _():
        pltpu.sync_copy(acc.at[pl.ds(s * 1000, 1000)], zbuf)
        pltpu.sync_copy(zbuf, out_hbm.at[pl.ds(c * N + s * 1000, 1000)])


CH_1 = 80
N1 = E // (CH_1 * NS)


@functools.partial(
    pl.kernel,
    out_type=jax.ShapeDtypeStruct((NC * N, HALF), jnp.float32),
    mesh=_sc_mesh,
    compiler_params=_sc_params,
    scratch_types=[
        pltpu.VMEM((CH_1,), jnp.int32),
        pltpu.VMEM((CH_1,), jnp.int32),
        pltpu.VMEM((CH_1,), jnp.int32),
        pltpu.VMEM((CH_1,), jnp.int32),
        pltpu.VMEM((CH_1,), jnp.int32),
        pltpu.VMEM((CH_1,), jnp.int32),
        pltpu.VMEM((CH_1,), jnp.int32),
        pltpu.VMEM((CH_1,), jnp.int32),
        pltpu.VMEM((CH_1, HALF), jnp.float32),
        pltpu.VMEM((CH_1, HALF), jnp.float32),
        pltpu.VMEM((125, HALF), jnp.float32),
        pltpu.SemaphoreType.DMA,
        pltpu.SemaphoreType.DMA,
        pltpu.SemaphoreType.DMA,
        pltpu.SemaphoreType.DMA,
        pltpu.SemaphoreType.DMA,
        pltpu.SemaphoreType.DMA,
        pltpu.VMEM_SHARED((N + 128, HALF), jnp.float32),
    ],
)
def _s1_kernel(xs_hbm, src_hbm, dst_hbm, zeros_hbm, out_hbm,
               src0, src1, dst0, dst1, idx0, idx1, sdst0, sdst1,
               rows0, rows1, zbuf,
               isem0, isem1, gsem0, gsem1, ssem0, ssem1, acc):
    c = lax.axis_index("c")
    s = lax.axis_index("s")
    stripe = N // NS
    pltpu.sync_copy(zeros_hbm, zbuf)
    for r in range(stripe // 125):
        pltpu.sync_copy(zbuf, acc.at[pl.ds(s * stripe + r * 125, 125)])
    plsc.subcore_barrier()
    base = c * N
    srcb = (src0, src1)
    dstb = (dst0, dst1)
    idxb = (idx0, idx1)
    rowsb = (rows0, rows1)
    sdstb = (sdst0, sdst1)
    isems = (isem0, isem1)
    gsems = (gsem0, gsem1)
    ssems = (ssem0, ssem1)

    def off_of(k):
        return (s + k * NS) * CH_1

    def load_idx(k, b):
        pltpu.async_copy(src_hbm.at[pl.ds(off_of(k), CH_1)], srcb[b], isems[b])
        pltpu.async_copy(dst_hbm.at[pl.ds(off_of(k), CH_1)], dstb[b], isems[b])

    def wait_idx(b):
        pltpu.make_async_copy(src_hbm.at[pl.ds(0, CH_1)], srcb[b],
                              isems[b]).wait()
        pltpu.make_async_copy(dst_hbm.at[pl.ds(0, CH_1)], dstb[b],
                              isems[b]).wait()

    def prep_gather(k, b):
        offs = list(range(0, CH_1 - 15, 16))
        if offs[-1] != CH_1 - 16:
            offs.append(CH_1 - 16)
        for o in offs:
            idxb[b][pl.ds(o, 16)] = srcb[b][pl.ds(o, 16)] + base
        pltpu.async_copy(xs_hbm.at[idxb[b]], rowsb[b], gsems[b])

    load_idx(0, 0)
    wait_idx(0)
    prep_gather(0, 0)
    load_idx(1, 1)

    def iter_k(k, b):
        nb = 1 - b
        pltpu.make_async_copy(xs_hbm.at[idxb[b]], rowsb[b], gsems[b]).wait()
        _vcopy(dstb[b], sdstb[b], CH_1)

        @pl.when(k + 1 < N1)
        def _():
            wait_idx(nb)

            @pl.when(k >= 1)
            def _():
                pltpu.make_async_copy(rowsb[nb], acc.at[sdstb[nb]],
                                      ssems[nb]).wait()

            prep_gather(k + 1, nb)

        pltpu.async_copy(rowsb[b], acc.at[sdstb[b]], ssems[b], add=True)

        @pl.when(k + 2 < N1)
        def _():
            load_idx(k + 2, b)

    def pair(k2, carry):
        iter_k(2 * k2, 0)
        iter_k(2 * k2 + 1, 1)
        return carry

    lax.fori_loop(0, N1 // 2, pair, 0)
    if N1 % 2:
        iter_k(N1 - 1, (N1 - 1) % 2)
    pltpu.make_async_copy(rowsb[(N1 - 2) % 2], acc.at[sdstb[(N1 - 2) % 2]],
                          ssems[(N1 - 2) % 2]).wait()
    pltpu.make_async_copy(rowsb[(N1 - 1) % 2], acc.at[sdstb[(N1 - 1) % 2]],
                          ssems[(N1 - 1) % 2]).wait()
    plsc.subcore_barrier()
    for r in range(stripe // 125):
        pltpu.sync_copy(acc.at[pl.ds(s * stripe + r * 125, 125)], zbuf)
        pltpu.sync_copy(zbuf, out_hbm.at[pl.ds(c * N + s * stripe + r * 125, 125)])


@functools.partial(
    pl.kernel,
    out_type=jax.ShapeDtypeStruct((NC * N, DO), jnp.float32),
    mesh=_sc_mesh,
    compiler_params=_sc_params,
    scratch_types=[
        pltpu.VMEM((CH_D,), jnp.int32),
        pltpu.VMEM((CH_D,), jnp.int32),
        pltpu.VMEM((CH_D,), jnp.int32),
        pltpu.VMEM((CH_D,), jnp.int32),
        pltpu.VMEM((CH_D,), jnp.int32),
        pltpu.VMEM((CH_D,), jnp.int32),
        pltpu.VMEM((CH_D,), jnp.int32),
        pltpu.VMEM((CH_D,), jnp.int32),
        pltpu.VMEM((CH_D, DO), jnp.float32),
        pltpu.VMEM((CH_D, DO), jnp.float32),
        pltpu.VMEM((1000, DO), jnp.float32),
        pltpu.SemaphoreType.DMA,
        pltpu.SemaphoreType.DMA,
        pltpu.SemaphoreType.DMA,
        pltpu.SemaphoreType.DMA,
        pltpu.SemaphoreType.DMA,
        pltpu.SemaphoreType.DMA,
        pltpu.VMEM_SHARED((N + 128, DO), jnp.float32),
    ],
)
def _s2_kernel(ts_hbm, src_hbm, dst_hbm, zeros_hbm, out_hbm,
               src0, src1, dst0, dst1, sidx0, sidx1, sdst0, sdst1,
               rows0, rows1, zbuf,
               isem0, isem1, gsem0, gsem1, ssem0, ssem1, acc):
    c = lax.axis_index("c")
    s = lax.axis_index("s")
    w = s * NC + c
    srcb = (src0, src1)
    dstb = (dst0, dst1)
    sidxb = (sidx0, sidx1)
    sdstb = (sdst0, sdst1)
    rowsb = (rows0, rows1)
    isems = (isem0, isem1)
    gsems = (gsem0, gsem1)
    ssems = (ssem0, ssem1)
    pltpu.sync_copy(zeros_hbm, zbuf)

    @pl.when(s < 10)
    def _():
        pltpu.sync_copy(zbuf, acc.at[pl.ds(s * 1000, 1000)])

    plsc.subcore_barrier()

    def off_of(k):
        return (w + k * NW) * CH_D

    def load_idx(k, b):
        pltpu.async_copy(src_hbm.at[pl.ds(off_of(k), CH_D)], srcb[b], isems[b])
        pltpu.async_copy(dst_hbm.at[pl.ds(off_of(k), CH_D)], dstb[b], isems[b])

    def wait_idx(b):
        pltpu.make_async_copy(src_hbm.at[pl.ds(0, CH_D)], srcb[b],
                              isems[b]).wait()
        pltpu.make_async_copy(dst_hbm.at[pl.ds(0, CH_D)], dstb[b],
                              isems[b]).wait()

    load_idx(0, 0)
    wait_idx(0)
    _vcopy(src0, sidx0, CH_D)
    pltpu.async_copy(ts_hbm.at[sidx0], rows0, gsem0)
    load_idx(1, 1)

    def iter_k(k, b):
        nb = 1 - b
        pltpu.make_async_copy(ts_hbm.at[sidxb[b]], rowsb[b], gsems[b]).wait()
        _vcopy(dstb[b], sdstb[b], CH_D)

        @pl.when(k + 1 < ND)
        def _():
            wait_idx(nb)

            @pl.when(k >= 1)
            def _():
                pltpu.make_async_copy(rowsb[nb], acc.at[sdstb[nb]],
                                      ssems[nb]).wait()

            _vcopy(srcb[nb], sidxb[nb], CH_D)
            pltpu.async_copy(ts_hbm.at[sidxb[nb]], rowsb[nb], gsems[nb])

        pltpu.async_copy(rowsb[b], acc.at[sdstb[b]], ssems[b], add=True)

        @pl.when(k + 2 < ND)
        def _():
            load_idx(k + 2, b)

    def pair(k2, carry):
        iter_k(2 * k2, 0)
        iter_k(2 * k2 + 1, 1)
        return carry

    lax.fori_loop(0, ND // 2, pair, 0)
    if ND % 2:
        iter_k(ND - 1, (ND - 1) % 2)
    pltpu.make_async_copy(rowsb[(ND - 2) % 2], acc.at[sdstb[(ND - 2) % 2]],
                          ssems[(ND - 2) % 2]).wait()
    pltpu.make_async_copy(rowsb[(ND - 1) % 2], acc.at[sdstb[(ND - 1) % 2]],
                          ssems[(ND - 1) % 2]).wait()
    plsc.subcore_barrier()

    @pl.when(s < 10)
    def _():
        pltpu.sync_copy(acc.at[pl.ds(s * 1000, 1000)], zbuf)
        pltpu.sync_copy(zbuf, out_hbm.at[pl.ds(c * N + s * 1000, 1000)])


def _scale_body(x_ref, degp_ref, xs_ref, dinv_ref):
    deg = degp_ref[0, :, :1] + degp_ref[1, :, :1] + 1.0
    dinv = lax.rsqrt(deg)
    dinv_ref[...] = dinv
    xb = x_ref[...] * dinv
    xs_ref[0] = xb[:, :HALF]
    xs_ref[1] = xb[:, HALF:]


def _tc_scale(x, degp):
    return pl.pallas_call(
        _scale_body,
        grid=(N // BK,),
        in_specs=[
            pl.BlockSpec((BK, DI), lambda i: (i, 0)),
            pl.BlockSpec((2, BK, 8), lambda i: (0, i, 0)),
        ],
        out_specs=[
            pl.BlockSpec((2, BK, HALF), lambda i: (0, i, 0)),
            pl.BlockSpec((BK, 1), lambda i: (i, 0)),
        ],
        out_shape=[
            jax.ShapeDtypeStruct((2, N, HALF), jnp.float32),
            jax.ShapeDtypeStruct((N, 1), jnp.float32),
        ],
    )(x, degp)


def _mm_body(s1a, s1b, xsa, xsb, dinv, w1a, w1b, b1r, w2, ts_ref):
    dv = dinv[...]
    a = (s1a[...] + xsa[...]) * dv
    b = (s1b[...] + xsb[...]) * dv
    h = jnp.dot(a, w1a[...], preferred_element_type=jnp.float32)
    h = h + jnp.dot(b, w1b[...], preferred_element_type=jnp.float32)
    h = jnp.maximum(h + b1r[...], 0.0)
    t = jnp.dot(h, w2[...], preferred_element_type=jnp.float32)
    ts_ref[...] = t * dv


def _tc_mm(s1a, s1b, xsa, xsb, dinv, W1a, W1b, b1r, W2):
    full = lambda shape: pl.BlockSpec(shape, lambda i: tuple(0 for _ in shape))
    return pl.pallas_call(
        _mm_body,
        grid=(N // BK,),
        in_specs=[
            pl.BlockSpec((BK, HALF), lambda i: (i, 0)),
            pl.BlockSpec((BK, HALF), lambda i: (i, 0)),
            pl.BlockSpec((BK, HALF), lambda i: (i, 0)),
            pl.BlockSpec((BK, HALF), lambda i: (i, 0)),
            pl.BlockSpec((BK, 1), lambda i: (i, 0)),
            full((HALF, DH)),
            full((HALF, DH)),
            full((1, DH)),
            full((DH, DO)),
        ],
        out_specs=pl.BlockSpec((BK, DO), lambda i: (i, 0)),
        out_shape=jax.ShapeDtypeStruct((N, DO), jnp.float32),
    )(s1a, s1b, xsa, xsb, dinv, W1a, W1b, b1r, W2)


def _fin_body(s2_ref, ts_ref, dinv, b2r, out_ref):
    acc = s2_ref[0] + s2_ref[1] + ts_ref[...]
    out_ref[...] = acc * dinv[...] + b2r[...]


def _tc_fin(s2, ts, dinv, b2r):
    return pl.pallas_call(
        _fin_body,
        grid=(N // BK,),
        in_specs=[
            pl.BlockSpec((2, BK, DO), lambda i: (0, i, 0)),
            pl.BlockSpec((BK, DO), lambda i: (i, 0)),
            pl.BlockSpec((BK, 1), lambda i: (i, 0)),
            pl.BlockSpec((1, DO), lambda i: (0, 0)),
        ],
        out_specs=pl.BlockSpec((BK, DO), lambda i: (i, 0)),
        out_shape=jax.ShapeDtypeStruct((N, DO), jnp.float32),
    )(s2, ts, dinv, b2r)


def kernel(x, edge_index, W1, b1, W2, b2):
    x = x.astype(jnp.float32)
    pad = NROW * CH - E
    src = jnp.concatenate(
        [edge_index[0].astype(jnp.int32), jnp.zeros((pad,), jnp.int32)])
    dst = jnp.concatenate(
        [edge_index[1].astype(jnp.int32),
         N + (jnp.arange(pad, dtype=jnp.int32) % 128)])

    ones_c = jnp.ones((CH_D, 8), jnp.float32)
    zeros_1 = jnp.zeros((1000, 8), jnp.float32)
    zeros_h = jnp.zeros((125, HALF), jnp.float32)
    zeros_o = jnp.zeros((1000, DO), jnp.float32)

    degp = _deg_kernel(dst, ones_c, zeros_1)
    xs, dinv = _tc_scale(x, degp.reshape(NC, N, 8))

    s1 = _s1_kernel(xs.reshape(NC * N, HALF), src, dst, zeros_h)
    s1 = s1.reshape(NC, N, HALF)

    ts = _tc_mm(s1[0], s1[1], xs[0], xs[1], dinv,
                W1[:HALF], W1[HALF:], b1.reshape(1, DH), W2)

    s2 = _s2_kernel(ts, src, dst, zeros_o)
    return _tc_fin(s2.reshape(NC, N, DO), ts, dinv, b2.reshape(1, DO))

# --- scband reference (transcript-rebuilt; emitter-appended) ---
"""Pipeline reference for scband-gevn-51230369907054 (READ-ONLY COPY).

The authoritative reference and input builder live on the scoring server;
editing this copy changes nothing except your own understanding.
"""

import jax, jax.numpy as jnp
import numpy as np

N_NODES = 10000
N_EDGES = 160000
D_IN = 256
D_HID = 512
D_OUT = 40


def setup_inputs(seed: int = 0) -> dict:
    key = jax.random.key(seed)
    k1, k2, k3, k4, k5, k6 = jax.random.split(key, 6)
    x = jax.random.normal(k1, (N_NODES, D_IN), dtype=jnp.float32)
    edge_index = jax.random.randint(k2, (2, N_EDGES), 0, N_NODES, dtype=jnp.int64)
    # GCN layer params (glorot-ish scaling)
    W1 = jax.random.normal(k3, (D_IN, D_HID), dtype=jnp.float32) * (1.0 / np.sqrt(D_IN))
    b1 = jnp.zeros((D_HID,), dtype=jnp.float32)
    W2 = jax.random.normal(k4, (D_HID, D_OUT), dtype=jnp.float32) * (1.0 / np.sqrt(D_HID))
    b2 = jnp.zeros((D_OUT,), dtype=jnp.float32)
    return {"x": x, "edge_index": edge_index, "W1": W1, "b1": b1, "W2": W2, "b2": b2}


def reference(x, edge_index, W1, b1, W2, b2):
    # GEVN.forward -> self.encoder(x, edge_index) with backbone='gcn', num_layers=2.
    # Standard GCNConv: add self-loops, symmetric deg^{-1/2} A deg^{-1/2} normalization,
    # per-layer: linear transform -> gather -> scatter-add -> bias; ReLU between layers.
    # Dropout is identity at inference; use_bn=False.
    N = x.shape[0]
    sl = jnp.arange(N, dtype=edge_index.dtype)
    src = jnp.concatenate([edge_index[0], sl])
    dst = jnp.concatenate([edge_index[1], sl])
    deg = jax.ops.segment_sum(jnp.ones_like(dst, dtype=jnp.float32), dst, num_segments=N)
    dinv = jnp.where(deg > 0, deg ** -0.5, 0.0)
    norm = dinv[src] * dinv[dst]

    def gcn_conv(h, W, b):
        h = h @ W
        msg = jnp.take(h, src, axis=0) * norm[:, None]
        out = jax.ops.segment_sum(msg, dst, num_segments=N)
        return out + b

    h = jax.nn.relu(gcn_conv(x, W1, b1))
    logits = gcn_conv(h, W2, b2)
    return logits

if __name__ == "__main__":
    import jax
    _d = setup_inputs()
    print(jax.jit(kernel)(*tuple(_d.values())))

</pallas_src>

<mosaic_0001>
#map = affine_map<(d0, d1) -> (0)>
#map1 = affine_map<(d0, d1) -> (0, 0)>
module attributes {stable_mosaic.version = 14 : i64} {
  func.func @_deg_kernel(%arg0: i32, %arg1: i32, %arg2: memref<163840xi32, #tpu.memory_space<hbm>>, %arg3: memref<128x8xf32, #tpu.memory_space<hbm>>, %arg4: memref<1000x8xf32, #tpu.memory_space<hbm>>, %arg5: memref<20000x8xf32, #tpu.memory_space<hbm>>, %arg6: memref<128xi32, #tpu.memory_space<vmem>>, %arg7: memref<128xi32, #tpu.memory_space<vmem>>, %arg8: memref<128xi32, #tpu.memory_space<vmem>>, %arg9: memref<128xi32, #tpu.memory_space<vmem>>, %arg10: memref<128x8xf32, #tpu.memory_space<vmem>>, %arg11: memref<1000x8xf32, #tpu.memory_space<vmem>>, %arg12: memref<!tpu.dma_semaphore, #tpu.memory_space<semaphore_mem>>, %arg13: memref<!tpu.dma_semaphore, #tpu.memory_space<semaphore_mem>>, %arg14: memref<!tpu.dma_semaphore, #tpu.memory_space<semaphore_mem>>, %arg15: memref<!tpu.dma_semaphore, #tpu.memory_space<semaphore_mem>>, %arg16: memref<10128x8xf32, #tpu.memory_space<vmem_shared>>) attributes {dimension_semantics = [#tpu.dimension_semantics<core_parallel>, #tpu.dimension_semantics<subcore_parallel>], iteration_bounds = array<i64: 2, 16>, scalar_prefetch = 0 : i64, scratch_operands = 11 : i64, tpu.core_type = #tpu.core_type<sc_vector_subcore>, window_params = [{transform_indices = #map}, {transform_indices = #map1}, {transform_indices = #map1}, {transform_indices = #map1}]} {
    %mul3A = arith.constant 2 : i32
    %mul3A_0 = arith.muli %arg1, %mul3A : i32
    %add3A = arith.addi %mul3A_0, %arg0 : i32
    "tpu.region"() ({
      %run_scoped3A = tpu.sem_alloc : memref<!tpu.dma_semaphore, #tpu.memory_space<semaphore_mem>>
      tpu.enqueue_dma source(%arg4 : memref<1000x8xf32, #tpu.memory_space<hbm>>) target(%arg11 : memref<1000x8xf32, #tpu.memory_space<vmem>>) target_semaphore(%run_scoped3A : memref<!tpu.dma_semaphore, #tpu.memory_space<semaphore_mem>>)
      tpu.wait_dma2 semaphore(%run_scoped3A : memref<!tpu.dma_semaphore, #tpu.memory_space<semaphore_mem>>) src(%arg4 : memref<1000x8xf32, #tpu.memory_space<hbm>>) dst(%arg11 : memref<1000x8xf32, #tpu.memory_space<vmem>>)
      tpu.yield
    }) : () -> ()
    "tpu.region"() ({
      %run_scoped3A = tpu.sem_alloc : memref<!tpu.dma_semaphore, #tpu.memory_space<semaphore_mem>>
      tpu.enqueue_dma source(%arg3 : memref<128x8xf32, #tpu.memory_space<hbm>>) target(%arg10 : memref<128x8xf32, #tpu.memory_space<vmem>>) target_semaphore(%run_scoped3A : memref<!tpu.dma_semaphore, #tpu.memory_space<semaphore_mem>>)
      tpu.wait_dma2 semaphore(%run_scoped3A : memref<!tpu.dma_semaphore, #tpu.memory_space<semaphore_mem>>) src(%arg3 : memref<128x8xf32, #tpu.memory_space<hbm>>) dst(%arg10 : memref<128x8xf32, #tpu.memory_space<vmem>>)
      tpu.yield
    }) : () -> ()
    %lt3A = arith.constant 10 : i32
    %lt3A_1 = arith.cmpi slt, %arg1, %lt3A : i32
    %convert_element_type3A = arith.extui %lt3A_1 : i1 to i32
    %cond3A = arith.constant 0 : i32
    %cond3A_2 = arith.cmpi ne, %convert_element_type3A, %cond3A : i32
    scf.if %cond3A_2 {
      %mul3A_24 = arith.constant 1000 : i32
      %mul3A_25 = arith.muli %arg1, %mul3A_24 : i32
      "tpu.region"() ({
        %run_scoped3A = tpu.sem_alloc : memref<!tpu.dma_semaphore, #tpu.memory_space<semaphore_mem>>
        %dma_start3A_26 = arith.constant 0 : i32
        %dma_start3A_27 = tpu.memref_slice %arg16[%mul3A_25, %dma_start3A_26] : memref<10128x8xf32, #tpu.memory_space<vmem_shared>> -> memref<1000x8xf32, #tpu.memory_space<vmem_shared>>
        %dma_start3A_28 = arith.constant 0 : i32
        %dma_start3A_29 = tpu.memref_slice %arg16[%mul3A_25, %dma_start3A_28] : memref<10128x8xf32, #tpu.memory_space<vmem_shared>> -> memref<1000x8xf32, #tpu.memory_space<vmem_shared>>
        tpu.enqueue_dma source(%arg11 : memref<1000x8xf32, #tpu.memory_space<vmem>>) target(%dma_start3A_29 : memref<1000x8xf32, #tpu.memory_space<vmem_shared>>) target_semaphore(%run_scoped3A : memref<!tpu.dma_semaphore, #tpu.memory_space<semaphore_mem>>)
        %dma_wait3A_30 = arith.constant 0 : i32
        %dma_wait3A_31 = tpu.memref_slice %arg16[%mul3A_25, %dma_wait3A_30] : memref<10128x8xf32, #tpu.memory_space<vmem_shared>> -> memref<1000x8xf32, #tpu.memory_space<vmem_shared>>
        %dma_wait3A_32 = arith.constant 0 : i32
        %dma_wait3A_33 = tpu.memref_slice %arg16[%mul3A_25, %dma_wait3A_32] : memref<10128x8xf32, #tpu.memory_space<vmem_shared>> -> memref<1000x8xf32, #tpu.memory_space<vmem_shared>>
        tpu.wait_dma2 semaphore(%run_scoped3A : memref<!tpu.dma_semaphore, #tpu.memory_space<semaphore_mem>>) src(%arg11 : memref<1000x8xf32, #tpu.memory_space<vmem>>) dst(%dma_wait3A_33 : memref<1000x8xf32, #tpu.memory_space<vmem_shared>>)
        tpu.yield
      }) : () -> ()
    } else {
    }
    %barrier3A = arith.constant 0 : index
    tpu.barrier barrier_id(%barrier3A)
    %add3A_3 = arith.constant 0 : i32
    %add3A_4 = arith.addi %add3A, %add3A_3 : i32
    %mul3A_5 = arith.constant 128 : i32
    %mul3A_6 = arith.muli %add3A_4, %mul3A_5 : i32
    %dma_start3A = tpu.memref_slice %arg2[%mul3A_6] : memref<163840xi32, #tpu.memory_space<hbm>> -> memref<128xi32, #tpu.memory_space<hbm>>
    %dma_start3A_7 = tpu.memref_slice %arg2[%mul3A_6] : memref<163840xi32, #tpu.memory_space<hbm>> -> memref<128xi32, #tpu.memory_space<hbm>>
    tpu.enqueue_dma source(%dma_start3A_7 : memref<128xi32, #tpu.memory_space<hbm>>) target(%arg6 : memref<128xi32, #tpu.memory_space<vmem>>) target_semaphore(%arg12 : memref<!tpu.dma_semaphore, #tpu.memory_space<semaphore_mem>>)
    %scan3A = arith.constant 0 : i32
    %scan3A_8 = arith.constant 0 : i32
    %scan3A_9 = arith.constant 20 : i32
    %scan3A_10 = arith.addi %scan3A_8, %scan3A_9 : i32
    %scan3A_11 = arith.constant 1 : i32
    scf.for %scan3A_24 = %scan3A_8 to %scan3A_10 step %scan3A_11  : i32 {
      %mul3A_25 = arith.constant 2 : i32
      %mul3A_26 = arith.muli %mul3A_25, %scan3A_24 : i32
      %dma_wait3A_27 = arith.constant 0 : i32
      %dma_wait3A_28 = tpu.memref_slice %arg2[%dma_wait3A_27] : memref<163840xi32, #tpu.memory_space<hbm>> -> memref<128xi32, #tpu.memory_space<hbm>>
      %dma_wait3A_29 = arith.constant 0 : i32
      %dma_wait3A_30 = tpu.memref_slice %arg2[%dma_wait3A_29] : memref<163840xi32, #tpu.memory_space<hbm>> -> memref<128xi32, #tpu.memory_space<hbm>>
      tpu.wait_dma2 semaphore(%arg12 : memref<!tpu.dma_semaphore, #tpu.memory_space<semaphore_mem>>) src(%dma_wait3A_30 : memref<128xi32, #tpu.memory_space<hbm>>) dst(%arg6 : memref<128xi32, #tpu.memory_space<vmem>>)
      %ge3A = arith.constant 2 : i32
      %ge3A_31 = arith.cmpi sge, %mul3A_26, %ge3A : i32
      %convert_element_type3A_32 = arith.extui %ge3A_31 : i1 to i32
      %cond3A_33 = arith.constant 0 : i32
      %cond3A_34 = arith.cmpi ne, %convert_element_type3A_32, %cond3A_33 : i32
      scf.if %cond3A_34 {
        %dma_wait3A_178 = arith.constant 0 : i32
        %dma_wait3A_179 = arith.constant 0 : i32
        %dma_wait3A_180 = tpu.memref_slice %arg16[%dma_wait3A_178, %dma_wait3A_179] : memref<10128x8xf32, #tpu.memory_space<vmem_shared>> -> memref<10128x8xf32, #tpu.memory_space<vmem_shared>>
        tpu.wait_indirect_dma semaphore(%arg14 : memref<!tpu.dma_semaphore, #tpu.memory_space<semaphore_mem>>) src(%arg10 : memref<128x8xf32, #tpu.memory_space<vmem>>) dst(%dma_wait3A_180 : memref<10128x8xf32, #tpu.memory_space<vmem_shared>>)
      } else {
      }
      %get3A = arith.constant 0 : index
      %get3A_35 = tpu.vector_load %arg6[%get3A] {strides = array<i32>} : memref<128xi32, #tpu.memory_space<vmem>>, vector<16xi32>,
      %get3A_36 = vector.shape_cast %get3A_35 : vector<16xi32> to vector<16xi32>
      %swap3A = arith.constant 0 : index
      %swap3A_37 = tpu.vector_load %arg8[%swap3A] {strides = array<i32>} : memref<128xi32, #tpu.memory_space<vmem>>, vector<16xi32>,
      %swap3A_38 = vector.shape_cast %swap3A_37 : vector<16xi32> to vector<16xi32>
      %swap3A_39 = vector.shape_cast %get3A_36 : vector<16xi32> to vector<16xi32>
      tpu.vector_store %arg8[%swap3A], %swap3A_39 {strides = array<i32>} : memref<128xi32, #tpu.memory_space<vmem>>, vector<16xi32>,
      %get3A_40 = arith.constant 16 : index
      %get3A_41 = tpu.vector_load %arg6[%get3A_40] {strides = array<i32>} : memref<128xi32, #tpu.memory_space<vmem>>, vector<16xi32>,
      %get3A_42 = vector.shape_cast %get3A_41 : vector<16xi32> to vector<16xi32>
      %swap3A_43 = arith.constant 16 : index
      %swap3A_44 = tpu.vector_load %arg8[%swap3A_43] {strides = array<i32>} : memref<128xi32, #tpu.memory_space<vmem>>, vector<16xi32>,
      %swap3A_45 = vector.shape_cast %swap3A_44 : vector<16xi32> to vector<16xi32>
      %swap3A_46 = vector.shape_cast %get3A_42 : vector<16xi32> to vector<16xi32>
      tpu.vector_store %arg8[%swap3A_43], %swap3A_46 {strides = array<i32>} : memref<128xi32, #tpu.memory_space<vmem>>, vector<16xi32>,
      %get3A_47 = arith.constant 32 : index
      %get3A_48 = tpu.vector_load %arg6[%get3A_47] {strides = array<i32>} : memref<128xi32, #tpu.memory_space<vmem>>, vector<16xi32>,
      %get3A_49 = vector.shape_cast %get3A_48 : vector<16xi32> to vector<16xi32>
      %swap3A_50 = arith.constant 32 : index
      %swap3A_51 = tpu.vector_load %arg8[%swap3A_50] {strides = array<i32>} : memref<128xi32, #tpu.memory_space<vmem>>, vector<16xi32>,
      %swap3A_52 = vector.shape_cast %swap3A_51 : vector<16xi32> to vector<16xi32>
      %swap3A_53 = vector.shape_cast %get3A_49 : vector<16xi32> to vector<16xi32>
      tpu.vector_store %arg8[%swap3A_50], %swap3A_53 {strides = array<i32>} : memref<128xi32, #tpu.memory_space<vmem>>, vector<16xi32>,
      %get3A_54 = arith.constant 48 : index
      %get3A_55 = tpu.vector_load %arg6[%get3A_54] {strides = array<i32>} : memref<128xi32, #tpu.memory_space<vmem>>, vector<16xi32>,
      %get3A_56 = vector.shape_cast %get3A_55 : vector<16xi32> to vector<16xi32>
      %swap3A_57 = arith.constant 48 : index
      %swap3A_58 = tpu.vector_load %arg8[%swap3A_57] {strides = array<i32>} : memref<128xi32, #tpu.memory_space<vmem>>, vector<16xi32>,
      %swap3A_59 = vector.shape_cast %swap3A_58 : vector<16xi32> to vector<16xi32>
      %swap3A_60 = vector.shape_cast %get3A_56 : vector<16xi32> to vector<16xi32>
      tpu.vector_store %arg8[%swap3A_57], %swap3A_60 {strides = array<i32>} : memref<128xi32, #tpu.memory_space<vmem>>, vector<16xi32>,
      %get3A_61 = arith.constant 64 : index
      %get3A_62 = tpu.vector_load %arg6[%get3A_61] {strides = array<i32>} : memref<128xi32, #tpu.memory_space<vmem>>, vector<16xi32>,
      %get3A_63 = vector.shape_cast %get3A_62 : vector<16xi32> to vector<16xi32>
      %swap3A_64 = arith.constant 64 : index
      %swap3A_65 = tpu.vector_load %arg8[%swap3A_64] {strides = array<i32>} : memref<128xi32, #tpu.memory_space<vmem>>, vector<16xi32>,
      %swap3A_66 = vector.shape_cast %swap3A_65 : vector<16xi32> to vector<16xi32>
      %swap3A_67 = vector.shape_cast %get3A_63 : vector<16xi32> to vector<16xi32>
      tpu.vector_store %arg8[%swap3A_64], %swap3A_67 {strides = array<i32>} : memref<128xi32, #tpu.memory_space<vmem>>, vector<16xi32>,
      %get3A_68 = arith.constant 80 : index
      %get3A_69 = tpu.vector_load %arg6[%get3A_68] {strides = array<i32>} : memref<128xi32, #tpu.memory_space<vmem>>, vector<16xi32>,
      %get3A_70 = vector.shape_cast %get3A_69 : vector<16xi32> to vector<16xi32>
      %swap3A_71 = arith.constant 80 : index
      %swap3A_72 = tpu.vector_load %arg8[%swap3A_71] {strides = array<i32>} : memref<128xi32, #tpu.memory_space<vmem>>, vector<16xi32>,
      %swap3A_73 = vector.shape_cast %swap3A_72 : vector<16xi32> to vector<16xi32>
      %swap3A_74 = vector.shape_cast %get3A_70 : vector<16xi32> to vector<16xi32>
      tpu.vector_store %arg8[%swap3A_71], %swap3A_74 {strides = array<i32>} : memref<128xi32, #tpu.memory_space<vmem>>, vector<16xi32>,
      %get3A_75 = arith.constant 96 : index
      %get3A_76 = tpu.vector_load %arg6[%get3A_75] {strides = array<i32>} : memref<128xi32, #tpu.memory_space<vmem>>, vector<16xi32>,
      %get3A_77 = vector.shape_cast %get3A_76 : vector<16xi32> to vector<16xi32>
      %swap3A_78 = arith.constant 96 : index
      %swap3A_79 = tpu.vector_load %arg8[%swap3A_78] {strides = array<i32>} : memref<128xi32, #tpu.memory_space<vmem>>, vector<16xi32>,
      %swap3A_80 = vector.shape_cast %swap3A_79 : vector<16xi32> to vector<16xi32>
      %swap3A_81 = vector.shape_cast %get3A_77 : vector<16xi32> to vector<16xi32>
      tpu.vector_store %arg8[%swap3A_78], %swap3A_81 {strides = array<i32>} : memref<128xi32, #tpu.memory_space<vmem>>, vector<16xi32>,
      %get3A_82 = arith.constant 112 : index
      %get3A_83 = tpu.vector_load %arg6[%get3A_82] {strides = array<i32>} : memref<128xi32, #tpu.memory_space<vmem>>, vector<16xi32>,
      %get3A_84 = vector.shape_cast %get3A_83 : vector<16xi32> to vector<16xi32>
      %swap3A_85 = arith.constant 112 : index
      %swap3A_86 = tpu.vector_load %arg8[%swap3A_85] {strides = array<i32>} : memref<128xi32, #tpu.memory_space<vmem>>, vector<16xi32>,
      %swap3A_87 = vector.shape_cast %swap3A_86 : vector<16xi32> to vector<16xi32>
      %swap3A_88 = vector.shape_cast %get3A_84 : vector<16xi32> to vector<16xi32>
      tpu.vector_store %arg8[%swap3A_85], %swap3A_88 {strides = array<i32>} : memref<128xi32, #tpu.memory_space<vmem>>, vector<16xi32>,
      %add3A_89 = arith.constant 1 : i32
      %add3A_90 = arith.addi %mul3A_26, %add3A_89 : i32
      %lt3A_91 = arith.constant 40 : i32
      %lt3A_92 = arith.cmpi slt, %add3A_90, %lt3A_91 : i32
      %convert_element_type3A_93 = arith.extui %lt3A_92 : i1 to i32
      %cond3A_94 = arith.constant 0 : i32
      %cond3A_95 = arith.cmpi ne, %convert_element_type3A_93, %cond3A_94 : i32
      scf.if %cond3A_95 {
        %add3A_178 = arith.constant 1 : i32
        %add3A_179 = arith.addi %mul3A_26, %add3A_178 : i32
        %mul3A_180 = arith.constant 32 : i32
        %mul3A_181 = arith.muli %add3A_179, %mul3A_180 : i32
        %add3A_182 = arith.addi %add3A, %mul3A_181 : i32
        %mul3A_183 = arith.constant 128 : i32
        %mul3A_184 = arith.muli %add3A_182, %mul3A_183 : i32
        %dma_start3A_185 = tpu.memref_slice %arg2[%mul3A_184] : memref<163840xi32, #tpu.memory_space<hbm>> -> memref<128xi32, #tpu.memory_space<hbm>>
        %dma_start3A_186 = tpu.memref_slice %arg2[%mul3A_184] : memref<163840xi32, #tpu.memory_space<hbm>> -> memref<128xi32, #tpu.memory_space<hbm>>
        tpu.enqueue_dma source(%dma_start3A_186 : memref<128xi32, #tpu.memory_space<hbm>>) target(%arg7 : memref<128xi32, #tpu.memory_space<vmem>>) target_semaphore(%arg13 : memref<!tpu.dma_semaphore, #tpu.memory_space<semaphore_mem>>)
      } else {
      }
      %dma_start3A_96 = arith.constant 0 : i32
      %dma_start3A_97 = arith.constant 0 : i32
      %dma_start3A_98 = tpu.memref_slice %arg16[%dma_start3A_96, %dma_start3A_97] : memref<10128x8xf32, #tpu.memory_space<vmem_shared>> -> memref<10128x8xf32, #tpu.memory_space<vmem_shared>>
      tpu.enqueue_indirect_dma source(%arg10 : memref<128x8xf32, #tpu.memory_space<vmem>>) target(%dma_start3A_98 : memref<10128x8xf32, #tpu.memory_space<vmem_shared>>) offsets(%arg8 : memref<128xi32, #tpu.memory_space<vmem>>) semaphore(%arg14 : memref<!tpu.dma_semaphore, #tpu.memory_space<semaphore_mem>>) {add = true}
      %mul3A_99 = arith.constant 2 : i32
      %mul3A_100 = arith.muli %mul3A_99, %scan3A_24 : i32
      %add3A_101 = arith.constant 1 : i32
      %add3A_102 = arith.addi %mul3A_100, %add3A_101 : i32
      %dma_wait3A_103 = arith.constant 0 : i32
      %dma_wait3A_104 = tpu.memref_slice %arg2[%dma_wait3A_103] : memref<163840xi32, #tpu.memory_space<hbm>> -> memref<128xi32, #tpu.memory_space<hbm>>
      %dma_wait3A_105 = arith.constant 0 : i32
      %dma_wait3A_106 = tpu.memref_slice %arg2[%dma_wait3A_105] : memref<163840xi32, #tpu.memory_space<hbm>> -> memref<128xi32, #tpu.memory_space<hbm>>
      tpu.wait_dma2 semaphore(%arg13 : memref<!tpu.dma_semaphore, #tpu.memory_space<semaphore_mem>>) src(%dma_wait3A_106 : memref<128xi32, #tpu.memory_space<hbm>>) dst(%arg7 : memref<128xi32, #tpu.memory_space<vmem>>)
      %ge3A_107 = arith.constant 2 : i32
      %ge3A_108 = arith.cmpi sge, %add3A_102, %ge3A_107 : i32
      %convert_element_type3A_109 = arith.extui %ge3A_108 : i1 to i32
      %cond3A_110 = arith.constant 0 : i32
      %cond3A_111 = arith.cmpi ne, %convert_element_type3A_109, %cond3A_110 : i32
      scf.if %cond3A_111 {
        %dma_wait3A_178 = arith.constant 0 : i32
        %dma_wait3A_179 = arith.constant 0 : i32
        %dma_wait3A_180 = tpu.memref_slice %arg16[%dma_wait3A_178, %dma_wait3A_179] : memref<10128x8xf32, #tpu.memory_space<vmem_shared>> -> memref<10128x8xf32, #tpu.memory_space<vmem_shared>>
        tpu.wait_indirect_dma semaphore(%arg15 : memref<!tpu.dma_semaphore, #tpu.memory_space<semaphore_mem>>) src(%arg10 : memref<128x8xf32, #tpu.memory_space<vmem>>) dst(%dma_wait3A_180 : memref<10128x8xf32, #tpu.memory_space<vmem_shared>>)
      } else {
      }
      %get3A_112 = arith.constant 0 : index
      %get3A_113 = tpu.vector_load %arg7[%get3A_112] {strides = array<i32>} : memref<128xi32, #tpu.memory_space<vmem>>, vector<16xi32>,
      %get3A_114 = vector.shape_cast %get3A_113 : vector<16xi32> to vector<16xi32>
      %swap3A_115 = arith.constant 0 : index
      %swap3A_116 = tpu.vector_load %arg9[%swap3A_115] {strides = array<i32>} : memref<128xi32, #tpu.memory_space<vmem>>, vector<16xi32>,
      %swap3A_117 = vector.shape_cast %swap3A_116 : vector<16xi32> to vector<16xi32>
      %swap3A_118 = vector.shape_cast %get3A_114 : vector<16xi32> to vector<16xi32>
      tpu.vector_store %arg9[%swap3A_115], %swap3A_118 {strides = array<i32>} : memref<128xi32, #tpu.memory_space<vmem>>, vector<16xi32>,
      %get3A_119 = arith.constant 16 : index
      %get3A_120 = tpu.vector_load %arg7[%get3A_119] {strides = array<i32>} : memref<128xi32, #tpu.memory_space<vmem>>, vector<16xi32>,
      %get3A_121 = vector.shape_cast %get3A_120 : vector<16xi32> to vector<16xi32>
      %swap3A_122 = arith.constant 16 : index
      %swap3A_123 = tpu.vector_load %arg9[%swap3A_122] {strides = array<i32>} : memref<128xi32, #tpu.memory_space<vmem>>, vector<16xi32>,
      %swap3A_124 = vector.shape_cast %swap3A_123 : vector<16xi32> to vector<16xi32>
      %swap3A_125 = vector.shape_cast %get3A_121 : vector<16xi32> to vector<16xi32>
      tpu.vector_store %arg9[%swap3A_122], %swap3A_125 {strides = array<i32>} : memref<128xi32, #tpu.memory_space<vmem>>, vector<16xi32>,
      %get3A_126 = arith.constant 32 : index
      %get3A_127 = tpu.vector_load %arg7[%get3A_126] {strides = array<i32>} : memref<128xi32, #tpu.memory_space<vmem>>, vector<16xi32>,
      %get3A_128 = vector.shape_cast %get3A_127 : vector<16xi32> to vector<16xi32>
      %swap3A_129 = arith.constant 32 : index
      %swap3A_130 = tpu.vector_load %arg9[%swap3A_129] {strides = array<i32>} : memref<128xi32, #tpu.memory_space<vmem>>, vector<16xi32>,
      %swap3A_131 = vector.shape_cast %swap3A_130 : vector<16xi32> to vector<16xi32>
      %swap3A_132 = vector.shape_cast %get3A_128 : vector<16xi32> to vector<16xi32>
      tpu.vector_store %arg9[%swap3A_129], %swap3A_132 {strides = array<i32>} : memref<128xi32, #tpu.memory_space<vmem>>, vector<16xi32>,
      %get3A_133 = arith.constant 48 : index
      %get3A_134 = tpu.vector_load %arg7[%get3A_133] {strides = array<i32>} : memref<128xi32, #tpu.memory_space<vmem>>, vector<16xi32>,
      %get3A_135 = vector.shape_cast %get3A_134 : vector<16xi32> to vector<16xi32>
      %swap3A_136 = arith.constant 48 : index
      %swap3A_137 = tpu.vector_load %arg9[%swap3A_136] {strides = array<i32>} : memref<128xi32, #tpu.memory_space<vmem>>, vector<16xi32>,
      %swap3A_138 = vector.shape_cast %swap3A_137 : vector<16xi32> to vector<16xi32>
      %swap3A_139 = vector.shape_cast %get3A_135 : vector<16xi32> to vector<16xi32>
      tpu.vector_store %arg9[%swap3A_136], %swap3A_139 {strides = array<i32>} : memref<128xi32, #tpu.memory_space<vmem>>, vector<16xi32>,
      %get3A_140 = arith.constant 64 : index
      %get3A_141 = tpu.vector_load %arg7[%get3A_140] {strides = array<i32>} : memref<128xi32, #tpu.memory_space<vmem>>, vector<16xi32>,
      %get3A_142 = vector.shape_cast %get3A_141 : vector<16xi32> to vector<16xi32>
      %swap3A_143 = arith.constant 64 : index
      %swap3A_144 = tpu.vector_load %arg9[%swap3A_143] {strides = array<i32>} : memref<128xi32, #tpu.memory_space<vmem>>, vector<16xi32>,
      %swap3A_145 = vector.shape_cast %swap3A_144 : vector<16xi32> to vector<16xi32>
      %swap3A_146 = vector.shape_cast %get3A_142 : vector<16xi32> to vector<16xi32>
      tpu.vector_store %arg9[%swap3A_143], %swap3A_146 {strides = array<i32>} : memref<128xi32, #tpu.memory_space<vmem>>, vector<16xi32>,
      %get3A_147 = arith.constant 80 : index
      %get3A_148 = tpu.vector_load %arg7[%get3A_147] {strides = array<i32>} : memref<128xi32, #tpu.memory_space<vmem>>, vector<16xi32>,
      %get3A_149 = vector.shape_cast %get3A_148 : vector<16xi32> to vector<16xi32>
      %swap3A_150 = arith.constant 80 : index
      %swap3A_151 = tpu.vector_load %arg9[%swap3A_150] {strides = array<i32>} : memref<128xi32, #tpu.memory_space<vmem>>, vector<16xi32>,
      %swap3A_152 = vector.shape_cast %swap3A_151 : vector<16xi32> to vector<16xi32>
      %swap3A_153 = vector.shape_cast %get3A_149 : vector<16xi32> to vector<16xi32>
      tpu.vector_store %arg9[%swap3A_150], %swap3A_153 {strides = array<i32>} : memref<128xi32, #tpu.memory_space<vmem>>, vector<16xi32>,
      %get3A_154 = arith.constant 96 : index
      %get3A_155 = tpu.vector_load %arg7[%get3A_154] {strides = array<i32>} : memref<128xi32, #tpu.memory_space<vmem>>, vector<16xi32>,
      %get3A_156 = vector.shape_cast %get3A_155 : vector<16xi32> to vector<16xi32>
      %swap3A_157 = arith.constant 96 : index
      %swap3A_158 = tpu.vector_load %arg9[%swap3A_157] {strides = array<i32>} : memref<128xi32, #tpu.memory_space<vmem>>, vector<16xi32>,
      %swap3A_159 = vector.shape_cast %swap3A_158 : vector<16xi32> to vector<16xi32>
      %swap3A_160 = vector.shape_cast %get3A_156 : vector<16xi32> to vector<16xi32>
      tpu.vector_store %arg9[%swap3A_157], %swap3A_160 {strides = array<i32>} : memref<128xi32, #tpu.memory_space<vmem>>, vector<16xi32>,
      %get3A_161 = arith.constant 112 : index
      %get3A_162 = tpu.vector_load %arg7[%get3A_161] {strides = array<i32>} : memref<128xi32, #tpu.memory_space<vmem>>, vector<16xi32>,
      %get3A_163 = vector.shape_cast %get3A_162 : vector<16xi32> to vector<16xi32>
      %swap3A_164 = arith.constant 112 : index
      %swap3A_165 = tpu.vector_load %arg9[%swap3A_164] {strides = array<i32>} : memref<128xi32, #tpu.memory_space<vmem>>, vector<16xi32>,
      %swap3A_166 = vector.shape_cast %swap3A_165 : vector<16xi32> to vector<16xi32>
      %swap3A_167 = vector.shape_cast %get3A_163 : vector<16xi32> to vector<16xi32>
      tpu.vector_store %arg9[%swap3A_164], %swap3A_167 {strides = array<i32>} : memref<128xi32, #tpu.memory_space<vmem>>, vector<16xi32>,
      %add3A_168 = arith.constant 1 : i32
      %add3A_169 = arith.addi %add3A_102, %add3A_168 : i32
      %lt3A_170 = arith.constant 40 : i32
      %lt3A_171 = arith.cmpi slt, %add3A_169, %lt3A_170 : i32
      %convert_element_type3A_172 = arith.extui %lt3A_171 : i1 to i32
      %cond3A_173 = arith.constant 0 : i32
      %cond3A_174 = arith.cmpi ne, %convert_element_type3A_172, %cond3A_173 : i32
      scf.if %cond3A_174 {
        %add3A_178 = arith.constant 1 : i32
        %add3A_179 = arith.addi %add3A_102, %add3A_178 : i32
        %mul3A_180 = arith.constant 32 : i32
        %mul3A_181 = arith.muli %add3A_179, %mul3A_180 : i32
        %add3A_182 = arith.addi %add3A, %mul3A_181 : i32
        %mul3A_183 = arith.constant 128 : i32
        %mul3A_184 = arith.muli %add3A_182, %mul3A_183 : i32
        %dma_start3A_185 = tpu.memref_slice %arg2[%mul3A_184] : memref<163840xi32, #tpu.memory_space<hbm>> -> memref<128xi32, #tpu.memory_space<hbm>>
        %dma_start3A_186 = tpu.memref_slice %arg2[%mul3A_184] : memref<163840xi32, #tpu.memory_space<hbm>> -> memref<128xi32, #tpu.memory_space<hbm>>
        tpu.enqueue_dma source(%dma_start3A_186 : memref<128xi32, #tpu.memory_space<hbm>>) target(%arg6 : memref<128xi32, #tpu.memory_space<vmem>>) target_semaphore(%arg12 : memref<!tpu.dma_semaphore, #tpu.memory_space<semaphore_mem>>)
      } else {
      }
      %dma_start3A_175 = arith.constant 0 : i32
      %dma_start3A_176 = arith.constant 0 : i32
      %dma_start3A_177 = tpu.memref_slice %arg16[%dma_start3A_175, %dma_start3A_176] : memref<10128x8xf32, #tpu.memory_space<vmem_shared>> -> memref<10128x8xf32, #tpu.memory_space<vmem_shared>>
      tpu.enqueue_indirect_dma source(%arg10 : memref<128x8xf32, #tpu.memory_space<vmem>>) target(%dma_start3A_177 : memref<10128x8xf32, #tpu.memory_space<vmem_shared>>) offsets(%arg9 : memref<128xi32, #tpu.memory_space<vmem>>) semaphore(%arg15 : memref<!tpu.dma_semaphore, #tpu.memory_space<semaphore_mem>>) {add = true}
    }
    %scan3A_12 = arith.constant 20 : i32
    %dma_wait3A = arith.constant 0 : i32
    %dma_wait3A_13 = arith.constant 0 : i32
    %dma_wait3A_14 = tpu.memref_slice %arg16[%dma_wait3A, %dma_wait3A_13] : memref<10128x8xf32, #tpu.memory_space<vmem_shared>> -> memref<10128x8xf32, #tpu.memory_space<vmem_shared>>
    tpu.wait_indirect_dma semaphore(%arg14 : memref<!tpu.dma_semaphore, #tpu.memory_space<semaphore_mem>>) src(%arg10 : memref<128x8xf32, #tpu.memory_space<vmem>>) dst(%dma_wait3A_14 : memref<10128x8xf32, #tpu.memory_space<vmem_shared>>)
    %dma_wait3A_15 = arith.constant 0 : i32
    %dma_wait3A_16 = arith.constant 0 : i32
    %dma_wait3A_17 = tpu.memref_slice %arg16[%dma_wait3A_15, %dma_wait3A_16] : memref<10128x8xf32, #tpu.memory_space<vmem_shared>> -> memref<10128x8xf32, #tpu.memory_space<vmem_shared>>
    tpu.wait_indirect_dma semaphore(%arg15 : memref<!tpu.dma_semaphore, #tpu.memory_space<semaphore_mem>>) src(%arg10 : memref<128x8xf32, #tpu.memory_space<vmem>>) dst(%dma_wait3A_17 : memref<10128x8xf32, #tpu.memory_space<vmem_shared>>)
    %barrier3A_18 = arith.constant 0 : index
    tpu.barrier barrier_id(%barrier3A_18)
    %lt3A_19 = arith.constant 10 : i32
    %lt3A_20 = arith.cmpi slt, %arg1, %lt3A_19 : i32
    %convert_element_type3A_21 = arith.extui %lt3A_20 : i1 to i32
    %cond3A_22 = arith.constant 0 : i32
    %cond3A_23 = arith.cmpi ne, %convert_element_type3A_21, %cond3A_22 : i32
    scf.if %cond3A_23 {
      %mul3A_24 = arith.constant 1000 : i32
      %mul3A_25 = arith.muli %arg1, %mul3A_24 : i32
      "tpu.region"() ({
        %run_scoped3A = tpu.sem_alloc : memref<!tpu.dma_semaphore, #tpu.memory_space<semaphore_mem>>
        %dma_start3A_31 = arith.constant 0 : i32
        %dma_start3A_32 = tpu.memref_slice %arg16[%mul3A_25, %dma_start3A_31] : memref<10128x8xf32, #tpu.memory_space<vmem_shared>> -> memref<1000x8xf32, #tpu.memory_space<vmem_shared>>
        %dma_start3A_33 = arith.constant 0 : i32
        %dma_start3A_34 = tpu.memref_slice %arg16[%mul3A_25, %dma_start3A_33] : memref<10128x8xf32, #tpu.memory_space<vmem_shared>> -> memref<1000x8xf32, #tpu.memory_space<vmem_shared>>
        tpu.enqueue_dma source(%dma_start3A_34 : memref<1000x8xf32, #tpu.memory_space<vmem_shared>>) target(%arg11 : memref<1000x8xf32, #tpu.memory_space<vmem>>) target_semaphore(%run_scoped3A : memref<!tpu.dma_semaphore, #tpu.memory_space<semaphore_mem>>)
        %dma_wait3A_35 = arith.constant 0 : i32
        %dma_wait3A_36 = tpu.memref_slice %arg16[%mul3A_25, %dma_wait3A_35] : memref<10128x8xf32, #tpu.memory_space<vmem_shared>> -> memref<1000x8xf32, #tpu.memory_space<vmem_shared>>
        %dma_wait3A_37 = arith.constant 0 : i32
        %dma_wait3A_38 = tpu.memref_slice %arg16[%mul3A_25, %dma_wait3A_37] : memref<10128x8xf32, #tpu.memory_space<vmem_shared>> -> memref<1000x8xf32, #tpu.memory_space<vmem_shared>>
        tpu.wait_dma2 semaphore(%run_scoped3A : memref<!tpu.dma_semaphore, #tpu.memory_space<semaphore_mem>>) src(%dma_wait3A_38 : memref<1000x8xf32, #tpu.memory_space<vmem_shared>>) dst(%arg11 : memref<1000x8xf32, #tpu.memory_space<vmem>>)
        tpu.yield
      }) : () -> ()
      %mul3A_26 = arith.constant 10000 : i32
      %mul3A_27 = arith.muli %arg0, %mul3A_26 : i32
      %mul3A_28 = arith.constant 1000 : i32
      %mul3A_29 = arith.muli %arg1, %mul3A_28 : i32
      %add3A_30 = arith.addi %mul3A_27, %mul3A_29 : i32
      "tpu.region"() ({
        %run_scoped3A = tpu.sem_alloc : memref<!tpu.dma_semaphore, #tpu.memory_space<semaphore_mem>>
        %dma_start3A_31 = arith.constant 0 : i32
        %dma_start3A_32 = tpu.memref_slice %arg5[%add3A_30, %dma_start3A_31] : memref<20000x8xf32, #tpu.memory_space<hbm>> -> memref<1000x8xf32, #tpu.memory_space<hbm>>
        %dma_start3A_33 = arith.constant 0 : i32
        %dma_start3A_34 = tpu.memref_slice %arg5[%add3A_30, %dma_start3A_33] : memref<20000x8xf32, #tpu.memory_space<hbm>> -> memref<1000x8xf32, #tpu.memory_space<hbm>>
        tpu.enqueue_dma source(%arg11 : memref<1000x8xf32, #tpu.memory_space<vmem>>) target(%dma_start3A_34 : memref<1000x8xf32, #tpu.memory_space<hbm>>) target_semaphore(%run_scoped3A : memref<!tpu.dma_semaphore, #tpu.memory_space<semaphore_mem>>)
        %dma_wait3A_35 = arith.constant 0 : i32
        %dma_wait3A_36 = tpu.memref_slice %arg5[%add3A_30, %dma_wait3A_35] : memref<20000x8xf32, #tpu.memory_space<hbm>> -> memref<1000x8xf32, #tpu.memory_space<hbm>>
        %dma_wait3A_37 = arith.constant 0 : i32
        %dma_wait3A_38 = tpu.memref_slice %arg5[%add3A_30, %dma_wait3A_37] : memref<20000x8xf32, #tpu.memory_space<hbm>> -> memref<1000x8xf32, #tpu.memory_space<hbm>>
        tpu.wait_dma2 semaphore(%run_scoped3A : memref<!tpu.dma_semaphore, #tpu.memory_space<semaphore_mem>>) src(%arg11 : memref<1000x8xf32, #tpu.memory_space<vmem>>) dst(%dma_wait3A_38 : memref<1000x8xf32, #tpu.memory_space<hbm>>)
        tpu.yield
      }) : () -> ()
    } else {
    }
    return
  }
}

#map = affine_map<(d0, d1) -> (0, 0)>
#map1 = affine_map<(d0, d1) -> (0)>
module attributes {stable_mosaic.version = 14 : i64} {
  func.func @_s1_kernel(%arg0: i32, %arg1: i32, %arg2: memref<20000x128xf32, #tpu.memory_space<hbm>>, %arg3: memref<163840xi32, #tpu.memory_space<hbm>>, %arg4: memref<163840xi32, #tpu.memory_space<hbm>>, %arg5: memref<125x128xf32, #tpu.memory_space<hbm>>, %arg6: memref<20000x128xf32, #tpu.memory_space<hbm>>, %arg7: memref<80xi32, #tpu.memory_space<vmem>>, %arg8: memref<80xi32, #tpu.memory_space<vmem>>, %arg9: memref<80xi32, #tpu.memory_space<vmem>>, %arg10: memref<80xi32, #tpu.memory_space<vmem>>, %arg11: memref<80xi32, #tpu.memory_space<vmem>>, %arg12: memref<80xi32, #tpu.memory_space<vmem>>, %arg13: memref<80xi32, #tpu.memory_space<vmem>>, %arg14: memref<80xi32, #tpu.memory_space<vmem>>, %arg15: memref<80x128xf32, #tpu.memory_space<vmem>>, %arg16: memref<80x128xf32, #tpu.memory_space<vmem>>, %arg17: memref<125x128xf32, #tpu.memory_space<vmem>>, %arg18: memref<!tpu.dma_semaphore, #tpu.memory_space<semaphore_mem>>, %arg19: memref<!tpu.dma_semaphore, #tpu.memory_space<semaphore_mem>>, %arg20: memref<!tpu.dma_semaphore, #tpu.memory_space<semaphore_mem>>, %arg21: memref<!tpu.dma_semaphore, #tpu.memory_space<semaphore_mem>>, %arg22: memref<!tpu.dma_semaphore, #tpu.memory_space<semaphore_mem>>, %arg23: memref<!tpu.dma_semaphore, #tpu.memory_space<semaphore_mem>>, %arg24: memref<10128x128xf32, #tpu.memory_space<vmem_shared>>) attributes {dimension_semantics = [#tpu.dimension_semantics<core_parallel>, #tpu.dimension_semantics<subcore_parallel>], iteration_bounds = array<i64: 2, 16>, scalar_prefetch = 0 : i64, scratch_operands = 18 : i64, tpu.core_type = #tpu.core_type<sc_vector_subcore>, window_params = [{transform_indices = #map}, {transform_indices = #map1}, {transform_indices = #map1}, {transform_indices = #map}, {transform_indices = #map}]} {
    "tpu.region"() ({
      %run_scoped3A = tpu.sem_alloc : memref<!tpu.dma_semaphore, #tpu.memory_space<semaphore_mem>>
      tpu.enqueue_dma source(%arg5 : memref<125x128xf32, #tpu.memory_space<hbm>>) target(%arg17 : memref<125x128xf32, #tpu.memory_space<vmem>>) target_semaphore(%run_scoped3A : memref<!tpu.dma_semaphore, #tpu.memory_space<semaphore_mem>>)
      tpu.wait_dma2 semaphore(%run_scoped3A : memref<!tpu.dma_semaphore, #tpu.memory_space<semaphore_mem>>) src(%arg5 : memref<125x128xf32, #tpu.memory_space<hbm>>) dst(%arg17 : memref<125x128xf32, #tpu.memory_space<vmem>>)
      tpu.yield
    }) : () -> ()
    %mul3A = arith.constant 625 : i32
    %mul3A_0 = arith.muli %arg1, %mul3A : i32
    %add3A = arith.constant 0 : i32
    %add3A_1 = arith.addi %mul3A_0, %add3A : i32
    "tpu.region"() ({
      %run_scoped3A = tpu.sem_alloc : memref<!tpu.dma_semaphore, #tpu.memory_space<semaphore_mem>>
      %dma_start3A_204 = arith.constant 0 : i32
      %dma_start3A_205 = tpu.memref_slice %arg24[%add3A_1, %dma_start3A_204] : memref<10128x128xf32, #tpu.memory_space<vmem_shared>> -> memref<125x128xf32, #tpu.memory_space<vmem_shared>>
      %dma_start3A_206 = arith.constant 0 : i32
      %dma_start3A_207 = tpu.memref_slice %arg24[%add3A_1, %dma_start3A_206] : memref<10128x128xf32, #tpu.memory_space<vmem_shared>> -> memref<125x128xf32, #tpu.memory_space<vmem_shared>>
      tpu.enqueue_dma source(%arg17 : memref<125x128xf32, #tpu.memory_space<vmem>>) target(%dma_start3A_207 : memref<125x128xf32, #tpu.memory_space<vmem_shared>>) target_semaphore(%run_scoped3A : memref<!tpu.dma_semaphore, #tpu.memory_space<semaphore_mem>>)
      %dma_wait3A_208 = arith.constant 0 : i32
      %dma_wait3A_209 = tpu.memref_slice %arg24[%add3A_1, %dma_wait3A_208] : memref<10128x128xf32, #tpu.memory_space<vmem_shared>> -> memref<125x128xf32, #tpu.memory_space<vmem_shared>>
      %dma_wait3A_210 = arith.constant 0 : i32
      %dma_wait3A_211 = tpu.memref_slice %arg24[%add3A_1, %dma_wait3A_210] : memref<10128x128xf32, #tpu.memory_space<vmem_shared>> -> memref<125x128xf32, #tpu.memory_space<vmem_shared>>
      tpu.wait_dma2 semaphore(%run_scoped3A : memref<!tpu.dma_semaphore, #tpu.memory_space<semaphore_mem>>) src(%arg17 : memref<125x128xf32, #tpu.memory_space<vmem>>) dst(%dma_wait3A_211 : memref<125x128xf32, #tpu.memory_space<vmem_shared>>)
      tpu.yield
    }) : () -> ()
    %mul3A_2 = arith.constant 625 : i32
    %mul3A_3 = arith.muli %arg1, %mul3A_2 : i32
    %add3A_4 = arith.constant 125 : i32
    %add3A_5 = arith.addi %mul3A_3, %add3A_4 : i32
    "tpu.region"() ({
      %run_scoped3A = tpu.sem_alloc : memref<!tpu.dma_semaphore, #tpu.memory_space<semaphore_mem>>
      %dma_start3A_204 = arith.constant 0 : i32
      %dma_start3A_205 = tpu.memref_slice %arg24[%add3A_5, %dma_start3A_204] : memref<10128x128xf32, #tpu.memory_space<vmem_shared>> -> memref<125x128xf32, #tpu.memory_space<vmem_shared>>
      %dma_start3A_206 = arith.constant 0 : i32
      %dma_start3A_207 = tpu.memref_slice %arg24[%add3A_5, %dma_start3A_206] : memref<10128x128xf32, #tpu.memory_space<vmem_shared>> -> memref<125x128xf32, #tpu.memory_space<vmem_shared>>
      tpu.enqueue_dma source(%arg17 : memref<125x128xf32, #tpu.memory_space<vmem>>) target(%dma_start3A_207 : memref<125x128xf32, #tpu.memory_space<vmem_shared>>) target_semaphore(%run_scoped3A : memref<!tpu.dma_semaphore, #tpu.memory_space<semaphore_mem>>)
      %dma_wait3A_208 = arith.constant 0 : i32
      %dma_wait3A_209 = tpu.memref_slice %arg24[%add3A_5, %dma_wait3A_208] : memref<10128x128xf32, #tpu.memory_space<vmem_shared>> -> memref<125x128xf32, #tpu.memory_space<vmem_shared>>
      %dma_wait3A_210 = arith.constant 0 : i32
      %dma_wait3A_211 = tpu.memref_slice %arg24[%add3A_5, %dma_wait3A_210] : memref<10128x128xf32, #tpu.memory_space<vmem_shared>> -> memref<125x128xf32, #tpu.memory_space<vmem_shared>>
      tpu.wait_dma2 semaphore(%run_scoped3A : memref<!tpu.dma_semaphore, #tpu.memory_space<semaphore_mem>>) src(%arg17 : memref<125x128xf32, #tpu.memory_space<vmem>>) dst(%dma_wait3A_211 : memref<125x128xf32, #tpu.memory_space<vmem_shared>>)
      tpu.yield
    }) : () -> ()
    %mul3A_6 = arith.constant 625 : i32
    %mul3A_7 = arith.muli %arg1, %mul3A_6 : i32
    %add3A_8 = arith.constant 250 : i32
    %add3A_9 = arith.addi %mul3A_7, %add3A_8 : i32
    "tpu.region"() ({
      %run_scoped3A = tpu.sem_alloc : memref<!tpu.dma_semaphore, #tpu.memory_space<semaphore_mem>>
      %dma_start3A_204 = arith.constant 0 : i32
      %dma_start3A_205 = tpu.memref_slice %arg24[%add3A_9, %dma_start3A_204] : memref<10128x128xf32, #tpu.memory_space<vmem_shared>> -> memref<125x128xf32, #tpu.memory_space<vmem_shared>>
      %dma_start3A_206 = arith.constant 0 : i32
      %dma_start3A_207 = tpu.memref_slice %arg24[%add3A_9, %dma_start3A_206] : memref<10128x128xf32, #tpu.memory_space<vmem_shared>> -> memref<125x128xf32, #tpu.memory_space<vmem_shared>>
      tpu.enqueue_dma source(%arg17 : memref<125x128xf32, #tpu.memory_space<vmem>>) target(%dma_start3A_207 : memref<125x128xf32, #tpu.memory_space<vmem_shared>>) target_semaphore(%run_scoped3A : memref<!tpu.dma_semaphore, #tpu.memory_space<semaphore_mem>>)
      %dma_wait3A_208 = arith.constant 0 : i32
      %dma_wait3A_209 = tpu.memref_slice %arg24[%add3A_9, %dma_wait3A_208] : memref<10128x128xf32, #tpu.memory_space<vmem_shared>> -> memref<125x128xf32, #tpu.memory_space<vmem_shared>>
      %dma_wait3A_210 = arith.constant 0 : i32
      %dma_wait3A_211 = tpu.memref_slice %arg24[%add3A_9, %dma_wait3A_210] : memref<10128x128xf32, #tpu.memory_space<vmem_shared>> -> memref<125x128xf32, #tpu.memory_space<vmem_shared>>
      tpu.wait_dma2 semaphore(%run_scoped3A : memref<!tpu.dma_semaphore, #tpu.memory_space<semaphore_mem>>) src(%arg17 : memref<125x128xf32, #tpu.memory_space<vmem>>) dst(%dma_wait3A_211 : memref<125x128xf32, #tpu.memory_space<vmem_shared>>)
      tpu.yield
    }) : () -> ()
    %mul3A_10 = arith.constant 625 : i32
    %mul3A_11 = arith.muli %arg1, %mul3A_10 : i32
    %add3A_12 = arith.constant 375 : i32
    %add3A_13 = arith.addi %mul3A_11, %add3A_12 : i32
    "tpu.region"() ({
      %run_scoped3A = tpu.sem_alloc : memref<!tpu.dma_semaphore, #tpu.memory_space<semaphore_mem>>
      %dma_start3A_204 = arith.constant 0 : i32
      %dma_start3A_205 = tpu.memref_slice %arg24[%add3A_13, %dma_start3A_204] : memref<10128x128xf32, #tpu.memory_space<vmem_shared>> -> memref<125x128xf32, #tpu.memory_space<vmem_shared>>
      %dma_start3A_206 = arith.constant 0 : i32
      %dma_start3A_207 = tpu.memref_slice %arg24[%add3A_13, %dma_start3A_206] : memref<10128x128xf32, #tpu.memory_space<vmem_shared>> -> memref<125x128xf32, #tpu.memory_space<vmem_shared>>
      tpu.enqueue_dma source(%arg17 : memref<125x128xf32, #tpu.memory_space<vmem>>) target(%dma_start3A_207 : memref<125x128xf32, #tpu.memory_space<vmem_shared>>) target_semaphore(%run_scoped3A : memref<!tpu.dma_semaphore, #tpu.memory_space<semaphore_mem>>)
      %dma_wait3A_208 = arith.constant 0 : i32
      %dma_wait3A_209 = tpu.memref_slice %arg24[%add3A_13, %dma_wait3A_208] : memref<10128x128xf32, #tpu.memory_space<vmem_shared>> -> memref<125x128xf32, #tpu.memory_space<vmem_shared>>
      %dma_wait3A_210 = arith.constant 0 : i32
      %dma_wait3A_211 = tpu.memref_slice %arg24[%add3A_13, %dma_wait3A_210] : memref<10128x128xf32, #tpu.memory_space<vmem_shared>> -> memref<125x128xf32, #tpu.memory_space<vmem_shared>>
      tpu.wait_dma2 semaphore(%run_scoped3A : memref<!tpu.dma_semaphore, #tpu.memory_space<semaphore_mem>>) src(%arg17 : memref<125x128xf32, #tpu.memory_space<vmem>>) dst(%dma_wait3A_211 : memref<125x128xf32, #tpu.memory_space<vmem_shared>>)
      tpu.yield
    }) : () -> ()
    %mul3A_14 = arith.constant 625 : i32
    %mul3A_15 = arith.muli %arg1, %mul3A_14 : i32
    %add3A_16 = arith.constant 500 : i32
    %add3A_17 = arith.addi %mul3A_15, %add3A_16 : i32
    "tpu.region"() ({
      %run_scoped3A = tpu.sem_alloc : memref<!tpu.dma_semaphore, #tpu.memory_space<semaphore_mem>>
      %dma_start3A_204 = arith.constant 0 : i32
      %dma_start3A_205 = tpu.memref_slice %arg24[%add3A_17, %dma_start3A_204] : memref<10128x128xf32, #tpu.memory_space<vmem_shared>> -> memref<125x128xf32, #tpu.memory_space<vmem_shared>>
      %dma_start3A_206 = arith.constant 0 : i32
      %dma_start3A_207 = tpu.memref_slice %arg24[%add3A_17, %dma_start3A_206] : memref<10128x128xf32, #tpu.memory_space<vmem_shared>> -> memref<125x128xf32, #tpu.memory_space<vmem_shared>>
      tpu.enqueue_dma source(%arg17 : memref<125x128xf32, #tpu.memory_space<vmem>>) target(%dma_start3A_207 : memref<125x128xf32, #tpu.memory_space<vmem_shared>>) target_semaphore(%run_scoped3A : memref<!tpu.dma_semaphore, #tpu.memory_space<semaphore_mem>>)
      %dma_wait3A_208 = arith.constant 0 : i32
      %dma_wait3A_209 = tpu.memref_slice %arg24[%add3A_17, %dma_wait3A_208] : memref<10128x128xf32, #tpu.memory_space<vmem_shared>> -> memref<125x128xf32, #tpu.memory_space<vmem_shared>>
      %dma_wait3A_210 = arith.constant 0 : i32
      %dma_wait3A_211 = tpu.memref_slice %arg24[%add3A_17, %dma_wait3A_210] : memref<10128x128xf32, #tpu.memory_space<vmem_shared>> -> memref<125x128xf32, #tpu.memory_space<vmem_shared>>
      tpu.wait_dma2 semaphore(%run_scoped3A : memref<!tpu.dma_semaphore, #tpu.memory_space<semaphore_mem>>) src(%arg17 : memref<125x128xf32, #tpu.memory_space<vmem>>) dst(%dma_wait3A_211 : memref<125x128xf32, #tpu.memory_space<vmem_shared>>)
      tpu.yield
    }) : () -> ()
    %barrier3A = arith.constant 0 : index
    tpu.barrier barrier_id(%barrier3A)
    %mul3A_18 = arith.constant 10000 : i32
    %mul3A_19 = arith.muli %arg0, %mul3A_18 : i32
    %add3A_20 = arith.constant 0 : i32
    %add3A_21 = arith.addi %arg1, %add3A_20 : i32
    %mul3A_22 = arith.constant 80 : i32
    %mul3A_23 = arith.muli %add3A_21, %mul3A_22 : i32
    %dma_start3A = tpu.memref_slice %arg3[%mul3A_23] : memref<163840xi32, #tpu.memory_space<hbm>> -> memref<80xi32, #tpu.memory_space<hbm>>
    %dma_start3A_24 = tpu.memref_slice %arg3[%mul3A_23] : memref<163840xi32, #tpu.memory_space<hbm>> -> memref<80xi32, #tpu.memory_space<hbm>>
    tpu.enqueue_dma source(%dma_start3A_24 : memref<80xi32, #tpu.memory_space<hbm>>) target(%arg7 : memref<80xi32, #tpu.memory_space<vmem>>) target_semaphore(%arg18 : memref<!tpu.dma_semaphore, #tpu.memory_space<semaphore_mem>>)
    %add3A_25 = arith.constant 0 : i32
    %add3A_26 = arith.addi %arg1, %add3A_25 : i32
    %mul3A_27 = arith.constant 80 : i32
    %mul3A_28 = arith.muli %add3A_26, %mul3A_27 : i32
    %dma_start3A_29 = tpu.memref_slice %arg4[%mul3A_28] : memref<163840xi32, #tpu.memory_space<hbm>> -> memref<80xi32, #tpu.memory_space<hbm>>
    %dma_start3A_30 = tpu.memref_slice %arg4[%mul3A_28] : memref<163840xi32, #tpu.memory_space<hbm>> -> memref<80xi32, #tpu.memory_space<hbm>>
    tpu.enqueue_dma source(%dma_start3A_30 : memref<80xi32, #tpu.memory_space<hbm>>) target(%arg9 : memref<80xi32, #tpu.memory_space<vmem>>) target_semaphore(%arg18 : memref<!tpu.dma_semaphore, #tpu.memory_space<semaphore_mem>>)
    %dma_wait3A = arith.constant 0 : i32
    %dma_wait3A_31 = tpu.memref_slice %arg3[%dma_wait3A] : memref<163840xi32, #tpu.memory_space<hbm>> -> memref<80xi32, #tpu.memory_space<hbm>>
    %dma_wait3A_32 = arith.constant 0 : i32
    %dma_wait3A_33 = tpu.memref_slice %arg3[%dma_wait3A_32] : memref<163840xi32, #tpu.memory_space<hbm>> -> memref<80xi32, #tpu.memory_space<hbm>>
    tpu.wait_dma2 semaphore(%arg18 : memref<!tpu.dma_semaphore, #tpu.memory_space<semaphore_mem>>) src(%dma_wait3A_33 : memref<80xi32, #tpu.memory_space<hbm>>) dst(%arg7 : memref<80xi32, #tpu.memory_space<vmem>>)
    %dma_wait3A_34 = arith.constant 0 : i32
    %dma_wait3A_35 = tpu.memref_slice %arg4[%dma_wait3A_34] : memref<163840xi32, #tpu.memory_space<hbm>> -> memref<80xi32, #tpu.memory_space<hbm>>
    %dma_wait3A_36 = arith.constant 0 : i32
    %dma_wait3A_37 = tpu.memref_slice %arg4[%dma_wait3A_36] : memref<163840xi32, #tpu.memory_space<hbm>> -> memref<80xi32, #tpu.memory_space<hbm>>
    tpu.wait_dma2 semaphore(%arg18 : memref<!tpu.dma_semaphore, #tpu.memory_space<semaphore_mem>>) src(%dma_wait3A_37 : memref<80xi32, #tpu.memory_space<hbm>>) dst(%arg9 : memref<80xi32, #tpu.memory_space<vmem>>)
    %get3A = arith.constant 0 : index
    %get3A_38 = tpu.vector_load %arg7[%get3A] {strides = array<i32>} : memref<80xi32, #tpu.memory_space<vmem>>, vector<16xi32>,
    %get3A_39 = vector.shape_cast %get3A_38 : vector<16xi32> to vector<16xi32>
    %add3A_40 = vector.broadcast %mul3A_19 : i32 to vector<16xi32>
    %add3A_41 = arith.addi %get3A_39, %add3A_40 : vector<16xi32>
    %swap3A = arith.constant 0 : index
    %swap3A_42 = tpu.vector_load %arg11[%swap3A] {strides = array<i32>} : memref<80xi32, #tpu.memory_space<vmem>>, vector<16xi32>,
    %swap3A_43 = vector.shape_cast %swap3A_42 : vector<16xi32> to vector<16xi32>
    %swap3A_44 = vector.shape_cast %add3A_41 : vector<16xi32> to vector<16xi32>
    tpu.vector_store %arg11[%swap3A], %swap3A_44 {strides = array<i32>} : memref<80xi32, #tpu.memory_space<vmem>>, vector<16xi32>,
    %get3A_45 = arith.constant 16 : index
    %get3A_46 = tpu.vector_load %arg7[%get3A_45] {strides = array<i32>} : memref<80xi32, #tpu.memory_space<vmem>>, vector<16xi32>,
    %get3A_47 = vector.shape_cast %get3A_46 : vector<16xi32> to vector<16xi32>
    %add3A_48 = vector.broadcast %mul3A_19 : i32 to vector<16xi32>
    %add3A_49 = arith.addi %get3A_47, %add3A_48 : vector<16xi32>
    %swap3A_50 = arith.constant 16 : index
    %swap3A_51 = tpu.vector_load %arg11[%swap3A_50] {strides = array<i32>} : memref<80xi32, #tpu.memory_space<vmem>>, vector<16xi32>,
    %swap3A_52 = vector.shape_cast %swap3A_51 : vector<16xi32> to vector<16xi32>
    %swap3A_53 = vector.shape_cast %add3A_49 : vector<16xi32> to vector<16xi32>
    tpu.vector_store %arg11[%swap3A_50], %swap3A_53 {strides = array<i32>} : memref<80xi32, #tpu.memory_space<vmem>>, vector<16xi32>,
    %get3A_54 = arith.constant 32 : index
    %get3A_55 = tpu.vector_load %arg7[%get3A_54] {strides = array<i32>} : memref<80xi32, #tpu.memory_space<vmem>>, vector<16xi32>,
    %get3A_56 = vector.shape_cast %get3A_55 : vector<16xi32> to vector<16xi32>
    %add3A_57 = vector.broadcast %mul3A_19 : i32 to vector<16xi32>
    %add3A_58 = arith.addi %get3A_56, %add3A_57 : vector<16xi32>
    %swap3A_59 = arith.constant 32 : index
    %swap3A_60 = tpu.vector_load %arg11[%swap3A_59] {strides = array<i32>} : memref<80xi32, #tpu.memory_space<vmem>>, vector<16xi32>,
    %swap3A_61 = vector.shape_cast %swap3A_60 : vector<16xi32> to vector<16xi32>
    %swap3A_62 = vector.shape_cast %add3A_58 : vector<16xi32> to vector<16xi32>
    tpu.vector_store %arg11[%swap3A_59], %swap3A_62 {strides = array<i32>} : memref<80xi32, #tpu.memory_space<vmem>>, vector<16xi32>,
    %get3A_63 = arith.constant 48 : index
    %get3A_64 = tpu.vector_load %arg7[%get3A_63] {strides = array<i32>} : memref<80xi32, #tpu.memory_space<vmem>>, vector<16xi32>,
    %get3A_65 = vector.shape_cast %get3A_64 : vector<16xi32> to vector<16xi32>
    %add3A_66 = vector.broadcast %mul3A_19 : i32 to vector<16xi32>
    %add3A_67 = arith.addi %get3A_65, %add3A_66 : vector<16xi32>
    %swap3A_68 = arith.constant 48 : index
    %swap3A_69 = tpu.vector_load %arg11[%swap3A_68] {strides = array<i32>} : memref<80xi32, #tpu.memory_space<vmem>>, vector<16xi32>,
    %swap3A_70 = vector.shape_cast %swap3A_69 : vector<16xi32> to vector<16xi32>
    %swap3A_71 = vector.shape_cast %add3A_67 : vector<16xi32> to vector<16xi32>
    tpu.vector_store %arg11[%swap3A_68], %swap3A_71 {strides = array<i32>} : memref<80xi32, #tpu.memory_space<vmem>>, vector<16xi32>,
    %get3A_72 = arith.constant 64 : index
    %get3A_73 = tpu.vector_load %arg7[%get3A_72] {strides = array<i32>} : memref<80xi32, #tpu.memory_space<vmem>>, vector<16xi32>,
    %get3A_74 = vector.shape_cast %get3A_73 : vector<16xi32> to vector<16xi32>
    %add3A_75 = vector.broadcast %mul3A_19 : i32 to vector<16xi32>
    %add3A_76 = arith.addi %get3A_74, %add3A_75 : vector<16xi32>
    %swap3A_77 = arith.constant 64 : index
    %swap3A_78 = tpu.vector_load %arg11[%swap3A_77] {strides = array<i32>} : memref<80xi32, #tpu.memory_space<vmem>>, vector<16xi32>,
    %swap3A_79 = vector.shape_cast %swap3A_78 : vector<16xi32> to vector<16xi32>
    %swap3A_80 = vector.shape_cast %add3A_76 : vector<16xi32> to vector<16xi32>
    tpu.vector_store %arg11[%swap3A_77], %swap3A_80 {strides = array<i32>} : memref<80xi32, #tpu.memory_space<vmem>>, vector<16xi32>,
    %dma_start3A_81 = arith.constant 0 : i32
    %dma_start3A_82 = arith.constant 0 : i32
    %dma_start3A_83 = tpu.memref_slice %arg2[%dma_start3A_81, %dma_start3A_82] : memref<20000x128xf32, #tpu.memory_space<hbm>> -> memref<20000x128xf32, #tpu.memory_space<hbm>>
    tpu.enqueue_indirect_dma source(%dma_start3A_83 : memref<20000x128xf32, #tpu.memory_space<hbm>>) target(%arg15 : memref<80x128xf32, #tpu.memory_space<vmem>>) offsets(%arg11 : memref<80xi32, #tpu.memory_space<vmem>>) semaphore(%arg20 : memref<!tpu.dma_semaphore, #tpu.memory_space<semaphore_mem>>)
    %add3A_84 = arith.constant 16 : i32
    %add3A_85 = arith.addi %arg1, %add3A_84 : i32
    %mul3A_86 = arith.constant 80 : i32
    %mul3A_87 = arith.muli %add3A_85, %mul3A_86 : i32
    %dma_start3A_88 = tpu.memref_slice %arg3[%mul3A_87] : memref<163840xi32, #tpu.memory_space<hbm>> -> memref<80xi32, #tpu.memory_space<hbm>>
    %dma_start3A_89 = tpu.memref_slice %arg3[%mul3A_87] : memref<163840xi32, #tpu.memory_space<hbm>> -> memref<80xi32, #tpu.memory_space<hbm>>
    tpu.enqueue_dma source(%dma_start3A_89 : memref<80xi32, #tpu.memory_space<hbm>>) target(%arg8 : memref<80xi32, #tpu.memory_space<vmem>>) target_semaphore(%arg19 : memref<!tpu.dma_semaphore, #tpu.memory_space<semaphore_mem>>)
    %add3A_90 = arith.constant 16 : i32
    %add3A_91 = arith.addi %arg1, %add3A_90 : i32
    %mul3A_92 = arith.constant 80 : i32
    %mul3A_93 = arith.muli %add3A_91, %mul3A_92 : i32
    %dma_start3A_94 = tpu.memref_slice %arg4[%mul3A_93] : memref<163840xi32, #tpu.memory_space<hbm>> -> memref<80xi32, #tpu.memory_space<hbm>>
    %dma_start3A_95 = tpu.memref_slice %arg4[%mul3A_93] : memref<163840xi32, #tpu.memory_space<hbm>> -> memref<80xi32, #tpu.memory_space<hbm>>
    tpu.enqueue_dma source(%dma_start3A_95 : memref<80xi32, #tpu.memory_space<hbm>>) target(%arg10 : memref<80xi32, #tpu.memory_space<vmem>>) target_semaphore(%arg19 : memref<!tpu.dma_semaphore, #tpu.memory_space<semaphore_mem>>)
    %scan3A = arith.constant 0 : i32
    %scan3A_96 = arith.constant 0 : i32
    %scan3A_97 = arith.constant 62 : i32
    %scan3A_98 = arith.addi %scan3A_96, %scan3A_97 : i32
    %scan3A_99 = arith.constant 1 : i32
    scf.for %scan3A_204 = %scan3A_96 to %scan3A_98 step %scan3A_99  : i32 {
      %mul3A_205 = arith.constant 2 : i32
      %mul3A_206 = arith.muli %mul3A_205, %scan3A_204 : i32
      %dma_wait3A_207 = arith.constant 0 : i32
      %dma_wait3A_208 = arith.constant 0 : i32
      %dma_wait3A_209 = tpu.memref_slice %arg2[%dma_wait3A_207, %dma_wait3A_208] : memref<20000x128xf32, #tpu.memory_space<hbm>> -> memref<20000x128xf32, #tpu.memory_space<hbm>>
      tpu.wait_indirect_dma semaphore(%arg20 : memref<!tpu.dma_semaphore, #tpu.memory_space<semaphore_mem>>) src(%dma_wait3A_209 : memref<20000x128xf32, #tpu.memory_space<hbm>>) dst(%arg15 : memref<80x128xf32, #tpu.memory_space<vmem>>)
      %get3A_210 = arith.constant 0 : index
      %get3A_211 = tpu.vector_load %arg9[%get3A_210] {strides = array<i32>} : memref<80xi32, #tpu.memory_space<vmem>>, vector<16xi32>,
      %get3A_212 = vector.shape_cast %get3A_211 : vector<16xi32> to vector<16xi32>
      %swap3A_213 = arith.constant 0 : index
      %swap3A_214 = tpu.vector_load %arg13[%swap3A_213] {strides = array<i32>} : memref<80xi32, #tpu.memory_space<vmem>>, vector<16xi32>,
      %swap3A_215 = vector.shape_cast %swap3A_214 : vector<16xi32> to vector<16xi32>
      %swap3A_216 = vector.shape_cast %get3A_212 : vector<16xi32> to vector<16xi32>
      tpu.vector_store %arg13[%swap3A_213], %swap3A_216 {strides = array<i32>} : memref<80xi32, #tpu.memory_space<vmem>>, vector<16xi32>,
      %get3A_217 = arith.constant 16 : index
      %get3A_218 = tpu.vector_load %arg9[%get3A_217] {strides = array<i32>} : memref<80xi32, #tpu.memory_space<vmem>>, vector<16xi32>,
      %get3A_219 = vector.shape_cast %get3A_218 : vector<16xi32> to vector<16xi32>
      %swap3A_220 = arith.constant 16 : index
      %swap3A_221 = tpu.vector_load %arg13[%swap3A_220] {strides = array<i32>} : memref<80xi32, #tpu.memory_space<vmem>>, vector<16xi32>,
      %swap3A_222 = vector.shape_cast %swap3A_221 : vector<16xi32> to vector<16xi32>
      %swap3A_223 = vector.shape_cast %get3A_219 : vector<16xi32> to vector<16xi32>
      tpu.vector_store %arg13[%swap3A_220], %swap3A_223 {strides = array<i32>} : memref<80xi32, #tpu.memory_space<vmem>>, vector<16xi32>,
      %get3A_224 = arith.constant 32 : index
      %get3A_225 = tpu.vector_load %arg9[%get3A_224] {strides = array<i32>} : memref<80xi32, #tpu.memory_space<vmem>>, vector<16xi32>,
      %get3A_226 = vector.shape_cast %get3A_225 : vector<16xi32> to vector<16xi32>
      %swap3A_227 = arith.constant 32 : index
      %swap3A_228 = tpu.vector_load %arg13[%swap3A_227] {strides = array<i32>} : memref<80xi32, #tpu.memory_space<vmem>>, vector<16xi32>,
      %swap3A_229 = vector.shape_cast %swap3A_228 : vector<16xi32> to vector<16xi32>
      %swap3A_230 = vector.shape_cast %get3A_226 : vector<16xi32> to vector<16xi32>
      tpu.vector_store %arg13[%swap3A_227], %swap3A_230 {strides = array<i32>} : memref<80xi32, #tpu.memory_space<vmem>>, vector<16xi32>,
      %get3A_231 = arith.constant 48 : index
      %get3A_232 = tpu.vector_load %arg9[%get3A_231] {strides = array<i32>} : memref<80xi32, #tpu.memory_space<vmem>>, vector<16xi32>,
      %get3A_233 = vector.shape_cast %get3A_232 : vector<16xi32> to vector<16xi32>
      %swap3A_234 = arith.constant 48 : index
      %swap3A_235 = tpu.vector_load %arg13[%swap3A_234] {strides = array<i32>} : memref<80xi32, #tpu.memory_space<vmem>>, vector<16xi32>,
      %swap3A_236 = vector.shape_cast %swap3A_235 : vector<16xi32> to vector<16xi32>
      %swap3A_237 = vector.shape_cast %get3A_233 : vector<16xi32> to vector<16xi32>
      tpu.vector_store %arg13[%swap3A_234], %swap3A_237 {strides = array<i32>} : memref<80xi32, #tpu.memory_space<vmem>>, vector<16xi32>,
      %get3A_238 = arith.constant 64 : index
      %get3A_239 = tpu.vector_load %arg9[%get3A_238] {strides = array<i32>} : memref<80xi32, #tpu.memory_space<vmem>>, vector<16xi32>,
      %get3A_240 = vector.shape_cast %get3A_239 : vector<16xi32> to vector<16xi32>
      %swap3A_241 = arith.constant 64 : index
      %swap3A_242 = tpu.vector_load %arg13[%swap3A_241] {strides = array<i32>} : memref<80xi32, #tpu.memory_space<vmem>>, vector<16xi32>,
      %swap3A_243 = vector.shape_cast %swap3A_242 : vector<16xi32> to vector<16xi32>
      %swap3A_244 = vector.shape_cast %get3A_240 : vector<16xi32> to vector<16xi32>
      tpu.vector_store %arg13[%swap3A_241], %swap3A_244 {strides = array<i32>} : memref<80xi32, #tpu.memory_space<vmem>>, vector<16xi32>,
      %add3A_245 = arith.constant 1 : i32
      %add3A_246 = arith.addi %mul3A_206, %add3A_245 : i32
      %lt3A = arith.constant 125 : i32
      %lt3A_247 = arith.cmpi slt, %add3A_246, %lt3A : i32
      %convert_element_type3A = arith.extui %lt3A_247 : i1 to i32
      %cond3A = arith.constant 0 : i32
      %cond3A_248 = arith.cmpi ne, %convert_element_type3A, %cond3A : i32
      scf.if %cond3A_248 {
        %dma_wait3A_318 = arith.constant 0 : i32
        %dma_wait3A_319 = tpu.memref_slice %arg3[%dma_wait3A_318] : memref<163840xi32, #tpu.memory_space<hbm>> -> memref<80xi32, #tpu.memory_space<hbm>>
        %dma_wait3A_320 = arith.constant 0 : i32
        %dma_wait3A_321 = tpu.memref_slice %arg3[%dma_wait3A_320] : memref<163840xi32, #tpu.memory_space<hbm>> -> memref<80xi32, #tpu.memory_space<hbm>>
        tpu.wait_dma2 semaphore(%arg19 : memref<!tpu.dma_semaphore, #tpu.memory_space<semaphore_mem>>) src(%dma_wait3A_321 : memref<80xi32, #tpu.memory_space<hbm>>) dst(%arg8 : memref<80xi32, #tpu.memory_space<vmem>>)
        %dma_wait3A_322 = arith.constant 0 : i32
        %dma_wait3A_323 = tpu.memref_slice %arg4[%dma_wait3A_322] : memref<163840xi32, #tpu.memory_space<hbm>> -> memref<80xi32, #tpu.memory_space<hbm>>
        %dma_wait3A_324 = arith.constant 0 : i32
        %dma_wait3A_325 = tpu.memref_slice %arg4[%dma_wait3A_324] : memref<163840xi32, #tpu.memory_space<hbm>> -> memref<80xi32, #tpu.memory_space<hbm>>
        tpu.wait_dma2 semaphore(%arg19 : memref<!tpu.dma_semaphore, #tpu.memory_space<semaphore_mem>>) src(%dma_wait3A_325 : memref<80xi32, #tpu.memory_space<hbm>>) dst(%arg10 : memref<80xi32, #tpu.memory_space<vmem>>)
        %ge3A = arith.constant 1 : i32
        %ge3A_326 = arith.cmpi sge, %mul3A_206, %ge3A : i32
        %convert_element_type3A_327 = arith.extui %ge3A_326 : i1 to i32
        %cond3A_328 = arith.constant 0 : i32
        %cond3A_329 = arith.cmpi ne, %convert_element_type3A_327, %cond3A_328 : i32
        scf.if %cond3A_329 {
          %dma_wait3A_380 = arith.constant 0 : i32
          %dma_wait3A_381 = arith.constant 0 : i32
          %dma_wait3A_382 = tpu.memref_slice %arg24[%dma_wait3A_380, %dma_wait3A_381] : memref<10128x128xf32, #tpu.memory_space<vmem_shared>> -> memref<10128x128xf32, #tpu.memory_space<vmem_shared>>
          tpu.wait_indirect_dma semaphore(%arg23 : memref<!tpu.dma_semaphore, #tpu.memory_space<semaphore_mem>>) src(%arg16 : memref<80x128xf32, #tpu.memory_space<vmem>>) dst(%dma_wait3A_382 : memref<10128x128xf32, #tpu.memory_space<vmem_shared>>)
        } else {
        }
        %add3A_330 = arith.constant 1 : i32
        %add3A_331 = arith.addi %mul3A_206, %add3A_330 : i32
        %get3A_332 = arith.constant 0 : index
        %get3A_333 = tpu.vector_load %arg8[%get3A_332] {strides = array<i32>} : memref<80xi32, #tpu.memory_space<vmem>>, vector<16xi32>,
        %get3A_334 = vector.shape_cast %get3A_333 : vector<16xi32> to vector<16xi32>
        %add3A_335 = vector.broadcast %mul3A_19 : i32 to vector<16xi32>
        %add3A_336 = arith.addi %get3A_334, %add3A_335 : vector<16xi32>
        %swap3A_337 = arith.constant 0 : index
        %swap3A_338 = tpu.vector_load %arg12[%swap3A_337] {strides = array<i32>} : memref<80xi32, #tpu.memory_space<vmem>>, vector<16xi32>,
        %swap3A_339 = vector.shape_cast %swap3A_338 : vector<16xi32> to vector<16xi32>
        %swap3A_340 = vector.shape_cast %add3A_336 : vector<16xi32> to vector<16xi32>
        tpu.vector_store %arg12[%swap3A_337], %swap3A_340 {strides = array<i32>} : memref<80xi32, #tpu.memory_space<vmem>>, vector<16xi32>,
        %get3A_341 = arith.constant 16 : index
        %get3A_342 = tpu.vector_load %arg8[%get3A_341] {strides = array<i32>} : memref<80xi32, #tpu.memory_space<vmem>>, vector<16xi32>,
        %get3A_343 = vector.shape_cast %get3A_342 : vector<16xi32> to vector<16xi32>
        %add3A_344 = vector.broadcast %mul3A_19 : i32 to vector<16xi32>
        %add3A_345 = arith.addi %get3A_343, %add3A_344 : vector<16xi32>
        %swap3A_346 = arith.constant 16 : index
        %swap3A_347 = tpu.vector_load %arg12[%swap3A_346] {strides = array<i32>} : memref<80xi32, #tpu.memory_space<vmem>>, vector<16xi32>,
        %swap3A_348 = vector.shape_cast %swap3A_347 : vector<16xi32> to vector<16xi32>
        %swap3A_349 = vector.shape_cast %add3A_345 : vector<16xi32> to vector<16xi32>
        tpu.vector_store %arg12[%swap3A_346], %swap3A_349 {strides = array<i32>} : memref<80xi32, #tpu.memory_space<vmem>>, vector<16xi32>,
        %get3A_350 = arith.constant 32 : index
        %get3A_351 = tpu.vector_load %arg8[%get3A_350] {strides = array<i32>} : memref<80xi32, #tpu.memory_space<vmem>>, vector<16xi32>,
        %get3A_352 = vector.shape_cast %get3A_351 : vector<16xi32> to vector<16xi32>
        %add3A_353 = vector.broadcast %mul3A_19 : i32 to vector<16xi32>
        %add3A_354 = arith.addi %get3A_352, %add3A_353 : vector<16xi32>
        %swap3A_355 = arith.constant 32 : index
        %swap3A_356 = tpu.vector_load %arg12[%swap3A_355] {strides = array<i32>} : memref<80xi32, #tpu.memory_space<vmem>>, vector<16xi32>,
        %swap3A_357 = vector.shape_cast %swap3A_356 : vector<16xi32> to vector<16xi32>
        %swap3A_358 = vector.shape_cast %add3A_354 : vector<16xi32> to vector<16xi32>
        tpu.vector_store %arg12[%swap3A_355], %swap3A_358 {strides = array<i32>} : memref<80xi32, #tpu.memory_space<vmem>>, vector<16xi32>,
        %get3A_359 = arith.constant 48 : index
        %get3A_360 = tpu.vector_load %arg8[%get3A_359] {strides = array<i32>} : memref<80xi32, #tpu.memory_space<vmem>>, vector<16xi32>,
        %get3A_361 = vector.shape_cast %get3A_360 : vector<16xi32> to vector<16xi32>
        %add3A_362 = vector.broadcast %mul3A_19 : i32 to vector<16xi32>
        %add3A_363 = arith.addi %get3A_361, %add3A_362 : vector<16xi32>
        %swap3A_364 = arith.constant 48 : index
        %swap3A_365 = tpu.vector_load %arg12[%swap3A_364] {strides = array<i32>} : memref<80xi32, #tpu.memory_space<vmem>>, vector<16xi32>,
        %swap3A_366 = vector.shape_cast %swap3A_365 : vector<16xi32> to vector<16xi32>
        %swap3A_367 = vector.shape_cast %add3A_363 : vector<16xi32> to vector<16xi32>
        tpu.vector_store %arg12[%swap3A_364], %swap3A_367 {strides = array<i32>} : memref<80xi32, #tpu.memory_space<vmem>>, vector<16xi32>,
        %get3A_368 = arith.constant 64 : index
        %get3A_369 = tpu.vector_load %arg8[%get3A_368] {strides = array<i32>} : memref<80xi32, #tpu.memory_space<vmem>>, vector<16xi32>,
        %get3A_370 = vector.shape_cast %get3A_369 : vector<16xi32> to vector<16xi32>
        %add3A_371 = vector.broadcast %mul3A_19 : i32 to vector<16xi32>
        %add3A_372 = arith.addi %get3A_370, %add3A_371 : vector<16xi32>
        %swap3A_373 = arith.constant 64 : index
        %swap3A_374 = tpu.vector_load %arg12[%swap3A_373] {strides = array<i32>} : memref<80xi32, #tpu.memory_space<vmem>>, vector<16xi32>,
        %swap3A_375 = vector.shape_cast %swap3A_374 : vector<16xi32> to vector<16xi32>
        %swap3A_376 = vector.shape_cast %add3A_372 : vector<16xi32> to vector<16xi32>
        tpu.vector_store %arg12[%swap3A_373], %swap3A_376 {strides = array<i32>} : memref<80xi32, #tpu.memory_space<vmem>>, vector<16xi32>,
        %dma_start3A_377 = arith.constant 0 : i32
        %dma_start3A_378 = arith.constant 0 : i32
        %dma_start3A_379 = tpu.memref_slice %arg2[%dma_start3A_377, %dma_start3A_378] : memref<20000x128xf32, #tpu.memory_space<hbm>> -> memref<20000x128xf32, #tpu.memory_space<hbm>>
        tpu.enqueue_indirect_dma source(%dma_start3A_379 : memref<20000x128xf32, #tpu.memory_space<hbm>>) target(%arg16 : memref<80x128xf32, #tpu.memory_space<vmem>>) offsets(%arg12 : memref<80xi32, #tpu.memory_space<vmem>>) semaphore(%arg21 : memref<!tpu.dma_semaphore, #tpu.memory_space<semaphore_mem>>)
      } else {
      }
      %dma_start3A_249 = arith.constant 0 : i32
      %dma_start3A_250 = arith.constant 0 : i32
      %dma_start3A_251 = tpu.memref_slice %arg24[%dma_start3A_249, %dma_start3A_250] : memref<10128x128xf32, #tpu.memory_space<vmem_shared>> -> memref<10128x128xf32, #tpu.memory_space<vmem_shared>>
      tpu.enqueue_indirect_dma source(%arg15 : memref<80x128xf32, #tpu.memory_space<vmem>>) target(%dma_start3A_251 : memref<10128x128xf32, #tpu.memory_space<vmem_shared>>) offsets(%arg13 : memref<80xi32, #tpu.memory_space<vmem>>) semaphore(%arg22 : memref<!tpu.dma_semaphore, #tpu.memory_space<semaphore_mem>>) {add = true}
      %add3A_252 = arith.constant 2 : i32
      %add3A_253 = arith.addi %mul3A_206, %add3A_252 : i32
      %lt3A_254 = arith.constant 125 : i32
      %lt3A_255 = arith.cmpi slt, %add3A_253, %lt3A_254 : i32
      %convert_element_type3A_256 = arith.extui %lt3A_255 : i1 to i32
      %cond3A_257 = arith.constant 0 : i32
      %cond3A_258 = arith.cmpi ne, %convert_element_type3A_256, %cond3A_257 : i32
      scf.if %cond3A_258 {
        %add3A_318 = arith.constant 2 : i32
        %add3A_319 = arith.addi %mul3A_206, %add3A_318 : i32
        %mul3A_320 = arith.constant 16 : i32
        %mul3A_321 = arith.muli %add3A_319, %mul3A_320 : i32
        %add3A_322 = arith.addi %arg1, %mul3A_321 : i32
        %mul3A_323 = arith.constant 80 : i32
        %mul3A_324 = arith.muli %add3A_322, %mul3A_323 : i32
        %dma_start3A_325 = tpu.memref_slice %arg3[%mul3A_324] : memref<163840xi32, #tpu.memory_space<hbm>> -> memref<80xi32, #tpu.memory_space<hbm>>
        %dma_start3A_326 = tpu.memref_slice %arg3[%mul3A_324] : memref<163840xi32, #tpu.memory_space<hbm>> -> memref<80xi32, #tpu.memory_space<hbm>>
        tpu.enqueue_dma source(%dma_start3A_326 : memref<80xi32, #tpu.memory_space<hbm>>) target(%arg7 : memref<80xi32, #tpu.memory_space<vmem>>) target_semaphore(%arg18 : memref<!tpu.dma_semaphore, #tpu.memory_space<semaphore_mem>>)
        %mul3A_327 = arith.constant 16 : i32
        %mul3A_328 = arith.muli %add3A_319, %mul3A_327 : i32
        %add3A_329 = arith.addi %arg1, %mul3A_328 : i32
        %mul3A_330 = arith.constant 80 : i32
        %mul3A_331 = arith.muli %add3A_329, %mul3A_330 : i32
        %dma_start3A_332 = tpu.memref_slice %arg4[%mul3A_331] : memref<163840xi32, #tpu.memory_space<hbm>> -> memref<80xi32, #tpu.memory_space<hbm>>
        %dma_start3A_333 = tpu.memref_slice %arg4[%mul3A_331] : memref<163840xi32, #tpu.memory_space<hbm>> -> memref<80xi32, #tpu.memory_space<hbm>>
        tpu.enqueue_dma source(%dma_start3A_333 : memref<80xi32, #tpu.memory_space<hbm>>) target(%arg9 : memref<80xi32, #tpu.memory_space<vmem>>) target_semaphore(%arg18 : memref<!tpu.dma_semaphore, #tpu.memory_space<semaphore_mem>>)
      } else {
      }
      %mul3A_259 = arith.constant 2 : i32
      %mul3A_260 = arith.muli %mul3A_259, %scan3A_204 : i32
      %add3A_261 = arith.constant 1 : i32
      %add3A_262 = arith.addi %mul3A_260, %add3A_261 : i32
      %dma_wait3A_263 = arith.constant 0 : i32
      %dma_wait3A_264 = arith.constant 0 : i32
      %dma_wait3A_265 = tpu.memref_slice %arg2[%dma_wait3A_263, %dma_wait3A_264] : memref<20000x128xf32, #tpu.memory_space<hbm>> -> memref<20000x128xf32, #tpu.memory_space<hbm>>
      tpu.wait_indirect_dma semaphore(%arg21 : memref<!tpu.dma_semaphore, #tpu.memory_space<semaphore_mem>>) src(%dma_wait3A_265 : memref<20000x128xf32, #tpu.memory_space<hbm>>) dst(%arg16 : memref<80x128xf32, #tpu.memory_space<vmem>>)
      %get3A_266 = arith.constant 0 : index
      %get3A_267 = tpu.vector_load %arg10[%get3A_266] {strides = array<i32>} : memref<80xi32, #tpu.memory_space<vmem>>, vector<16xi32>,
      %get3A_268 = vector.shape_cast %get3A_267 : vector<16xi32> to vector<16xi32>
      %swap3A_269 = arith.constant 0 : index
      %swap3A_270 = tpu.vector_load %arg14[%swap3A_269] {strides = array<i32>} : memref<80xi32, #tpu.memory_space<vmem>>, vector<16xi32>,
      %swap3A_271 = vector.shape_cast %swap3A_270 : vector<16xi32> to vector<16xi32>
      %swap3A_272 = vector.shape_cast %get3A_268 : vector<16xi32> to vector<16xi32>
      tpu.vector_store %arg14[%swap3A_269], %swap3A_272 {strides = array<i32>} : memref<80xi32, #tpu.memory_space<vmem>>, vector<16xi32>,
      %get3A_273 = arith.constant 16 : index
      %get3A_274 = tpu.vector_load %arg10[%get3A_273] {strides = array<i32>} : memref<80xi32, #tpu.memory_space<vmem>>, vector<16xi32>,
      %get3A_275 = vector.shape_cast %get3A_274 : vector<16xi32> to vector<16xi32>
      %swap3A_276 = arith.constant 16 : index
      %swap3A_277 = tpu.vector_load %arg14[%swap3A_276] {strides = array<i32>} : memref<80xi32, #tpu.memory_space<vmem>>, vector<16xi32>,
      %swap3A_278 = vector.shape_cast %swap3A_277 : vector<16xi32> to vector<16xi32>
      %swap3A_279 = vector.shape_cast %get3A_275 : vector<16xi32> to vector<16xi32>
      tpu.vector_store %arg14[%swap3A_276], %swap3A_279 {strides = array<i32>} : memref<80xi32, #tpu.memory_space<vmem>>, vector<16xi32>,
      %get3A_280 = arith.constant 32 : index
      %get3A_281 = tpu.vector_load %arg10[%get3A_280] {strides = array<i32>} : memref<80xi32, #tpu.memory_space<vmem>>, vector<16xi32>,
      %get3A_282 = vector.shape_cast %get3A_281 : vector<16xi32> to vector<16xi32>
      %swap3A_283 = arith.constant 32 : index
      %swap3A_284 = tpu.vector_load %arg14[%swap3A_283] {strides = array<i32>} : memref<80xi32, #tpu.memory_space<vmem>>, vector<16xi32>,
      %swap3A_285 = vector.shape_cast %swap3A_284 : vector<16xi32> to vector<16xi32>
      %swap3A_286 = vector.shape_cast %get3A_282 : vector<16xi32> to vector<16xi32>
      tpu.vector_store %arg14[%swap3A_283], %swap3A_286 {strides = array<i32>} : memref<80xi32, #tpu.memory_space<vmem>>, vector<16xi32>,
      %get3A_287 = arith.constant 48 : index
      %get3A_288 = tpu.vector_load %arg10[%get3A_287] {strides = array<i32>} : memref<80xi32, #tpu.memory_space<vmem>>, vector<16xi32>,
      %get3A_289 = vector.shape_cast %get3A_288 : vector<16xi32> to vector<16xi32>
      %swap3A_290 = arith.constant 48 : index
      %swap3A_291 = tpu.vector_load %arg14[%swap3A_290] {strides = array<i32>} : memref<80xi32, #tpu.memory_space<vmem>>, vector<16xi32>,
      %swap3A_292 = vector.shape_cast %swap3A_291 : vector<16xi32> to vector<16xi32>
      %swap3A_293 = vector.shape_cast %get3A_289 : vector<16xi32> to vector<16xi32>
      tpu.vector_store %arg14[%swap3A_290], %swap3A_293 {strides = array<i32>} : memref<80xi32, #tpu.memory_space<vmem>>, vector<16xi32>,
      %get3A_294 = arith.constant 64 : index
      %get3A_295 = tpu.vector_load %arg10[%get3A_294] {strides = array<i32>} : memref<80xi32, #tpu.memory_space<vmem>>, vector<16xi32>,
      %get3A_296 = vector.shape_cast %get3A_295 : vector<16xi32> to vector<16xi32>
      %swap3A_297 = arith.constant 64 : index
      %swap3A_298 = tpu.vector_load %arg14[%swap3A_297] {strides = array<i32>} : memref<80xi32, #tpu.memory_space<vmem>>, vector<16xi32>,
      %swap3A_299 = vector.shape_cast %swap3A_298 : vector<16xi32> to vector<16xi32>
      %swap3A_300 = vector.shape_cast %get3A_296 : vector<16xi32> to vector<16xi32>
      tpu.vector_store %arg14[%swap3A_297], %swap3A_300 {strides = array<i32>} : memref<80xi32, #tpu.memory_space<vmem>>, vector<16xi32>,
      %add3A_301 = arith.constant 1 : i32
      %add3A_302 = arith.addi %add3A_262, %add3A_301 : i32
      %lt3A_303 = arith.constant 125 : i32
      %lt3A_304 = arith.cmpi slt, %add3A_302, %lt3A_303 : i32
      %convert_element_type3A_305 = arith.extui %lt3A_304 : i1 to i32
      %cond3A_306 = arith.constant 0 : i32
      %cond3A_307 = arith.cmpi ne, %convert_element_type3A_305, %cond3A_306 : i32
      scf.if %cond3A_307 {
        %dma_wait3A_318 = arith.constant 0 : i32
        %dma_wait3A_319 = tpu.memref_slice %arg3[%dma_wait3A_318] : memref<163840xi32, #tpu.memory_space<hbm>> -> memref<80xi32, #tpu.memory_space<hbm>>
        %dma_wait3A_320 = arith.constant 0 : i32
        %dma_wait3A_321 = tpu.memref_slice %arg3[%dma_wait3A_320] : memref<163840xi32, #tpu.memory_space<hbm>> -> memref<80xi32, #tpu.memory_space<hbm>>
        tpu.wait_dma2 semaphore(%arg18 : memref<!tpu.dma_semaphore, #tpu.memory_space<semaphore_mem>>) src(%dma_wait3A_321 : memref<80xi32, #tpu.memory_space<hbm>>) dst(%arg7 : memref<80xi32, #tpu.memory_space<vmem>>)
        %dma_wait3A_322 = arith.constant 0 : i32
        %dma_wait3A_323 = tpu.memref_slice %arg4[%dma_wait3A_322] : memref<163840xi32, #tpu.memory_space<hbm>> -> memref<80xi32, #tpu.memory_space<hbm>>
        %dma_wait3A_324 = arith.constant 0 : i32
        %dma_wait3A_325 = tpu.memref_slice %arg4[%dma_wait3A_324] : memref<163840xi32, #tpu.memory_space<hbm>> -> memref<80xi32, #tpu.memory_space<hbm>>
        tpu.wait_dma2 semaphore(%arg18 : memref<!tpu.dma_semaphore, #tpu.memory_space<semaphore_mem>>) src(%dma_wait3A_325 : memref<80xi32, #tpu.memory_space<hbm>>) dst(%arg9 : memref<80xi32, #tpu.memory_space<vmem>>)
        %ge3A = arith.constant 1 : i32
        %ge3A_326 = arith.cmpi sge, %add3A_262, %ge3A : i32
        %convert_element_type3A_327 = arith.extui %ge3A_326 : i1 to i32
        %cond3A_328 = arith.constant 0 : i32
        %cond3A_329 = arith.cmpi ne, %convert_element_type3A_327, %cond3A_328 : i32
        scf.if %cond3A_329 {
          %dma_wait3A_380 = arith.constant 0 : i32
          %dma_wait3A_381 = arith.constant 0 : i32
          %dma_wait3A_382 = tpu.memref_slice %arg24[%dma_wait3A_380, %dma_wait3A_381] : memref<10128x128xf32, #tpu.memory_space<vmem_shared>> -> memref<10128x128xf32, #tpu.memory_space<vmem_shared>>
          tpu.wait_indirect_dma semaphore(%arg22 : memref<!tpu.dma_semaphore, #tpu.memory_space<semaphore_mem>>) src(%arg15 : memref<80x128xf32, #tpu.memory_space<vmem>>) dst(%dma_wait3A_382 : memref<10128x128xf32, #tpu.memory_space<vmem_shared>>)
        } else {
        }
        %add3A_330 = arith.constant 1 : i32
        %add3A_331 = arith.addi %add3A_262, %add3A_330 : i32
        %get3A_332 = arith.constant 0 : index
        %get3A_333 = tpu.vector_load %arg7[%get3A_332] {strides = array<i32>} : memref<80xi32, #tpu.memory_space<vmem>>, vector<16xi32>,
        %get3A_334 = vector.shape_cast %get3A_333 : vector<16xi32> to vector<16xi32>
        %add3A_335 = vector.broadcast %mul3A_19 : i32 to vector<16xi32>
        %add3A_336 = arith.addi %get3A_334, %add3A_335 : vector<16xi32>
        %swap3A_337 = arith.constant 0 : index
        %swap3A_338 = tpu.vector_load %arg11[%swap3A_337] {strides = array<i32>} : memref<80xi32, #tpu.memory_space<vmem>>, vector<16xi32>,
        %swap3A_339 = vector.shape_cast %swap3A_338 : vector<16xi32> to vector<16xi32>
        %swap3A_340 = vector.shape_cast %add3A_336 : vector<16xi32> to vector<16xi32>
        tpu.vector_store %arg11[%swap3A_337], %swap3A_340 {strides = array<i32>} : memref<80xi32, #tpu.memory_space<vmem>>, vector<16xi32>,
        %get3A_341 = arith.constant 16 : index
        %get3A_342 = tpu.vector_load %arg7[%get3A_341] {strides = array<i32>} : memref<80xi32, #tpu.memory_space<vmem>>, vector<16xi32>,
        %get3A_343 = vector.shape_cast %get3A_342 : vector<16xi32> to vector<16xi32>
        %add3A_344 = vector.broadcast %mul3A_19 : i32 to vector<16xi32>
        %add3A_345 = arith.addi %get3A_343, %add3A_344 : vector<16xi32>
        %swap3A_346 = arith.constant 16 : index
        %swap3A_347 = tpu.vector_load %arg11[%swap3A_346] {strides = array<i32>} : memref<80xi32, #tpu.memory_space<vmem>>, vector<16xi32>,
        %swap3A_348 = vector.shape_cast %swap3A_347 : vector<16xi32> to vector<16xi32>
        %swap3A_349 = vector.shape_cast %add3A_345 : vector<16xi32> to vector<16xi32>
        tpu.vector_store %arg11[%swap3A_346], %swap3A_349 {strides = array<i32>} : memref<80xi32, #tpu.memory_space<vmem>>, vector<16xi32>,
        %get3A_350 = arith.constant 32 : index
        %get3A_351 = tpu.vector_load %arg7[%get3A_350] {strides = array<i32>} : memref<80xi32, #tpu.memory_space<vmem>>, vector<16xi32>,
        %get3A_352 = vector.shape_cast %get3A_351 : vector<16xi32> to vector<16xi32>
        %add3A_353 = vector.broadcast %mul3A_19 : i32 to vector<16xi32>
        %add3A_354 = arith.addi %get3A_352, %add3A_353 : vector<16xi32>
        %swap3A_355 = arith.constant 32 : index
        %swap3A_356 = tpu.vector_load %arg11[%swap3A_355] {strides = array<i32>} : memref<80xi32, #tpu.memory_space<vmem>>, vector<16xi32>,
        %swap3A_357 = vector.shape_cast %swap3A_356 : vector<16xi32> to vector<16xi32>
        %swap3A_358 = vector.shape_cast %add3A_354 : vector<16xi32> to vector<16xi32>
        tpu.vector_store %arg11[%swap3A_355], %swap3A_358 {strides = array<i32>} : memref<80xi32, #tpu.memory_space<vmem>>, vector<16xi32>,
        %get3A_359 = arith.constant 48 : index
        %get3A_360 = tpu.vector_load %arg7[%get3A_359] {strides = array<i32>} : memref<80xi32, #tpu.memory_space<vmem>>, vector<16xi32>,
        %get3A_361 = vector.shape_cast %get3A_360 : vector<16xi32> to vector<16xi32>
        %add3A_362 = vector.broadcast %mul3A_19 : i32 to vector<16xi32>
        %add3A_363 = arith.addi %get3A_361, %add3A_362 : vector<16xi32>
        %swap3A_364 = arith.constant 48 : index
        %swap3A_365 = tpu.vector_load %arg11[%swap3A_364] {strides = array<i32>} : memref<80xi32, #tpu.memory_space<vmem>>, vector<16xi32>,
        %swap3A_366 = vector.shape_cast %swap3A_365 : vector<16xi32> to vector<16xi32>
        %swap3A_367 = vector.shape_cast %add3A_363 : vector<16xi32> to vector<16xi32>
        tpu.vector_store %arg11[%swap3A_364], %swap3A_367 {strides = array<i32>} : memref<80xi32, #tpu.memory_space<vmem>>, vector<16xi32>,
        %get3A_368 = arith.constant 64 : index
        %get3A_369 = tpu.vector_load %arg7[%get3A_368] {strides = array<i32>} : memref<80xi32, #tpu.memory_space<vmem>>, vector<16xi32>,
        %get3A_370 = vector.shape_cast %get3A_369 : vector<16xi32> to vector<16xi32>
        %add3A_371 = vector.broadcast %mul3A_19 : i32 to vector<16xi32>
        %add3A_372 = arith.addi %get3A_370, %add3A_371 : vector<16xi32>
        %swap3A_373 = arith.constant 64 : index
        %swap3A_374 = tpu.vector_load %arg11[%swap3A_373] {strides = array<i32>} : memref<80xi32, #tpu.memory_space<vmem>>, vector<16xi32>,
        %swap3A_375 = vector.shape_cast %swap3A_374 : vector<16xi32> to vector<16xi32>
        %swap3A_376 = vector.shape_cast %add3A_372 : vector<16xi32> to vector<16xi32>
        tpu.vector_store %arg11[%swap3A_373], %swap3A_376 {strides = array<i32>} : memref<80xi32, #tpu.memory_space<vmem>>, vector<16xi32>,
        %dma_start3A_377 = arith.constant 0 : i32
        %dma_start3A_378 = arith.constant 0 : i32
        %dma_start3A_379 = tpu.memref_slice %arg2[%dma_start3A_377, %dma_start3A_378] : memref<20000x128xf32, #tpu.memory_space<hbm>> -> memref<20000x128xf32, #tpu.memory_space<hbm>>
        tpu.enqueue_indirect_dma source(%dma_start3A_379 : memref<20000x128xf32, #tpu.memory_space<hbm>>) target(%arg15 : memref<80x128xf32, #tpu.memory_space<vmem>>) offsets(%arg11 : memref<80xi32, #tpu.memory_space<vmem>>) semaphore(%arg20 : memref<!tpu.dma_semaphore, #tpu.memory_space<semaphore_mem>>)
      } else {
      }
      %dma_start3A_308 = arith.constant 0 : i32
      %dma_start3A_309 = arith.constant 0 : i32
      %dma_start3A_310 = tpu.memref_slice %arg24[%dma_start3A_308, %dma_start3A_309] : memref<10128x128xf32, #tpu.memory_space<vmem_shared>> -> memref<10128x128xf32, #tpu.memory_space<vmem_shared>>
      tpu.enqueue_indirect_dma source(%arg16 : memref<80x128xf32, #tpu.memory_space<vmem>>) target(%dma_start3A_310 : memref<10128x128xf32, #tpu.memory_space<vmem_shared>>) offsets(%arg14 : memref<80xi32, #tpu.memory_space<vmem>>) semaphore(%arg23 : memref<!tpu.dma_semaphore, #tpu.memory_space<semaphore_mem>>) {add = true}
      %add3A_311 = arith.constant 2 : i32
      %add3A_312 = arith.addi %add3A_262, %add3A_311 : i32
      %lt3A_313 = arith.constant 125 : i32
      %lt3A_314 = arith.cmpi slt, %add3A_312, %lt3A_313 : i32
      %convert_element_type3A_315 = arith.extui %lt3A_314 : i1 to i32
      %cond3A_316 = arith.constant 0 : i32
      %cond3A_317 = arith.cmpi ne, %convert_element_type3A_315, %cond3A_316 : i32
      scf.if %cond3A_317 {
        %add3A_318 = arith.constant 2 : i32
        %add3A_319 = arith.addi %add3A_262, %add3A_318 : i32
        %mul3A_320 = arith.constant 16 : i32
        %mul3A_321 = arith.muli %add3A_319, %mul3A_320 : i32
        %add3A_322 = arith.addi %arg1, %mul3A_321 : i32
        %mul3A_323 = arith.constant 80 : i32
        %mul3A_324 = arith.muli %add3A_322, %mul3A_323 : i32
        %dma_start3A_325 = tpu.memref_slice %arg3[%mul3A_324] : memref<163840xi32, #tpu.memory_space<hbm>> -> memref<80xi32, #tpu.memory_space<hbm>>
        %dma_start3A_326 = tpu.memref_slice %arg3[%mul3A_324] : memref<163840xi32, #tpu.memory_space<hbm>> -> memref<80xi32, #tpu.memory_space<hbm>>
        tpu.enqueue_dma source(%dma_start3A_326 : memref<80xi32, #tpu.memory_space<hbm>>) target(%arg8 : memref<80xi32, #tpu.memory_space<vmem>>) target_semaphore(%arg19 : memref<!tpu.dma_semaphore, #tpu.memory_space<semaphore_mem>>)
        %mul3A_327 = arith.constant 16 : i32
        %mul3A_328 = arith.muli %add3A_319, %mul3A_327 : i32
        %add3A_329 = arith.addi %arg1, %mul3A_328 : i32
        %mul3A_330 = arith.constant 80 : i32
        %mul3A_331 = arith.muli %add3A_329, %mul3A_330 : i32
        %dma_start3A_332 = tpu.memref_slice %arg4[%mul3A_331] : memref<163840xi32, #tpu.memory_space<hbm>> -> memref<80xi32, #tpu.memory_space<hbm>>
        %dma_start3A_333 = tpu.memref_slice %arg4[%mul3A_331] : memref<163840xi32, #tpu.memory_space<hbm>> -> memref<80xi32, #tpu.memory_space<hbm>>
        tpu.enqueue_dma source(%dma_start3A_333 : memref<80xi32, #tpu.memory_space<hbm>>) target(%arg10 : memref<80xi32, #tpu.memory_space<vmem>>) target_semaphore(%arg19 : memref<!tpu.dma_semaphore, #tpu.memory_space<semaphore_mem>>)
      } else {
      }
    }
    %scan3A_100 = arith.constant 62 : i32
    %dma_wait3A_101 = arith.constant 0 : i32
    %dma_wait3A_102 = arith.constant 0 : i32
    %dma_wait3A_103 = tpu.memref_slice %arg2[%dma_wait3A_101, %dma_wait3A_102] : memref<20000x128xf32, #tpu.memory_space<hbm>> -> memref<20000x128xf32, #tpu.memory_space<hbm>>
    tpu.wait_indirect_dma semaphore(%arg20 : memref<!tpu.dma_semaphore, #tpu.memory_space<semaphore_mem>>) src(%dma_wait3A_103 : memref<20000x128xf32, #tpu.memory_space<hbm>>) dst(%arg15 : memref<80x128xf32, #tpu.memory_space<vmem>>)
    %get3A_104 = arith.constant 0 : index
    %get3A_105 = tpu.vector_load %arg9[%get3A_104] {strides = array<i32>} : memref<80xi32, #tpu.memory_space<vmem>>, vector<16xi32>,
    %get3A_106 = vector.shape_cast %get3A_105 : vector<16xi32> to vector<16xi32>
    %swap3A_107 = arith.constant 0 : index
    %swap3A_108 = tpu.vector_load %arg13[%swap3A_107] {strides = array<i32>} : memref<80xi32, #tpu.memory_space<vmem>>, vector<16xi32>,
    %swap3A_109 = vector.shape_cast %swap3A_108 : vector<16xi32> to vector<16xi32>
    %swap3A_110 = vector.shape_cast %get3A_106 : vector<16xi32> to vector<16xi32>
    tpu.vector_store %arg13[%swap3A_107], %swap3A_110 {strides = array<i32>} : memref<80xi32, #tpu.memory_space<vmem>>, vector<16xi32>,
    %get3A_111 = arith.constant 16 : index
    %get3A_112 = tpu.vector_load %arg9[%get3A_111] {strides = array<i32>} : memref<80xi32, #tpu.memory_space<vmem>>, vector<16xi32>,
    %get3A_113 = vector.shape_cast %get3A_112 : vector<16xi32> to vector<16xi32>
    %swap3A_114 = arith.constant 16 : index
    %swap3A_115 = tpu.vector_load %arg13[%swap3A_114] {strides = array<i32>} : memref<80xi32, #tpu.memory_space<vmem>>, vector<16xi32>,
    %swap3A_116 = vector.shape_cast %swap3A_115 : vector<16xi32> to vector<16xi32>
    %swap3A_117 = vector.shape_cast %get3A_113 : vector<16xi32> to vector<16xi32>
    tpu.vector_store %arg13[%swap3A_114], %swap3A_117 {strides = array<i32>} : memref<80xi32, #tpu.memory_space<vmem>>, vector<16xi32>,
    %get3A_118 = arith.constant 32 : index
    %get3A_119 = tpu.vector_load %arg9[%get3A_118] {strides = array<i32>} : memref<80xi32, #tpu.memory_space<vmem>>, vector<16xi32>,
    %get3A_120 = vector.shape_cast %get3A_119 : vector<16xi32> to vector<16xi32>
    %swap3A_121 = arith.constant 32 : index
    %swap3A_122 = tpu.vector_load %arg13[%swap3A_121] {strides = array<i32>} : memref<80xi32, #tpu.memory_space<vmem>>, vector<16xi32>,
    %swap3A_123 = vector.shape_cast %swap3A_122 : vector<16xi32> to vector<16xi32>
    %swap3A_124 = vector.shape_cast %get3A_120 : vector<16xi32> to vector<16xi32>
    tpu.vector_store %arg13[%swap3A_121], %swap3A_124 {strides = array<i32>} : memref<80xi32, #tpu.memory_space<vmem>>, vector<16xi32>,
    %get3A_125 = arith.constant 48 : index
    %get3A_126 = tpu.vector_load %arg9[%get3A_125] {strides = array<i32>} : memref<80xi32, #tpu.memory_space<vmem>>, vector<16xi32>,
    %get3A_127 = vector.shape_cast %get3A_126 : vector<16xi32> to vector<16xi32>
    %swap3A_128 = arith.constant 48 : index
    %swap3A_129 = tpu.vector_load %arg13[%swap3A_128] {strides = array<i32>} : memref<80xi32, #tpu.memory_space<vmem>>, vector<16xi32>,
    %swap3A_130 = vector.shape_cast %swap3A_129 : vector<16xi32> to vector<16xi32>
    %swap3A_131 = vector.shape_cast %get3A_127 : vector<16xi32> to vector<16xi32>
    tpu.vector_store %arg13[%swap3A_128], %swap3A_131 {strides = array<i32>} : memref<80xi32, #tpu.memory_space<vmem>>, vector<16xi32>,
    %get3A_132 = arith.constant 64 : index
    %get3A_133 = tpu.vector_load %arg9[%get3A_132] {strides = array<i32>} : memref<80xi32, #tpu.memory_space<vmem>>, vector<16xi32>,
    %get3A_134 = vector.shape_cast %get3A_133 : vector<16xi32> to vector<16xi32>
    %swap3A_135 = arith.constant 64 : index
    %swap3A_136 = tpu.vector_load %arg13[%swap3A_135] {strides = array<i32>} : memref<80xi32, #tpu.memory_space<vmem>>, vector<16xi32>,
    %swap3A_137 = vector.shape_cast %swap3A_136 : vector<16xi32> to vector<16xi32>
    %swap3A_138 = vector.shape_cast %get3A_134 : vector<16xi32> to vector<16xi32>
    tpu.vector_store %arg13[%swap3A_135], %swap3A_138 {strides = array<i32>} : memref<80xi32, #tpu.memory_space<vmem>>, vector<16xi32>,
    %dma_start3A_139 = arith.constant 0 : i32
    %dma_start3A_140 = arith.constant 0 : i32
    %dma_start3A_141 = tpu.memref_slice %arg24[%dma_start3A_139, %dma_start3A_140] : memref<10128x128xf32, #tpu.memory_space<vmem_shared>> -> memref<10128x128xf32, #tpu.memory_space<vmem_shared>>
    tpu.enqueue_indirect_dma source(%arg15 : memref<80x128xf32, #tpu.memory_space<vmem>>) target(%dma_start3A_141 : memref<10128x128xf32, #tpu.memory_space<vmem_shared>>) offsets(%arg13 : memref<80xi32, #tpu.memory_space<vmem>>) semaphore(%arg22 : memref<!tpu.dma_semaphore, #tpu.memory_space<semaphore_mem>>) {add = true}
    %dma_wait3A_142 = arith.constant 0 : i32
    %dma_wait3A_143 = arith.constant 0 : i32
    %dma_wait3A_144 = tpu.memref_slice %arg24[%dma_wait3A_142, %dma_wait3A_143] : memref<10128x128xf32, #tpu.memory_space<vmem_shared>> -> memref<10128x128xf32, #tpu.memory_space<vmem_shared>>
    tpu.wait_indirect_dma semaphore(%arg23 : memref<!tpu.dma_semaphore, #tpu.memory_space<semaphore_mem>>) src(%arg16 : memref<80x128xf32, #tpu.memory_space<vmem>>) dst(%dma_wait3A_144 : memref<10128x128xf32, #tpu.memory_space<vmem_shared>>)
    %dma_wait3A_145 = arith.constant 0 : i32
    %dma_wait3A_146 = arith.constant 0 : i32
    %dma_wait3A_147 = tpu.memref_slice %arg24[%dma_wait3A_145, %dma_wait3A_146] : memref<10128x128xf32, #tpu.memory_space<vmem_shared>> -> memref<10128x128xf32, #tpu.memory_space<vmem_shared>>
    tpu.wait_indirect_dma semaphore(%arg22 : memref<!tpu.dma_semaphore, #tpu.memory_space<semaphore_mem>>) src(%arg15 : memref<80x128xf32, #tpu.memory_space<vmem>>) dst(%dma_wait3A_147 : memref<10128x128xf32, #tpu.memory_space<vmem_shared>>)
    %barrier3A_148 = arith.constant 0 : index
    tpu.barrier barrier_id(%barrier3A_148)
    %mul3A_149 = arith.constant 625 : i32
    %mul3A_150 = arith.muli %arg1, %mul3A_149 : i32
    %add3A_151 = arith.constant 0 : i32
    %add3A_152 = arith.addi %mul3A_150, %add3A_151 : i32
    "tpu.region"() ({
      %run_scoped3A = tpu.sem_alloc : memref<!tpu.dma_semaphore, #tpu.memory_space<semaphore_mem>>
      %dma_start3A_204 = arith.constant 0 : i32
      %dma_start3A_205 = tpu.memref_slice %arg24[%add3A_152, %dma_start3A_204] : memref<10128x128xf32, #tpu.memory_space<vmem_shared>> -> memref<125x128xf32, #tpu.memory_space<vmem_shared>>
      %dma_start3A_206 = arith.constant 0 : i32
      %dma_start3A_207 = tpu.memref_slice %arg24[%add3A_152, %dma_start3A_206] : memref<10128x128xf32, #tpu.memory_space<vmem_shared>> -> memref<125x128xf32, #tpu.memory_space<vmem_shared>>
      tpu.enqueue_dma source(%dma_start3A_207 : memref<125x128xf32, #tpu.memory_space<vmem_shared>>) target(%arg17 : memref<125x128xf32, #tpu.memory_space<vmem>>) target_semaphore(%run_scoped3A : memref<!tpu.dma_semaphore, #tpu.memory_space<semaphore_mem>>)
      %dma_wait3A_208 = arith.constant 0 : i32
      %dma_wait3A_209 = tpu.memref_slice %arg24[%add3A_152, %dma_wait3A_208] : memref<10128x128xf32, #tpu.memory_space<vmem_shared>> -> memref<125x128xf32, #tpu.memory_space<vmem_shared>>
      %dma_wait3A_210 = arith.constant 0 : i32
      %dma_wait3A_211 = tpu.memref_slice %arg24[%add3A_152, %dma_wait3A_210] : memref<10128x128xf32, #tpu.memory_space<vmem_shared>> -> memref<125x128xf32, #tpu.memory_space<vmem_shared>>
      tpu.wait_dma2 semaphore(%run_scoped3A : memref<!tpu.dma_semaphore, #tpu.memory_space<semaphore_mem>>) src(%dma_wait3A_211 : memref<125x128xf32, #tpu.memory_space<vmem_shared>>) dst(%arg17 : memref<125x128xf32, #tpu.memory_space<vmem>>)
      tpu.yield
    }) : () -> ()
    %mul3A_153 = arith.constant 10000 : i32
    %mul3A_154 = arith.muli %arg0, %mul3A_153 : i32
    %mul3A_155 = arith.constant 625 : i32
    %mul3A_156 = arith.muli %arg1, %mul3A_155 : i32
    %add3A_157 = arith.addi %mul3A_154, %mul3A_156 : i32
    %add3A_158 = arith.constant 0 : i32
    %add3A_159 = arith.addi %add3A_157, %add3A_158 : i32
    "tpu.region"() ({
      %run_scoped3A = tpu.sem_alloc : memref<!tpu.dma_semaphore, #tpu.memory_space<semaphore_mem>>
      %dma_start3A_204 = arith.constant 0 : i32
      %dma_start3A_205 = tpu.memref_slice %arg6[%add3A_159, %dma_start3A_204] : memref<20000x128xf32, #tpu.memory_space<hbm>> -> memref<125x128xf32, #tpu.memory_space<hbm>>
      %dma_start3A_206 = arith.constant 0 : i32
      %dma_start3A_207 = tpu.memref_slice %arg6[%add3A_159, %dma_start3A_206] : memref<20000x128xf32, #tpu.memory_space<hbm>> -> memref<125x128xf32, #tpu.memory_space<hbm>>
      tpu.enqueue_dma source(%arg17 : memref<125x128xf32, #tpu.memory_space<vmem>>) target(%dma_start3A_207 : memref<125x128xf32, #tpu.memory_space<hbm>>) target_semaphore(%run_scoped3A : memref<!tpu.dma_semaphore, #tpu.memory_space<semaphore_mem>>)
      %dma_wait3A_208 = arith.constant 0 : i32
      %dma_wait3A_209 = tpu.memref_slice %arg6[%add3A_159, %dma_wait3A_208] : memref<20000x128xf32, #tpu.memory_space<hbm>> -> memref<125x128xf32, #tpu.memory_space<hbm>>
      %dma_wait3A_210 = arith.constant 0 : i32
      %dma_wait3A_211 = tpu.memref_slice %arg6[%add3A_159, %dma_wait3A_210] : memref<20000x128xf32, #tpu.memory_space<hbm>> -> memref<125x128xf32, #tpu.memory_space<hbm>>
      tpu.wait_dma2 semaphore(%run_scoped3A : memref<!tpu.dma_semaphore, #tpu.memory_space<semaphore_mem>>) src(%arg17 : memref<125x128xf32, #tpu.memory_space<vmem>>) dst(%dma_wait3A_211 : memref<125x128xf32, #tpu.memory_space<hbm>>)
      tpu.yield
    }) : () -> ()
    %mul3A_160 = arith.constant 625 : i32
    %mul3A_161 = arith.muli %arg1, %mul3A_160 : i32
    %add3A_162 = arith.constant 125 : i32
    %add3A_163 = arith.addi %mul3A_161, %add3A_162 : i32
    "tpu.region"() ({
      %run_scoped3A = tpu.sem_alloc : memref<!tpu.dma_semaphore, #tpu.memory_space<semaphore_mem>>
      %dma_start3A_204 = arith.constant 0 : i32
      %dma_start3A_205 = tpu.memref_slice %arg24[%add3A_163, %dma_start3A_204] : memref<10128x128xf32, #tpu.memory_space<vmem_shared>> -> memref<125x128xf32, #tpu.memory_space<vmem_shared>>
      %dma_start3A_206 = arith.constant 0 : i32
      %dma_start3A_207 = tpu.memref_slice %arg24[%add3A_163, %dma_start3A_206] : memref<10128x128xf32, #tpu.memory_space<vmem_shared>> -> memref<125x128xf32, #tpu.memory_space<vmem_shared>>
      tpu.enqueue_dma source(%dma_start3A_207 : memref<125x128xf32, #tpu.memory_space<vmem_shared>>) target(%arg17 : memref<125x128xf32, #tpu.memory_space<vmem>>) target_semaphore(%run_scoped3A : memref<!tpu.dma_semaphore, #tpu.memory_space<semaphore_mem>>)
      %dma_wait3A_208 = arith.constant 0 : i32
      %dma_wait3A_209 = tpu.memref_slice %arg24[%add3A_163, %dma_wait3A_208] : memref<10128x128xf32, #tpu.memory_space<vmem_shared>> -> memref<125x128xf32, #tpu.memory_space<vmem_shared>>
      %dma_wait3A_210 = arith.constant 0 : i32
      %dma_wait3A_211 = tpu.memref_slice %arg24[%add3A_163, %dma_wait3A_210] : memref<10128x128xf32, #tpu.memory_space<vmem_shared>> -> memref<125x128xf32, #tpu.memory_space<vmem_shared>>
      tpu.wait_dma2 semaphore(%run_scoped3A : memref<!tpu.dma_semaphore, #tpu.memory_space<semaphore_mem>>) src(%dma_wait3A_211 : memref<125x128xf32, #tpu.memory_space<vmem_shared>>) dst(%arg17 : memref<125x128xf32, #tpu.memory_space<vmem>>)
      tpu.yield
    }) : () -> ()
    %mul3A_164 = arith.constant 10000 : i32
    %mul3A_165 = arith.muli %arg0, %mul3A_164 : i32
    %mul3A_166 = arith.constant 625 : i32
    %mul3A_167 = arith.muli %arg1, %mul3A_166 : i32
    %add3A_168 = arith.addi %mul3A_165, %mul3A_167 : i32
    %add3A_169 = arith.constant 125 : i32
    %add3A_170 = arith.addi %add3A_168, %add3A_169 : i32
    "tpu.region"() ({
      %run_scoped3A = tpu.sem_alloc : memref<!tpu.dma_semaphore, #tpu.memory_space<semaphore_mem>>
      %dma_start3A_204 = arith.constant 0 : i32
      %dma_start3A_205 = tpu.memref_slice %arg6[%add3A_170, %dma_start3A_204] : memref<20000x128xf32, #tpu.memory_space<hbm>> -> memref<125x128xf32, #tpu.memory_space<hbm>>
      %dma_start3A_206 = arith.constant 0 : i32
      %dma_start3A_207 = tpu.memref_slice %arg6[%add3A_170, %dma_start3A_206] : memref<20000x128xf32, #tpu.memory_space<hbm>> -> memref<125x128xf32, #tpu.memory_space<hbm>>
      tpu.enqueue_dma source(%arg17 : memref<125x128xf32, #tpu.memory_space<vmem>>) target(%dma_start3A_207 : memref<125x128xf32, #tpu.memory_space<hbm>>) target_semaphore(%run_scoped3A : memref<!tpu.dma_semaphore, #tpu.memory_space<semaphore_mem>>)
      %dma_wait3A_208 = arith.constant 0 : i32
      %dma_wait3A_209 = tpu.memref_slice %arg6[%add3A_170, %dma_wait3A_208] : memref<20000x128xf32, #tpu.memory_space<hbm>> -> memref<125x128xf32, #tpu.memory_space<hbm>>
      %dma_wait3A_210 = arith.constant 0 : i32
      %dma_wait3A_211 = tpu.memref_slice %arg6[%add3A_170, %dma_wait3A_210] : memref<20000x128xf32, #tpu.memory_space<hbm>> -> memref<125x128xf32, #tpu.memory_space<hbm>>
      tpu.wait_dma2 semaphore(%run_scoped3A : memref<!tpu.dma_semaphore, #tpu.memory_space<semaphore_mem>>) src(%arg17 : memref<125x128xf32, #tpu.memory_space<vmem>>) dst(%dma_wait3A_211 : memref<125x128xf32, #tpu.memory_space<hbm>>)
      tpu.yield
    }) : () -> ()
    %mul3A_171 = arith.constant 625 : i32
    %mul3A_172 = arith.muli %arg1, %mul3A_171 : i32
    %add3A_173 = arith.constant 250 : i32
    %add3A_174 = arith.addi %mul3A_172, %add3A_173 : i32
    "tpu.region"() ({
      %run_scoped3A = tpu.sem_alloc : memref<!tpu.dma_semaphore, #tpu.memory_space<semaphore_mem>>
      %dma_start3A_204 = arith.constant 0 : i32
      %dma_start3A_205 = tpu.memref_slice %arg24[%add3A_174, %dma_start3A_204] : memref<10128x128xf32, #tpu.memory_space<vmem_shared>> -> memref<125x128xf32, #tpu.memory_space<vmem_shared>>
      %dma_start3A_206 = arith.constant 0 : i32
      %dma_start3A_207 = tpu.memref_slice %arg24[%add3A_174, %dma_start3A_206] : memref<10128x128xf32, #tpu.memory_space<vmem_shared>> -> memref<125x128xf32, #tpu.memory_space<vmem_shared>>
      tpu.enqueue_dma source(%dma_start3A_207 : memref<125x128xf32, #tpu.memory_space<vmem_shared>>) target(%arg17 : memref<125x128xf32, #tpu.memory_space<vmem>>) target_semaphore(%run_scoped3A : memref<!tpu.dma_semaphore, #tpu.memory_space<semaphore_mem>>)
      %dma_wait3A_208 = arith.constant 0 : i32
      %dma_wait3A_209 = tpu.memref_slice %arg24[%add3A_174, %dma_wait3A_208] : memref<10128x128xf32, #tpu.memory_space<vmem_shared>> -> memref<125x128xf32, #tpu.memory_space<vmem_shared>>
      %dma_wait3A_210 = arith.constant 0 : i32
      %dma_wait3A_211 = tpu.memref_slice %arg24[%add3A_174, %dma_wait3A_210] : memref<10128x128xf32, #tpu.memory_space<vmem_shared>> -> memref<125x128xf32, #tpu.memory_space<vmem_shared>>
      tpu.wait_dma2 semaphore(%run_scoped3A : memref<!tpu.dma_semaphore, #tpu.memory_space<semaphore_mem>>) src(%dma_wait3A_211 : memref<125x128xf32, #tpu.memory_space<vmem_shared>>) dst(%arg17 : memref<125x128xf32, #tpu.memory_space<vmem>>)
      tpu.yield
    }) : () -> ()
    %mul3A_175 = arith.constant 10000 : i32
    %mul3A_176 = arith.muli %arg0, %mul3A_175 : i32
    %mul3A_177 = arith.constant 625 : i32
    %mul3A_178 = arith.muli %arg1, %mul3A_177 : i32
    %add3A_179 = arith.addi %mul3A_176, %mul3A_178 : i32
    %add3A_180 = arith.constant 250 : i32
    %add3A_181 = arith.addi %add3A_179, %add3A_180 : i32
    "tpu.region"() ({
      %run_scoped3A = tpu.sem_alloc : memref<!tpu.dma_semaphore, #tpu.memory_space<semaphore_mem>>
      %dma_start3A_204 = arith.constant 0 : i32
      %dma_start3A_205 = tpu.memref_slice %arg6[%add3A_181, %dma_start3A_204] : memref<20000x128xf32, #tpu.memory_space<hbm>> -> memref<125x128xf32, #tpu.memory_space<hbm>>
      %dma_start3A_206 = arith.constant 0 : i32
      %dma_start3A_207 = tpu.memref_slice %arg6[%add3A_181, %dma_start3A_206] : memref<20000x128xf32, #tpu.memory_space<hbm>> -> memref<125x128xf32, #tpu.memory_space<hbm>>
      tpu.enqueue_dma source(%arg17 : memref<125x128xf32, #tpu.memory_space<vmem>>) target(%dma_start3A_207 : memref<125x128xf32, #tpu.memory_space<hbm>>) target_semaphore(%run_scoped3A : memref<!tpu.dma_semaphore, #tpu.memory_space<semaphore_mem>>)
      %dma_wait3A_208 = arith.constant 0 : i32
      %dma_wait3A_209 = tpu.memref_slice %arg6[%add3A_181, %dma_wait3A_208] : memref<20000x128xf32, #tpu.memory_space<hbm>> -> memref<125x128xf32, #tpu.memory_space<hbm>>
      %dma_wait3A_210 = arith.constant 0 : i32
      %dma_wait3A_211 = tpu.memref_slice %arg6[%add3A_181, %dma_wait3A_210] : memref<20000x128xf32, #tpu.memory_space<hbm>> -> memref<125x128xf32, #tpu.memory_space<hbm>>
      tpu.wait_dma2 semaphore(%run_scoped3A : memref<!tpu.dma_semaphore, #tpu.memory_space<semaphore_mem>>) src(%arg17 : memref<125x128xf32, #tpu.memory_space<vmem>>) dst(%dma_wait3A_211 : memref<125x128xf32, #tpu.memory_space<hbm>>)
      tpu.yield
    }) : () -> ()
    %mul3A_182 = arith.constant 625 : i32
    %mul3A_183 = arith.muli %arg1, %mul3A_182 : i32
    %add3A_184 = arith.constant 375 : i32
    %add3A_185 = arith.addi %mul3A_183, %add3A_184 : i32
    "tpu.region"() ({
      %run_scoped3A = tpu.sem_alloc : memref<!tpu.dma_semaphore, #tpu.memory_space<semaphore_mem>>
      %dma_start3A_204 = arith.constant 0 : i32
      %dma_start3A_205 = tpu.memref_slice %arg24[%add3A_185, %dma_start3A_204] : memref<10128x128xf32, #tpu.memory_space<vmem_shared>> -> memref<125x128xf32, #tpu.memory_space<vmem_shared>>
      %dma_start3A_206 = arith.constant 0 : i32
      %dma_start3A_207 = tpu.memref_slice %arg24[%add3A_185, %dma_start3A_206] : memref<10128x128xf32, #tpu.memory_space<vmem_shared>> -> memref<125x128xf32, #tpu.memory_space<vmem_shared>>
      tpu.enqueue_dma source(%dma_start3A_207 : memref<125x128xf32, #tpu.memory_space<vmem_shared>>) target(%arg17 : memref<125x128xf32, #tpu.memory_space<vmem>>) target_semaphore(%run_scoped3A : memref<!tpu.dma_semaphore, #tpu.memory_space<semaphore_mem>>)
      %dma_wait3A_208 = arith.constant 0 : i32
      %dma_wait3A_209 = tpu.memref_slice %arg24[%add3A_185, %dma_wait3A_208] : memref<10128x128xf32, #tpu.memory_space<vmem_shared>> -> memref<125x128xf32, #tpu.memory_space<vmem_shared>>
      %dma_wait3A_210 = arith.constant 0 : i32
      %dma_wait3A_211 = tpu.memref_slice %arg24[%add3A_185, %dma_wait3A_210] : memref<10128x128xf32, #tpu.memory_space<vmem_shared>> -> memref<125x128xf32, #tpu.memory_space<vmem_shared>>
      tpu.wait_dma2 semaphore(%run_scoped3A : memref<!tpu.dma_semaphore, #tpu.memory_space<semaphore_mem>>) src(%dma_wait3A_211 : memref<125x128xf32, #tpu.memory_space<vmem_shared>>) dst(%arg17 : memref<125x128xf32, #tpu.memory_space<vmem>>)
      tpu.yield
    }) : () -> ()
    %mul3A_186 = arith.constant 10000 : i32
    %mul3A_187 = arith.muli %arg0, %mul3A_186 : i32
    %mul3A_188 = arith.constant 625 : i32
    %mul3A_189 = arith.muli %arg1, %mul3A_188 : i32
    %add3A_190 = arith.addi %mul3A_187, %mul3A_189 : i32
    %add3A_191 = arith.constant 375 : i32
    %add3A_192 = arith.addi %add3A_190, %add3A_191 : i32
    "tpu.region"() ({
      %run_scoped3A = tpu.sem_alloc : memref<!tpu.dma_semaphore, #tpu.memory_space<semaphore_mem>>
      %dma_start3A_204 = arith.constant 0 : i32
      %dma_start3A_205 = tpu.memref_slice %arg6[%add3A_192, %dma_start3A_204] : memref<20000x128xf32, #tpu.memory_space<hbm>> -> memref<125x128xf32, #tpu.memory_space<hbm>>
      %dma_start3A_206 = arith.constant 0 : i32
      %dma_start3A_207 = tpu.memref_slice %arg6[%add3A_192, %dma_start3A_206] : memref<20000x128xf32, #tpu.memory_space<hbm>> -> memref<125x128xf32, #tpu.memory_space<hbm>>
      tpu.enqueue_dma source(%arg17 : memref<125x128xf32, #tpu.memory_space<vmem>>) target(%dma_start3A_207 : memref<125x128xf32, #tpu.memory_space<hbm>>) target_semaphore(%run_scoped3A : memref<!tpu.dma_semaphore, #tpu.memory_space<semaphore_mem>>)
      %dma_wait3A_208 = arith.constant 0 : i32
      %dma_wait3A_209 = tpu.memref_slice %arg6[%add3A_192, %dma_wait3A_208] : memref<20000x128xf32, #tpu.memory_space<hbm>> -> memref<125x128xf32, #tpu.memory_space<hbm>>
      %dma_wait3A_210 = arith.constant 0 : i32
      %dma_wait3A_211 = tpu.memref_slice %arg6[%add3A_192, %dma_wait3A_210] : memref<20000x128xf32, #tpu.memory_space<hbm>> -> memref<125x128xf32, #tpu.memory_space<hbm>>
      tpu.wait_dma2 semaphore(%run_scoped3A : memref<!tpu.dma_semaphore, #tpu.memory_space<semaphore_mem>>) src(%arg17 : memref<125x128xf32, #tpu.memory_space<vmem>>) dst(%dma_wait3A_211 : memref<125x128xf32, #tpu.memory_space<hbm>>)
      tpu.yield
    }) : () -> ()
    %mul3A_193 = arith.constant 625 : i32
    %mul3A_194 = arith.muli %arg1, %mul3A_193 : i32
    %add3A_195 = arith.constant 500 : i32
    %add3A_196 = arith.addi %mul3A_194, %add3A_195 : i32
    "tpu.region"() ({
      %run_scoped3A = tpu.sem_alloc : memref<!tpu.dma_semaphore, #tpu.memory_space<semaphore_mem>>
      %dma_start3A_204 = arith.constant 0 : i32
      %dma_start3A_205 = tpu.memref_slice %arg24[%add3A_196, %dma_start3A_204] : memref<10128x128xf32, #tpu.memory_space<vmem_shared>> -> memref<125x128xf32, #tpu.memory_space<vmem_shared>>
      %dma_start3A_206 = arith.constant 0 : i32
      %dma_start3A_207 = tpu.memref_slice %arg24[%add3A_196, %dma_start3A_206] : memref<10128x128xf32, #tpu.memory_space<vmem_shared>> -> memref<125x128xf32, #tpu.memory_space<vmem_shared>>
      tpu.enqueue_dma source(%dma_start3A_207 : memref<125x128xf32, #tpu.memory_space<vmem_shared>>) target(%arg17 : memref<125x128xf32, #tpu.memory_space<vmem>>) target_semaphore(%run_scoped3A : memref<!tpu.dma_semaphore, #tpu.memory_space<semaphore_mem>>)
      %dma_wait3A_208 = arith.constant 0 : i32
      %dma_wait3A_209 = tpu.memref_slice %arg24[%add3A_196, %dma_wait3A_208] : memref<10128x128xf32, #tpu.memory_space<vmem_shared>> -> memref<125x128xf32, #tpu.memory_space<vmem_shared>>
      %dma_wait3A_210 = arith.constant 0 : i32
      %dma_wait3A_211 = tpu.memref_slice %arg24[%add3A_196, %dma_wait3A_210] : memref<10128x128xf32, #tpu.memory_space<vmem_shared>> -> memref<125x128xf32, #tpu.memory_space<vmem_shared>>
      tpu.wait_dma2 semaphore(%run_scoped3A : memref<!tpu.dma_semaphore, #tpu.memory_space<semaphore_mem>>) src(%dma_wait3A_211 : memref<125x128xf32, #tpu.memory_space<vmem_shared>>) dst(%arg17 : memref<125x128xf32, #tpu.memory_space<vmem>>)
      tpu.yield
    }) : () -> ()
    %mul3A_197 = arith.constant 10000 : i32
    %mul3A_198 = arith.muli %arg0, %mul3A_197 : i32
    %mul3A_199 = arith.constant 625 : i32
    %mul3A_200 = arith.muli %arg1, %mul3A_199 : i32
    %add3A_201 = arith.addi %mul3A_198, %mul3A_200 : i32
    %add3A_202 = arith.constant 500 : i32
    %add3A_203 = arith.addi %add3A_201, %add3A_202 : i32
    "tpu.region"() ({
      %run_scoped3A = tpu.sem_alloc : memref<!tpu.dma_semaphore, #tpu.memory_space<semaphore_mem>>
      %dma_start3A_204 = arith.constant 0 : i32
      %dma_start3A_205 = tpu.memref_slice %arg6[%add3A_203, %dma_start3A_204] : memref<20000x128xf32, #tpu.memory_space<hbm>> -> memref<125x128xf32, #tpu.memory_space<hbm>>
      %dma_start3A_206 = arith.constant 0 : i32
      %dma_start3A_207 = tpu.memref_slice %arg6[%add3A_203, %dma_start3A_206] : memref<20000x128xf32, #tpu.memory_space<hbm>> -> memref<125x128xf32, #tpu.memory_space<hbm>>
      tpu.enqueue_dma source(%arg17 : memref<125x128xf32, #tpu.memory_space<vmem>>) target(%dma_start3A_207 : memref<125x128xf32, #tpu.memory_space<hbm>>) target_semaphore(%run_scoped3A : memref<!tpu.dma_semaphore, #tpu.memory_space<semaphore_mem>>)
      %dma_wait3A_208 = arith.constant 0 : i32
      %dma_wait3A_209 = tpu.memref_slice %arg6[%add3A_203, %dma_wait3A_208] : memref<20000x128xf32, #tpu.memory_space<hbm>> -> memref<125x128xf32, #tpu.memory_space<hbm>>
      %dma_wait3A_210 = arith.constant 0 : i32
      %dma_wait3A_211 = tpu.memref_slice %arg6[%add3A_203, %dma_wait3A_210] : memref<20000x128xf32, #tpu.memory_space<hbm>> -> memref<125x128xf32, #tpu.memory_space<hbm>>
      tpu.wait_dma2 semaphore(%run_scoped3A : memref<!tpu.dma_semaphore, #tpu.memory_space<semaphore_mem>>) src(%arg17 : memref<125x128xf32, #tpu.memory_space<vmem>>) dst(%dma_wait3A_211 : memref<125x128xf32, #tpu.memory_space<hbm>>)
      tpu.yield
    }) : () -> ()
    return
  }
}

#map = affine_map<(d0, d1) -> (0, 0)>
#map1 = affine_map<(d0, d1) -> (0)>
module attributes {stable_mosaic.version = 14 : i64} {
  func.func @_s2_kernel(%arg0: i32, %arg1: i32, %arg2: memref<10000x40xf32, #tpu.memory_space<hbm>>, %arg3: memref<163840xi32, #tpu.memory_space<hbm>>, %arg4: memref<163840xi32, #tpu.memory_space<hbm>>, %arg5: memref<1000x40xf32, #tpu.memory_space<hbm>>, %arg6: memref<20000x40xf32, #tpu.memory_space<hbm>>, %arg7: memref<128xi32, #tpu.memory_space<vmem>>, %arg8: memref<128xi32, #tpu.memory_space<vmem>>, %arg9: memref<128xi32, #tpu.memory_space<vmem>>, %arg10: memref<128xi32, #tpu.memory_space<vmem>>, %arg11: memref<128xi32, #tpu.memory_space<vmem>>, %arg12: memref<128xi32, #tpu.memory_space<vmem>>, %arg13: memref<128xi32, #tpu.memory_space<vmem>>, %arg14: memref<128xi32, #tpu.memory_space<vmem>>, %arg15: memref<128x40xf32, #tpu.memory_space<vmem>>, %arg16: memref<128x40xf32, #tpu.memory_space<vmem>>, %arg17: memref<1000x40xf32, #tpu.memory_space<vmem>>, %arg18: memref<!tpu.dma_semaphore, #tpu.memory_space<semaphore_mem>>, %arg19: memref<!tpu.dma_semaphore, #tpu.memory_space<semaphore_mem>>, %arg20: memref<!tpu.dma_semaphore, #tpu.memory_space<semaphore_mem>>, %arg21: memref<!tpu.dma_semaphore, #tpu.memory_space<semaphore_mem>>, %arg22: memref<!tpu.dma_semaphore, #tpu.memory_space<semaphore_mem>>, %arg23: memref<!tpu.dma_semaphore, #tpu.memory_space<semaphore_mem>>, %arg24: memref<10128x40xf32, #tpu.memory_space<vmem_shared>>) attributes {dimension_semantics = [#tpu.dimension_semantics<core_parallel>, #tpu.dimension_semantics<subcore_parallel>], iteration_bounds = array<i64: 2, 16>, scalar_prefetch = 0 : i64, scratch_operands = 18 : i64, tpu.core_type = #tpu.core_type<sc_vector_subcore>, window_params = [{transform_indices = #map}, {transform_indices = #map1}, {transform_indices = #map1}, {transform_indices = #map}, {transform_indices = #map}]} {
    %mul3A = arith.constant 2 : i32
    %mul3A_0 = arith.muli %arg1, %mul3A : i32
    %add3A = arith.addi %mul3A_0, %arg0 : i32
    "tpu.region"() ({
      %run_scoped3A = tpu.sem_alloc : memref<!tpu.dma_semaphore, #tpu.memory_space<semaphore_mem>>
      tpu.enqueue_dma source(%arg5 : memref<1000x40xf32, #tpu.memory_space<hbm>>) target(%arg17 : memref<1000x40xf32, #tpu.memory_space<vmem>>) target_semaphore(%run_scoped3A : memref<!tpu.dma_semaphore, #tpu.memory_space<semaphore_mem>>)
      tpu.wait_dma2 semaphore(%run_scoped3A : memref<!tpu.dma_semaphore, #tpu.memory_space<semaphore_mem>>) src(%arg5 : memref<1000x40xf32, #tpu.memory_space<hbm>>) dst(%arg17 : memref<1000x40xf32, #tpu.memory_space<vmem>>)
      tpu.yield
    }) : () -> ()
    %lt3A = arith.constant 10 : i32
    %lt3A_1 = arith.cmpi slt, %arg1, %lt3A : i32
    %convert_element_type3A = arith.extui %lt3A_1 : i1 to i32
    %cond3A = arith.constant 0 : i32
    %cond3A_2 = arith.cmpi ne, %convert_element_type3A, %cond3A : i32
    scf.if %cond3A_2 {
      %mul3A_107 = arith.constant 1000 : i32
      %mul3A_108 = arith.muli %arg1, %mul3A_107 : i32
      "tpu.region"() ({
        %run_scoped3A = tpu.sem_alloc : memref<!tpu.dma_semaphore, #tpu.memory_space<semaphore_mem>>
        %dma_start3A_109 = arith.constant 0 : i32
        %dma_start3A_110 = tpu.memref_slice %arg24[%mul3A_108, %dma_start3A_109] : memref<10128x40xf32, #tpu.memory_space<vmem_shared>> -> memref<1000x40xf32, #tpu.memory_space<vmem_shared>>
        %dma_start3A_111 = arith.constant 0 : i32
        %dma_start3A_112 = tpu.memref_slice %arg24[%mul3A_108, %dma_start3A_111] : memref<10128x40xf32, #tpu.memory_space<vmem_shared>> -> memref<1000x40xf32, #tpu.memory_space<vmem_shared>>
        tpu.enqueue_dma source(%arg17 : memref<1000x40xf32, #tpu.memory_space<vmem>>) target(%dma_start3A_112 : memref<1000x40xf32, #tpu.memory_space<vmem_shared>>) target_semaphore(%run_scoped3A : memref<!tpu.dma_semaphore, #tpu.memory_space<semaphore_mem>>)
        %dma_wait3A_113 = arith.constant 0 : i32
        %dma_wait3A_114 = tpu.memref_slice %arg24[%mul3A_108, %dma_wait3A_113] : memref<10128x40xf32, #tpu.memory_space<vmem_shared>> -> memref<1000x40xf32, #tpu.memory_space<vmem_shared>>
        %dma_wait3A_115 = arith.constant 0 : i32
        %dma_wait3A_116 = tpu.memref_slice %arg24[%mul3A_108, %dma_wait3A_115] : memref<10128x40xf32, #tpu.memory_space<vmem_shared>> -> memref<1000x40xf32, #tpu.memory_space<vmem_shared>>
        tpu.wait_dma2 semaphore(%run_scoped3A : memref<!tpu.dma_semaphore, #tpu.memory_space<semaphore_mem>>) src(%arg17 : memref<1000x40xf32, #tpu.memory_space<vmem>>) dst(%dma_wait3A_116 : memref<1000x40xf32, #tpu.memory_space<vmem_shared>>)
        tpu.yield
      }) : () -> ()
    } else {
    }
    %barrier3A = arith.constant 0 : index
    tpu.barrier barrier_id(%barrier3A)
    %add3A_3 = arith.constant 0 : i32
    %add3A_4 = arith.addi %add3A, %add3A_3 : i32
    %mul3A_5 = arith.constant 128 : i32
    %mul3A_6 = arith.muli %add3A_4, %mul3A_5 : i32
    %dma_start3A = tpu.memref_slice %arg3[%mul3A_6] : memref<163840xi32, #tpu.memory_space<hbm>> -> memref<128xi32, #tpu.memory_space<hbm>>
    %dma_start3A_7 = tpu.memref_slice %arg3[%mul3A_6] : memref<163840xi32, #tpu.memory_space<hbm>> -> memref<128xi32, #tpu.memory_space<hbm>>
    tpu.enqueue_dma source(%dma_start3A_7 : memref<128xi32, #tpu.memory_space<hbm>>) target(%arg7 : memref<128xi32, #tpu.memory_space<vmem>>) target_semaphore(%arg18 : memref<!tpu.dma_semaphore, #tpu.memory_space<semaphore_mem>>)
    %add3A_8 = arith.constant 0 : i32
    %add3A_9 = arith.addi %add3A, %add3A_8 : i32
    %mul3A_10 = arith.constant 128 : i32
    %mul3A_11 = arith.muli %add3A_9, %mul3A_10 : i32
    %dma_start3A_12 = tpu.memref_slice %arg4[%mul3A_11] : memref<163840xi32, #tpu.memory_space<hbm>> -> memref<128xi32, #tpu.memory_space<hbm>>
    %dma_start3A_13 = tpu.memref_slice %arg4[%mul3A_11] : memref<163840xi32, #tpu.memory_space<hbm>> -> memref<128xi32, #tpu.memory_space<hbm>>
    tpu.enqueue_dma source(%dma_start3A_13 : memref<128xi32, #tpu.memory_space<hbm>>) target(%arg9 : memref<128xi32, #tpu.memory_space<vmem>>) target_semaphore(%arg18 : memref<!tpu.dma_semaphore, #tpu.memory_space<semaphore_mem>>)
    %dma_wait3A = arith.constant 0 : i32
    %dma_wait3A_14 = tpu.memref_slice %arg3[%dma_wait3A] : memref<163840xi32, #tpu.memory_space<hbm>> -> memref<128xi32, #tpu.memory_space<hbm>>
    %dma_wait3A_15 = arith.constant 0 : i32
    %dma_wait3A_16 = tpu.memref_slice %arg3[%dma_wait3A_15] : memref<163840xi32, #tpu.memory_space<hbm>> -> memref<128xi32, #tpu.memory_space<hbm>>
    tpu.wait_dma2 semaphore(%arg18 : memref<!tpu.dma_semaphore, #tpu.memory_space<semaphore_mem>>) src(%dma_wait3A_16 : memref<128xi32, #tpu.memory_space<hbm>>) dst(%arg7 : memref<128xi32, #tpu.memory_space<vmem>>)
    %dma_wait3A_17 = arith.constant 0 : i32
    %dma_wait3A_18 = tpu.memref_slice %arg4[%dma_wait3A_17] : memref<163840xi32, #tpu.memory_space<hbm>> -> memref<128xi32, #tpu.memory_space<hbm>>
    %dma_wait3A_19 = arith.constant 0 : i32
    %dma_wait3A_20 = tpu.memref_slice %arg4[%dma_wait3A_19] : memref<163840xi32, #tpu.memory_space<hbm>> -> memref<128xi32, #tpu.memory_space<hbm>>
    tpu.wait_dma2 semaphore(%arg18 : memref<!tpu.dma_semaphore, #tpu.memory_space<semaphore_mem>>) src(%dma_wait3A_20 : memref<128xi32, #tpu.memory_space<hbm>>) dst(%arg9 : memref<128xi32, #tpu.memory_space<vmem>>)
    %get3A = arith.constant 0 : index
    %get3A_21 = tpu.vector_load %arg7[%get3A] {strides = array<i32>} : memref<128xi32, #tpu.memory_space<vmem>>, vector<16xi32>,
    %get3A_22 = vector.shape_cast %get3A_21 : vector<16xi32> to vector<16xi32>
    %swap3A = arith.constant 0 : index
    %swap3A_23 = tpu.vector_load %arg11[%swap3A] {strides = array<i32>} : memref<128xi32, #tpu.memory_space<vmem>>, vector<16xi32>,
    %swap3A_24 = vector.shape_cast %swap3A_23 : vector<16xi32> to vector<16xi32>
    %swap3A_25 = vector.shape_cast %get3A_22 : vector<16xi32> to vector<16xi32>
    tpu.vector_store %arg11[%swap3A], %swap3A_25 {strides = array<i32>} : memref<128xi32, #tpu.memory_space<vmem>>, vector<16xi32>,
    %get3A_26 = arith.constant 16 : index
    %get3A_27 = tpu.vector_load %arg7[%get3A_26] {strides = array<i32>} : memref<128xi32, #tpu.memory_space<vmem>>, vector<16xi32>,
    %get3A_28 = vector.shape_cast %get3A_27 : vector<16xi32> to vector<16xi32>
    %swap3A_29 = arith.constant 16 : index
    %swap3A_30 = tpu.vector_load %arg11[%swap3A_29] {strides = array<i32>} : memref<128xi32, #tpu.memory_space<vmem>>, vector<16xi32>,
    %swap3A_31 = vector.shape_cast %swap3A_30 : vector<16xi32> to vector<16xi32>
    %swap3A_32 = vector.shape_cast %get3A_28 : vector<16xi32> to vector<16xi32>
    tpu.vector_store %arg11[%swap3A_29], %swap3A_32 {strides = array<i32>} : memref<128xi32, #tpu.memory_space<vmem>>, vector<16xi32>,
    %get3A_33 = arith.constant 32 : index
    %get3A_34 = tpu.vector_load %arg7[%get3A_33] {strides = array<i32>} : memref<128xi32, #tpu.memory_space<vmem>>, vector<16xi32>,
    %get3A_35 = vector.shape_cast %get3A_34 : vector<16xi32> to vector<16xi32>
    %swap3A_36 = arith.constant 32 : index
    %swap3A_37 = tpu.vector_load %arg11[%swap3A_36] {strides = array<i32>} : memref<128xi32, #tpu.memory_space<vmem>>, vector<16xi32>,
    %swap3A_38 = vector.shape_cast %swap3A_37 : vector<16xi32> to vector<16xi32>
    %swap3A_39 = vector.shape_cast %get3A_35 : vector<16xi32> to vector<16xi32>
    tpu.vector_store %arg11[%swap3A_36], %swap3A_39 {strides = array<i32>} : memref<128xi32, #tpu.memory_space<vmem>>, vector<16xi32>,
    %get3A_40 = arith.constant 48 : index
    %get3A_41 = tpu.vector_load %arg7[%get3A_40] {strides = array<i32>} : memref<128xi32, #tpu.memory_space<vmem>>, vector<16xi32>,
    %get3A_42 = vector.shape_cast %get3A_41 : vector<16xi32> to vector<16xi32>
    %swap3A_43 = arith.constant 48 : index
    %swap3A_44 = tpu.vector_load %arg11[%swap3A_43] {strides = array<i32>} : memref<128xi32, #tpu.memory_space<vmem>>, vector<16xi32>,
    %swap3A_45 = vector.shape_cast %swap3A_44 : vector<16xi32> to vector<16xi32>
    %swap3A_46 = vector.shape_cast %get3A_42 : vector<16xi32> to vector<16xi32>
    tpu.vector_store %arg11[%swap3A_43], %swap3A_46 {strides = array<i32>} : memref<128xi32, #tpu.memory_space<vmem>>, vector<16xi32>,
    %get3A_47 = arith.constant 64 : index
    %get3A_48 = tpu.vector_load %arg7[%get3A_47] {strides = array<i32>} : memref<128xi32, #tpu.memory_space<vmem>>, vector<16xi32>,
    %get3A_49 = vector.shape_cast %get3A_48 : vector<16xi32> to vector<16xi32>
    %swap3A_50 = arith.constant 64 : index
    %swap3A_51 = tpu.vector_load %arg11[%swap3A_50] {strides = array<i32>} : memref<128xi32, #tpu.memory_space<vmem>>, vector<16xi32>,
    %swap3A_52 = vector.shape_cast %swap3A_51 : vector<16xi32> to vector<16xi32>
    %swap3A_53 = vector.shape_cast %get3A_49 : vector<16xi32> to vector<16xi32>
    tpu.vector_store %arg11[%swap3A_50], %swap3A_53 {strides = array<i32>} : memref<128xi32, #tpu.memory_space<vmem>>, vector<16xi32>,
    %get3A_54 = arith.constant 80 : index
    %get3A_55 = tpu.vector_load %arg7[%get3A_54] {strides = array<i32>} : memref<128xi32, #tpu.memory_space<vmem>>, vector<16xi32>,
    %get3A_56 = vector.shape_cast %get3A_55 : vector<16xi32> to vector<16xi32>
    %swap3A_57 = arith.constant 80 : index
    %swap3A_58 = tpu.vector_load %arg11[%swap3A_57] {strides = array<i32>} : memref<128xi32, #tpu.memory_space<vmem>>, vector<16xi32>,
    %swap3A_59 = vector.shape_cast %swap3A_58 : vector<16xi32> to vector<16xi32>
    %swap3A_60 = vector.shape_cast %get3A_56 : vector<16xi32> to vector<16xi32>
    tpu.vector_store %arg11[%swap3A_57], %swap3A_60 {strides = array<i32>} : memref<128xi32, #tpu.memory_space<vmem>>, vector<16xi32>,
    %get3A_61 = arith.constant 96 : index
    %get3A_62 = tpu.vector_load %arg7[%get3A_61] {strides = array<i32>} : memref<128xi32, #tpu.memory_space<vmem>>, vector<16xi32>,
    %get3A_63 = vector.shape_cast %get3A_62 : vector<16xi32> to vector<16xi32>
    %swap3A_64 = arith.constant 96 : index
    %swap3A_65 = tpu.vector_load %arg11[%swap3A_64] {strides = array<i32>} : memref<128xi32, #tpu.memory_space<vmem>>, vector<16xi32>,
    %swap3A_66 = vector.shape_cast %swap3A_65 : vector<16xi32> to vector<16xi32>
    %swap3A_67 = vector.shape_cast %get3A_63 : vector<16xi32> to vector<16xi32>
    tpu.vector_store %arg11[%swap3A_64], %swap3A_67 {strides = array<i32>} : memref<128xi32, #tpu.memory_space<vmem>>, vector<16xi32>,
    %get3A_68 = arith.constant 112 : index
    %get3A_69 = tpu.vector_load %arg7[%get3A_68] {strides = array<i32>} : memref<128xi32, #tpu.memory_space<vmem>>, vector<16xi32>,
    %get3A_70 = vector.shape_cast %get3A_69 : vector<16xi32> to vector<16xi32>
    %swap3A_71 = arith.constant 112 : index
    %swap3A_72 = tpu.vector_load %arg11[%swap3A_71] {strides = array<i32>} : memref<128xi32, #tpu.memory_space<vmem>>, vector<16xi32>,
    %swap3A_73 = vector.shape_cast %swap3A_72 : vector<16xi32> to vector<16xi32>
    %swap3A_74 = vector.shape_cast %get3A_70 : vector<16xi32> to vector<16xi32>
    tpu.vector_store %arg11[%swap3A_71], %swap3A_74 {strides = array<i32>} : memref<128xi32, #tpu.memory_space<vmem>>, vector<16xi32>,
    %dma_start3A_75 = arith.constant 0 : i32
    %dma_start3A_76 = arith.constant 0 : i32
    %dma_start3A_77 = tpu.memref_slice %arg2[%dma_start3A_75, %dma_start3A_76] : memref<10000x40xf32, #tpu.memory_space<hbm>> -> memref<10000x40xf32, #tpu.memory_space<hbm>>
    tpu.enqueue_indirect_dma source(%dma_start3A_77 : memref<10000x40xf32, #tpu.memory_space<hbm>>) target(%arg15 : memref<128x40xf32, #tpu.memory_space<vmem>>) offsets(%arg11 : memref<128xi32, #tpu.memory_space<vmem>>) semaphore(%arg20 : memref<!tpu.dma_semaphore, #tpu.memory_space<semaphore_mem>>)
    %add3A_78 = arith.constant 32 : i32
    %add3A_79 = arith.addi %add3A, %add3A_78 : i32
    %mul3A_80 = arith.constant 128 : i32
    %mul3A_81 = arith.muli %add3A_79, %mul3A_80 : i32
    %dma_start3A_82 = tpu.memref_slice %arg3[%mul3A_81] : memref<163840xi32, #tpu.memory_space<hbm>> -> memref<128xi32, #tpu.memory_space<hbm>>
    %dma_start3A_83 = tpu.memref_slice %arg3[%mul3A_81] : memref<163840xi32, #tpu.memory_space<hbm>> -> memref<128xi32, #tpu.memory_space<hbm>>
    tpu.enqueue_dma source(%dma_start3A_83 : memref<128xi32, #tpu.memory_space<hbm>>) target(%arg8 : memref<128xi32, #tpu.memory_space<vmem>>) target_semaphore(%arg19 : memref<!tpu.dma_semaphore, #tpu.memory_space<semaphore_mem>>)
    %add3A_84 = arith.constant 32 : i32
    %add3A_85 = arith.addi %add3A, %add3A_84 : i32
    %mul3A_86 = arith.constant 128 : i32
    %mul3A_87 = arith.muli %add3A_85, %mul3A_86 : i32
    %dma_start3A_88 = tpu.memref_slice %arg4[%mul3A_87] : memref<163840xi32, #tpu.memory_space<hbm>> -> memref<128xi32, #tpu.memory_space<hbm>>
    %dma_start3A_89 = tpu.memref_slice %arg4[%mul3A_87] : memref<163840xi32, #tpu.memory_space<hbm>> -> memref<128xi32, #tpu.memory_space<hbm>>
    tpu.enqueue_dma source(%dma_start3A_89 : memref<128xi32, #tpu.memory_space<hbm>>) target(%arg10 : memref<128xi32, #tpu.memory_space<vmem>>) target_semaphore(%arg19 : memref<!tpu.dma_semaphore, #tpu.memory_space<semaphore_mem>>)
    %scan3A = arith.constant 0 : i32
    %scan3A_90 = arith.constant 0 : i32
    %scan3A_91 = arith.constant 20 : i32
    %scan3A_92 = arith.addi %scan3A_90, %scan3A_91 : i32
    %scan3A_93 = arith.constant 1 : i32
    scf.for %scan3A_107 = %scan3A_90 to %scan3A_92 step %scan3A_93  : i32 {
      %mul3A_108 = arith.constant 2 : i32
      %mul3A_109 = arith.muli %mul3A_108, %scan3A_107 : i32
      %dma_wait3A_110 = arith.constant 0 : i32
      %dma_wait3A_111 = arith.constant 0 : i32
      %dma_wait3A_112 = tpu.memref_slice %arg2[%dma_wait3A_110, %dma_wait3A_111] : memref<10000x40xf32, #tpu.memory_space<hbm>> -> memref<10000x40xf32, #tpu.memory_space<hbm>>
      tpu.wait_indirect_dma semaphore(%arg20 : memref<!tpu.dma_semaphore, #tpu.memory_space<semaphore_mem>>) src(%dma_wait3A_112 : memref<10000x40xf32, #tpu.memory_space<hbm>>) dst(%arg15 : memref<128x40xf32, #tpu.memory_space<vmem>>)
      %get3A_113 = arith.constant 0 : index
      %get3A_114 = tpu.vector_load %arg9[%get3A_113] {strides = array<i32>} : memref<128xi32, #tpu.memory_space<vmem>>, vector<16xi32>,
      %get3A_115 = vector.shape_cast %get3A_114 : vector<16xi32> to vector<16xi32>
      %swap3A_116 = arith.constant 0 : index
      %swap3A_117 = tpu.vector_load %arg13[%swap3A_116] {strides = array<i32>} : memref<128xi32, #tpu.memory_space<vmem>>, vector<16xi32>,
      %swap3A_118 = vector.shape_cast %swap3A_117 : vector<16xi32> to vector<16xi32>
      %swap3A_119 = vector.shape_cast %get3A_115 : vector<16xi32> to vector<16xi32>
      tpu.vector_store %arg13[%swap3A_116], %swap3A_119 {strides = array<i32>} : memref<128xi32, #tpu.memory_space<vmem>>, vector<16xi32>,
      %get3A_120 = arith.constant 16 : index
      %get3A_121 = tpu.vector_load %arg9[%get3A_120] {strides = array<i32>} : memref<128xi32, #tpu.memory_space<vmem>>, vector<16xi32>,
      %get3A_122 = vector.shape_cast %get3A_121 : vector<16xi32> to vector<16xi32>
      %swap3A_123 = arith.constant 16 : index
      %swap3A_124 = tpu.vector_load %arg13[%swap3A_123] {strides = array<i32>} : memref<128xi32, #tpu.memory_space<vmem>>, vector<16xi32>,
      %swap3A_125 = vector.shape_cast %swap3A_124 : vector<16xi32> to vector<16xi32>
      %swap3A_126 = vector.shape_cast %get3A_122 : vector<16xi32> to vector<16xi32>
      tpu.vector_store %arg13[%swap3A_123], %swap3A_126 {strides = array<i32>} : memref<128xi32, #tpu.memory_space<vmem>>, vector<16xi32>,
      %get3A_127 = arith.constant 32 : index
      %get3A_128 = tpu.vector_load %arg9[%get3A_127] {strides = array<i32>} : memref<128xi32, #tpu.memory_space<vmem>>, vector<16xi32>,
      %get3A_129 = vector.shape_cast %get3A_128 : vector<16xi32> to vector<16xi32>
      %swap3A_130 = arith.constant 32 : index
      %swap3A_131 = tpu.vector_load %arg13[%swap3A_130] {strides = array<i32>} : memref<128xi32, #tpu.memory_space<vmem>>, vector<16xi32>,
      %swap3A_132 = vector.shape_cast %swap3A_131 : vector<16xi32> to vector<16xi32>
      %swap3A_133 = vector.shape_cast %get3A_129 : vector<16xi32> to vector<16xi32>
      tpu.vector_store %arg13[%swap3A_130], %swap3A_133 {strides = array<i32>} : memref<128xi32, #tpu.memory_space<vmem>>, vector<16xi32>,
      %get3A_134 = arith.constant 48 : index
      %get3A_135 = tpu.vector_load %arg9[%get3A_134] {strides = array<i32>} : memref<128xi32, #tpu.memory_space<vmem>>, vector<16xi32>,
      %get3A_136 = vector.shape_cast %get3A_135 : vector<16xi32> to vector<16xi32>
      %swap3A_137 = arith.constant 48 : index
      %swap3A_138 = tpu.vector_load %arg13[%swap3A_137] {strides = array<i32>} : memref<128xi32, #tpu.memory_space<vmem>>, vector<16xi32>,
      %swap3A_139 = vector.shape_cast %swap3A_138 : vector<16xi32> to vector<16xi32>
      %swap3A_140 = vector.shape_cast %get3A_136 : vector<16xi32> to vector<16xi32>
      tpu.vector_store %arg13[%swap3A_137], %swap3A_140 {strides = array<i32>} : memref<128xi32, #tpu.memory_space<vmem>>, vector<16xi32>,
      %get3A_141 = arith.constant 64 : index
      %get3A_142 = tpu.vector_load %arg9[%get3A_141] {strides = array<i32>} : memref<128xi32, #tpu.memory_space<vmem>>, vector<16xi32>,
      %get3A_143 = vector.shape_cast %get3A_142 : vector<16xi32> to vector<16xi32>
      %swap3A_144 = arith.constant 64 : index
      %swap3A_145 = tpu.vector_load %arg13[%swap3A_144] {strides = array<i32>} : memref<128xi32, #tpu.memory_space<vmem>>, vector<16xi32>,
      %swap3A_146 = vector.shape_cast %swap3A_145 : vector<16xi32> to vector<16xi32>
      %swap3A_147 = vector.shape_cast %get3A_143 : vector<16xi32> to vector<16xi32>
      tpu.vector_store %arg13[%swap3A_144], %swap3A_147 {strides = array<i32>} : memref<128xi32, #tpu.memory_space<vmem>>, vector<16xi32>,
      %get3A_148 = arith.constant 80 : index
      %get3A_149 = tpu.vector_load %arg9[%get3A_148] {strides = array<i32>} : memref<128xi32, #tpu.memory_space<vmem>>, vector<16xi32>,
      %get3A_150 = vector.shape_cast %get3A_149 : vector<16xi32> to vector<16xi32>
      %swap3A_151 = arith.constant 80 : index
      %swap3A_152 = tpu.vector_load %arg13[%swap3A_151] {strides = array<i32>} : memref<128xi32, #tpu.memory_space<vmem>>, vector<16xi32>,
      %swap3A_153 = vector.shape_cast %swap3A_152 : vector<16xi32> to vector<16xi32>
      %swap3A_154 = vector.shape_cast %get3A_150 : vector<16xi32> to vector<16xi32>
      tpu.vector_store %arg13[%swap3A_151], %swap3A_154 {strides = array<i32>} : memref<128xi32, #tpu.memory_space<vmem>>, vector<16xi32>,
      %get3A_155 = arith.constant 96 : index
      %get3A_156 = tpu.vector_load %arg9[%get3A_155] {strides = array<i32>} : memref<128xi32, #tpu.memory_space<vmem>>, vector<16xi32>,
      %get3A_157 = vector.shape_cast %get3A_156 : vector<16xi32> to vector<16xi32>
      %swap3A_158 = arith.constant 96 : index
      %swap3A_159 = tpu.vector_load %arg13[%swap3A_158] {strides = array<i32>} : memref<128xi32, #tpu.memory_space<vmem>>, vector<16xi32>,
      %swap3A_160 = vector.shape_cast %swap3A_159 : vector<16xi32> to vector<16xi32>
      %swap3A_161 = vector.shape_cast %get3A_157 : vector<16xi32> to vector<16xi32>
      tpu.vector_store %arg13[%swap3A_158], %swap3A_161 {strides = array<i32>} : memref<128xi32, #tpu.memory_space<vmem>>, vector<16xi32>,
      %get3A_162 = arith.constant 112 : index
      %get3A_163 = tpu.vector_load %arg9[%get3A_162] {strides = array<i32>} : memref<128xi32, #tpu.memory_space<vmem>>, vector<16xi32>,
      %get3A_164 = vector.shape_cast %get3A_163 : vector<16xi32> to vector<16xi32>
      %swap3A_165 = arith.constant 112 : index
      %swap3A_166 = tpu.vector_load %arg13[%swap3A_165] {strides = array<i32>} : memref<128xi32, #tpu.memory_space<vmem>>, vector<16xi32>,
      %swap3A_167 = vector.shape_cast %swap3A_166 : vector<16xi32> to vector<16xi32>
      %swap3A_168 = vector.shape_cast %get3A_164 : vector<16xi32> to vector<16xi32>
      tpu.vector_store %arg13[%swap3A_165], %swap3A_168 {strides = array<i32>} : memref<128xi32, #tpu.memory_space<vmem>>, vector<16xi32>,
      %add3A_169 = arith.constant 1 : i32
      %add3A_170 = arith.addi %mul3A_109, %add3A_169 : i32
      %lt3A_171 = arith.constant 40 : i32
      %lt3A_172 = arith.cmpi slt, %add3A_170, %lt3A_171 : i32
      %convert_element_type3A_173 = arith.extui %lt3A_172 : i1 to i32
      %cond3A_174 = arith.constant 0 : i32
      %cond3A_175 = arith.cmpi ne, %convert_element_type3A_173, %cond3A_174 : i32
      scf.if %cond3A_175 {
        %dma_wait3A_266 = arith.constant 0 : i32
        %dma_wait3A_267 = tpu.memref_slice %arg3[%dma_wait3A_266] : memref<163840xi32, #tpu.memory_space<hbm>> -> memref<128xi32, #tpu.memory_space<hbm>>
        %dma_wait3A_268 = arith.constant 0 : i32
        %dma_wait3A_269 = tpu.memref_slice %arg3[%dma_wait3A_268] : memref<163840xi32, #tpu.memory_space<hbm>> -> memref<128xi32, #tpu.memory_space<hbm>>
        tpu.wait_dma2 semaphore(%arg19 : memref<!tpu.dma_semaphore, #tpu.memory_space<semaphore_mem>>) src(%dma_wait3A_269 : memref<128xi32, #tpu.memory_space<hbm>>) dst(%arg8 : memref<128xi32, #tpu.memory_space<vmem>>)
        %dma_wait3A_270 = arith.constant 0 : i32
        %dma_wait3A_271 = tpu.memref_slice %arg4[%dma_wait3A_270] : memref<163840xi32, #tpu.memory_space<hbm>> -> memref<128xi32, #tpu.memory_space<hbm>>
        %dma_wait3A_272 = arith.constant 0 : i32
        %dma_wait3A_273 = tpu.memref_slice %arg4[%dma_wait3A_272] : memref<163840xi32, #tpu.memory_space<hbm>> -> memref<128xi32, #tpu.memory_space<hbm>>
        tpu.wait_dma2 semaphore(%arg19 : memref<!tpu.dma_semaphore, #tpu.memory_space<semaphore_mem>>) src(%dma_wait3A_273 : memref<128xi32, #tpu.memory_space<hbm>>) dst(%arg10 : memref<128xi32, #tpu.memory_space<vmem>>)
        %ge3A = arith.constant 1 : i32
        %ge3A_274 = arith.cmpi sge, %mul3A_109, %ge3A : i32
        %convert_element_type3A_275 = arith.extui %ge3A_274 : i1 to i32
        %cond3A_276 = arith.constant 0 : i32
        %cond3A_277 = arith.cmpi ne, %convert_element_type3A_275, %cond3A_276 : i32
        scf.if %cond3A_277 {
          %dma_wait3A_337 = arith.constant 0 : i32
          %dma_wait3A_338 = arith.constant 0 : i32
          %dma_wait3A_339 = tpu.memref_slice %arg24[%dma_wait3A_337, %dma_wait3A_338] : memref<10128x40xf32, #tpu.memory_space<vmem_shared>> -> memref<10128x40xf32, #tpu.memory_space<vmem_shared>>
          tpu.wait_indirect_dma semaphore(%arg23 : memref<!tpu.dma_semaphore, #tpu.memory_space<semaphore_mem>>) src(%arg16 : memref<128x40xf32, #tpu.memory_space<vmem>>) dst(%dma_wait3A_339 : memref<10128x40xf32, #tpu.memory_space<vmem_shared>>)
        } else {
        }
        %get3A_278 = arith.constant 0 : index
        %get3A_279 = tpu.vector_load %arg8[%get3A_278] {strides = array<i32>} : memref<128xi32, #tpu.memory_space<vmem>>, vector<16xi32>,
        %get3A_280 = vector.shape_cast %get3A_279 : vector<16xi32> to vector<16xi32>
        %swap3A_281 = arith.constant 0 : index
        %swap3A_282 = tpu.vector_load %arg12[%swap3A_281] {strides = array<i32>} : memref<128xi32, #tpu.memory_space<vmem>>, vector<16xi32>,
        %swap3A_283 = vector.shape_cast %swap3A_282 : vector<16xi32> to vector<16xi32>
        %swap3A_284 = vector.shape_cast %get3A_280 : vector<16xi32> to vector<16xi32>
        tpu.vector_store %arg12[%swap3A_281], %swap3A_284 {strides = array<i32>} : memref<128xi32, #tpu.memory_space<vmem>>, vector<16xi32>,
        %get3A_285 = arith.constant 16 : index
        %get3A_286 = tpu.vector_load %arg8[%get3A_285] {strides = array<i32>} : memref<128xi32, #tpu.memory_space<vmem>>, vector<16xi32>,
        %get3A_287 = vector.shape_cast %get3A_286 : vector<16xi32> to vector<16xi32>
        %swap3A_288 = arith.constant 16 : index
        %swap3A_289 = tpu.vector_load %arg12[%swap3A_288] {strides = array<i32>} : memref<128xi32, #tpu.memory_space<vmem>>, vector<16xi32>,
        %swap3A_290 = vector.shape_cast %swap3A_289 : vector<16xi32> to vector<16xi32>
        %swap3A_291 = vector.shape_cast %get3A_287 : vector<16xi32> to vector<16xi32>
        tpu.vector_store %arg12[%swap3A_288], %swap3A_291 {strides = array<i32>} : memref<128xi32, #tpu.memory_space<vmem>>, vector<16xi32>,
        %get3A_292 = arith.constant 32 : index
        %get3A_293 = tpu.vector_load %arg8[%get3A_292] {strides = array<i32>} : memref<128xi32, #tpu.memory_space<vmem>>, vector<16xi32>,
        %get3A_294 = vector.shape_cast %get3A_293 : vector<16xi32> to vector<16xi32>
        %swap3A_295 = arith.constant 32 : index
        %swap3A_296 = tpu.vector_load %arg12[%swap3A_295] {strides = array<i32>} : memref<128xi32, #tpu.memory_space<vmem>>, vector<16xi32>,
        %swap3A_297 = vector.shape_cast %swap3A_296 : vector<16xi32> to vector<16xi32>
        %swap3A_298 = vector.shape_cast %get3A_294 : vector<16xi32> to vector<16xi32>
        tpu.vector_store %arg12[%swap3A_295], %swap3A_298 {strides = array<i32>} : memref<128xi32, #tpu.memory_space<vmem>>, vector<16xi32>,
        %get3A_299 = arith.constant 48 : index
        %get3A_300 = tpu.vector_load %arg8[%get3A_299] {strides = array<i32>} : memref<128xi32, #tpu.memory_space<vmem>>, vector<16xi32>,
        %get3A_301 = vector.shape_cast %get3A_300 : vector<16xi32> to vector<16xi32>
        %swap3A_302 = arith.constant 48 : index
        %swap3A_303 = tpu.vector_load %arg12[%swap3A_302] {strides = array<i32>} : memref<128xi32, #tpu.memory_space<vmem>>, vector<16xi32>,
        %swap3A_304 = vector.shape_cast %swap3A_303 : vector<16xi32> to vector<16xi32>
        %swap3A_305 = vector.shape_cast %get3A_301 : vector<16xi32> to vector<16xi32>
        tpu.vector_store %arg12[%swap3A_302], %swap3A_305 {strides = array<i32>} : memref<128xi32, #tpu.memory_space<vmem>>, vector<16xi32>,
        %get3A_306 = arith.constant 64 : index
        %get3A_307 = tpu.vector_load %arg8[%get3A_306] {strides = array<i32>} : memref<128xi32, #tpu.memory_space<vmem>>, vector<16xi32>,
        %get3A_308 = vector.shape_cast %get3A_307 : vector<16xi32> to vector<16xi32>
        %swap3A_309 = arith.constant 64 : index
        %swap3A_310 = tpu.vector_load %arg12[%swap3A_309] {strides = array<i32>} : memref<128xi32, #tpu.memory_space<vmem>>, vector<16xi32>,
        %swap3A_311 = vector.shape_cast %swap3A_310 : vector<16xi32> to vector<16xi32>
        %swap3A_312 = vector.shape_cast %get3A_308 : vector<16xi32> to vector<16xi32>
        tpu.vector_store %arg12[%swap3A_309], %swap3A_312 {strides = array<i32>} : memref<128xi32, #tpu.memory_space<vmem>>, vector<16xi32>,
        %get3A_313 = arith.constant 80 : index
        %get3A_314 = tpu.vector_load %arg8[%get3A_313] {strides = array<i32>} : memref<128xi32, #tpu.memory_space<vmem>>, vector<16xi32>,
        %get3A_315 = vector.shape_cast %get3A_314 : vector<16xi32> to vector<16xi32>
        %swap3A_316 = arith.constant 80 : index
        %swap3A_317 = tpu.vector_load %arg12[%swap3A_316] {strides = array<i32>} : memref<128xi32, #tpu.memory_space<vmem>>, vector<16xi32>,
        %swap3A_318 = vector.shape_cast %swap3A_317 : vector<16xi32> to vector<16xi32>
        %swap3A_319 = vector.shape_cast %get3A_315 : vector<16xi32> to vector<16xi32>
        tpu.vector_store %arg12[%swap3A_316], %swap3A_319 {strides = array<i32>} : memref<128xi32, #tpu.memory_space<vmem>>, vector<16xi32>,
        %get3A_320 = arith.constant 96 : index
        %get3A_321 = tpu.vector_load %arg8[%get3A_320] {strides = array<i32>} : memref<128xi32, #tpu.memory_space<vmem>>, vector<16xi32>,
        %get3A_322 = vector.shape_cast %get3A_321 : vector<16xi32> to vector<16xi32>
        %swap3A_323 = arith.constant 96 : index
        %swap3A_324 = tpu.vector_load %arg12[%swap3A_323] {strides = array<i32>} : memref<128xi32, #tpu.memory_space<vmem>>, vector<16xi32>,
        %swap3A_325 = vector.shape_cast %swap3A_324 : vector<16xi32> to vector<16xi32>
        %swap3A_326 = vector.shape_cast %get3A_322 : vector<16xi32> to vector<16xi32>
        tpu.vector_store %arg12[%swap3A_323], %swap3A_326 {strides = array<i32>} : memref<128xi32, #tpu.memory_space<vmem>>, vector<16xi32>,
        %get3A_327 = arith.constant 112 : index
        %get3A_328 = tpu.vector_load %arg8[%get3A_327] {strides = array<i32>} : memref<128xi32, #tpu.memory_space<vmem>>, vector<16xi32>,
        %get3A_329 = vector.shape_cast %get3A_328 : vector<16xi32> to vector<16xi32>
        %swap3A_330 = arith.constant 112 : index
        %swap3A_331 = tpu.vector_load %arg12[%swap3A_330] {strides = array<i32>} : memref<128xi32, #tpu.memory_space<vmem>>, vector<16xi32>,
        %swap3A_332 = vector.shape_cast %swap3A_331 : vector<16xi32> to vector<16xi32>
        %swap3A_333 = vector.shape_cast %get3A_329 : vector<16xi32> to vector<16xi32>
        tpu.vector_store %arg12[%swap3A_330], %swap3A_333 {strides = array<i32>} : memref<128xi32, #tpu.memory_space<vmem>>, vector<16xi32>,
        %dma_start3A_334 = arith.constant 0 : i32
        %dma_start3A_335 = arith.constant 0 : i32
        %dma_start3A_336 = tpu.memref_slice %arg2[%dma_start3A_334, %dma_start3A_335] : memref<10000x40xf32, #tpu.memory_space<hbm>> -> memref<10000x40xf32, #tpu.memory_space<hbm>>
        tpu.enqueue_indirect_dma source(%dma_start3A_336 : memref<10000x40xf32, #tpu.memory_space<hbm>>) target(%arg16 : memref<128x40xf32, #tpu.memory_space<vmem>>) offsets(%arg12 : memref<128xi32, #tpu.memory_space<vmem>>) semaphore(%arg21 : memref<!tpu.dma_semaphore, #tpu.memory_space<semaphore_mem>>)
      } else {
      }
      %dma_start3A_176 = arith.constant 0 : i32
      %dma_start3A_177 = arith.constant 0 : i32
      %dma_start3A_178 = tpu.memref_slice %arg24[%dma_start3A_176, %dma_start3A_177] : memref<10128x40xf32, #tpu.memory_space<vmem_shared>> -> memref<10128x40xf32, #tpu.memory_space<vmem_shared>>
      tpu.enqueue_indirect_dma source(%arg15 : memref<128x40xf32, #tpu.memory_space<vmem>>) target(%dma_start3A_178 : memref<10128x40xf32, #tpu.memory_space<vmem_shared>>) offsets(%arg13 : memref<128xi32, #tpu.memory_space<vmem>>) semaphore(%arg22 : memref<!tpu.dma_semaphore, #tpu.memory_space<semaphore_mem>>) {add = true}
      %add3A_179 = arith.constant 2 : i32
      %add3A_180 = arith.addi %mul3A_109, %add3A_179 : i32
      %lt3A_181 = arith.constant 40 : i32
      %lt3A_182 = arith.cmpi slt, %add3A_180, %lt3A_181 : i32
      %convert_element_type3A_183 = arith.extui %lt3A_182 : i1 to i32
      %cond3A_184 = arith.constant 0 : i32
      %cond3A_185 = arith.cmpi ne, %convert_element_type3A_183, %cond3A_184 : i32
      scf.if %cond3A_185 {
        %add3A_266 = arith.constant 2 : i32
        %add3A_267 = arith.addi %mul3A_109, %add3A_266 : i32
        %mul3A_268 = arith.constant 32 : i32
        %mul3A_269 = arith.muli %add3A_267, %mul3A_268 : i32
        %add3A_270 = arith.addi %add3A, %mul3A_269 : i32
        %mul3A_271 = arith.constant 128 : i32
        %mul3A_272 = arith.muli %add3A_270, %mul3A_271 : i32
        %dma_start3A_273 = tpu.memref_slice %arg3[%mul3A_272] : memref<163840xi32, #tpu.memory_space<hbm>> -> memref<128xi32, #tpu.memory_space<hbm>>
        %dma_start3A_274 = tpu.memref_slice %arg3[%mul3A_272] : memref<163840xi32, #tpu.memory_space<hbm>> -> memref<128xi32, #tpu.memory_space<hbm>>
        tpu.enqueue_dma source(%dma_start3A_274 : memref<128xi32, #tpu.memory_space<hbm>>) target(%arg7 : memref<128xi32, #tpu.memory_space<vmem>>) target_semaphore(%arg18 : memref<!tpu.dma_semaphore, #tpu.memory_space<semaphore_mem>>)
        %mul3A_275 = arith.constant 32 : i32
        %mul3A_276 = arith.muli %add3A_267, %mul3A_275 : i32
        %add3A_277 = arith.addi %add3A, %mul3A_276 : i32
        %mul3A_278 = arith.constant 128 : i32
        %mul3A_279 = arith.muli %add3A_277, %mul3A_278 : i32
        %dma_start3A_280 = tpu.memref_slice %arg4[%mul3A_279] : memref<163840xi32, #tpu.memory_space<hbm>> -> memref<128xi32, #tpu.memory_space<hbm>>
        %dma_start3A_281 = tpu.memref_slice %arg4[%mul3A_279] : memref<163840xi32, #tpu.memory_space<hbm>> -> memref<128xi32, #tpu.memory_space<hbm>>
        tpu.enqueue_dma source(%dma_start3A_281 : memref<128xi32, #tpu.memory_space<hbm>>) target(%arg9 : memref<128xi32, #tpu.memory_space<vmem>>) target_semaphore(%arg18 : memref<!tpu.dma_semaphore, #tpu.memory_space<semaphore_mem>>)
      } else {
      }
      %mul3A_186 = arith.constant 2 : i32
      %mul3A_187 = arith.muli %mul3A_186, %scan3A_107 : i32
      %add3A_188 = arith.constant 1 : i32
      %add3A_189 = arith.addi %mul3A_187, %add3A_188 : i32
      %dma_wait3A_190 = arith.constant 0 : i32
      %dma_wait3A_191 = arith.constant 0 : i32
      %dma_wait3A_192 = tpu.memref_slice %arg2[%dma_wait3A_190, %dma_wait3A_191] : memref<10000x40xf32, #tpu.memory_space<hbm>> -> memref<10000x40xf32, #tpu.memory_space<hbm>>
      tpu.wait_indirect_dma semaphore(%arg21 : memref<!tpu.dma_semaphore, #tpu.memory_space<semaphore_mem>>) src(%dma_wait3A_192 : memref<10000x40xf32, #tpu.memory_space<hbm>>) dst(%arg16 : memref<128x40xf32, #tpu.memory_space<vmem>>)
      %get3A_193 = arith.constant 0 : index
      %get3A_194 = tpu.vector_load %arg10[%get3A_193] {strides = array<i32>} : memref<128xi32, #tpu.memory_space<vmem>>, vector<16xi32>,
      %get3A_195 = vector.shape_cast %get3A_194 : vector<16xi32> to vector<16xi32>
      %swap3A_196 = arith.constant 0 : index
      %swap3A_197 = tpu.vector_load %arg14[%swap3A_196] {strides = array<i32>} : memref<128xi32, #tpu.memory_space<vmem>>, vector<16xi32>,
      %swap3A_198 = vector.shape_cast %swap3A_197 : vector<16xi32> to vector<16xi32>
      %swap3A_199 = vector.shape_cast %get3A_195 : vector<16xi32> to vector<16xi32>
      tpu.vector_store %arg14[%swap3A_196], %swap3A_199 {strides = array<i32>} : memref<128xi32, #tpu.memory_space<vmem>>, vector<16xi32>,
      %get3A_200 = arith.constant 16 : index
      %get3A_201 = tpu.vector_load %arg10[%get3A_200] {strides = array<i32>} : memref<128xi32, #tpu.memory_space<vmem>>, vector<16xi32>,
      %get3A_202 = vector.shape_cast %get3A_201 : vector<16xi32> to vector<16xi32>
      %swap3A_203 = arith.constant 16 : index
      %swap3A_204 = tpu.vector_load %arg14[%swap3A_203] {strides = array<i32>} : memref<128xi32, #tpu.memory_space<vmem>>, vector<16xi32>,
      %swap3A_205 = vector.shape_cast %swap3A_204 : vector<16xi32> to vector<16xi32>
      %swap3A_206 = vector.shape_cast %get3A_202 : vector<16xi32> to vector<16xi32>
      tpu.vector_store %arg14[%swap3A_203], %swap3A_206 {strides = array<i32>} : memref<128xi32, #tpu.memory_space<vmem>>, vector<16xi32>,
      %get3A_207 = arith.constant 32 : index
      %get3A_208 = tpu.vector_load %arg10[%get3A_207] {strides = array<i32>} : memref<128xi32, #tpu.memory_space<vmem>>, vector<16xi32>,
      %get3A_209 = vector.shape_cast %get3A_208 : vector<16xi32> to vector<16xi32>
      %swap3A_210 = arith.constant 32 : index
      %swap3A_211 = tpu.vector_load %arg14[%swap3A_210] {strides = array<i32>} : memref<128xi32, #tpu.memory_space<vmem>>, vector<16xi32>,
      %swap3A_212 = vector.shape_cast %swap3A_211 : vector<16xi32> to vector<16xi32>
      %swap3A_213 = vector.shape_cast %get3A_209 : vector<16xi32> to vector<16xi32>
      tpu.vector_store %arg14[%swap3A_210], %swap3A_213 {strides = array<i32>} : memref<128xi32, #tpu.memory_space<vmem>>, vector<16xi32>,
      %get3A_214 = arith.constant 48 : index
      %get3A_215 = tpu.vector_load %arg10[%get3A_214] {strides = array<i32>} : memref<128xi32, #tpu.memory_space<vmem>>, vector<16xi32>,
      %get3A_216 = vector.shape_cast %get3A_215 : vector<16xi32> to vector<16xi32>
      %swap3A_217 = arith.constant 48 : index
      %swap3A_218 = tpu.vector_load %arg14[%swap3A_217] {strides = array<i32>} : memref<128xi32, #tpu.memory_space<vmem>>, vector<16xi32>,
      %swap3A_219 = vector.shape_cast %swap3A_218 : vector<16xi32> to vector<16xi32>
      %swap3A_220 = vector.shape_cast %get3A_216 : vector<16xi32> to vector<16xi32>
      tpu.vector_store %arg14[%swap3A_217], %swap3A_220 {strides = array<i32>} : memref<128xi32, #tpu.memory_space<vmem>>, vector<16xi32>,
      %get3A_221 = arith.constant 64 : index
      %get3A_222 = tpu.vector_load %arg10[%get3A_221] {strides = array<i32>} : memref<128xi32, #tpu.memory_space<vmem>>, vector<16xi32>,
      %get3A_223 = vector.shape_cast %get3A_222 : vector<16xi32> to vector<16xi32>
      %swap3A_224 = arith.constant 64 : index
      %swap3A_225 = tpu.vector_load %arg14[%swap3A_224] {strides = array<i32>} : memref<128xi32, #tpu.memory_space<vmem>>, vector<16xi32>,
      %swap3A_226 = vector.shape_cast %swap3A_225 : vector<16xi32> to vector<16xi32>
      %swap3A_227 = vector.shape_cast %get3A_223 : vector<16xi32> to vector<16xi32>
      tpu.vector_store %arg14[%swap3A_224], %swap3A_227 {strides = array<i32>} : memref<128xi32, #tpu.memory_space<vmem>>, vector<16xi32>,
      %get3A_228 = arith.constant 80 : index
      %get3A_229 = tpu.vector_load %arg10[%get3A_228] {strides = array<i32>} : memref<128xi32, #tpu.memory_space<vmem>>, vector<16xi32>,
      %get3A_230 = vector.shape_cast %get3A_229 : vector<16xi32> to vector<16xi32>
      %swap3A_231 = arith.constant 80 : index
      %swap3A_232 = tpu.vector_load %arg14[%swap3A_231] {strides = array<i32>} : memref<128xi32, #tpu.memory_space<vmem>>, vector<16xi32>,
      %swap3A_233 = vector.shape_cast %swap3A_232 : vector<16xi32> to vector<16xi32>
      %swap3A_234 = vector.shape_cast %get3A_230 : vector<16xi32> to vector<16xi32>
      tpu.vector_store %arg14[%swap3A_231], %swap3A_234 {strides = array<i32>} : memref<128xi32, #tpu.memory_space<vmem>>, vector<16xi32>,
      %get3A_235 = arith.constant 96 : index
      %get3A_236 = tpu.vector_load %arg10[%get3A_235] {strides = array<i32>} : memref<128xi32, #tpu.memory_space<vmem>>, vector<16xi32>,
      %get3A_237 = vector.shape_cast %get3A_236 : vector<16xi32> to vector<16xi32>
      %swap3A_238 = arith.constant 96 : index
      %swap3A_239 = tpu.vector_load %arg14[%swap3A_238] {strides = array<i32>} : memref<128xi32, #tpu.memory_space<vmem>>, vector<16xi32>,
      %swap3A_240 = vector.shape_cast %swap3A_239 : vector<16xi32> to vector<16xi32>
      %swap3A_241 = vector.shape_cast %get3A_237 : vector<16xi32> to vector<16xi32>
      tpu.vector_store %arg14[%swap3A_238], %swap3A_241 {strides = array<i32>} : memref<128xi32, #tpu.memory_space<vmem>>, vector<16xi32>,
      %get3A_242 = arith.constant 112 : index
      %get3A_243 = tpu.vector_load %arg10[%get3A_242] {strides = array<i32>} : memref<128xi32, #tpu.memory_space<vmem>>, vector<16xi32>,
      %get3A_244 = vector.shape_cast %get3A_243 : vector<16xi32> to vector<16xi32>
      %swap3A_245 = arith.constant 112 : index
      %swap3A_246 = tpu.vector_load %arg14[%swap3A_245] {strides = array<i32>} : memref<128xi32, #tpu.memory_space<vmem>>, vector<16xi32>,
      %swap3A_247 = vector.shape_cast %swap3A_246 : vector<16xi32> to vector<16xi32>
      %swap3A_248 = vector.shape_cast %get3A_244 : vector<16xi32> to vector<16xi32>
      tpu.vector_store %arg14[%swap3A_245], %swap3A_248 {strides = array<i32>} : memref<128xi32, #tpu.memory_space<vmem>>, vector<16xi32>,
      %add3A_249 = arith.constant 1 : i32
      %add3A_250 = arith.addi %add3A_189, %add3A_249 : i32
      %lt3A_251 = arith.constant 40 : i32
      %lt3A_252 = arith.cmpi slt, %add3A_250, %lt3A_251 : i32
      %convert_element_type3A_253 = arith.extui %lt3A_252 : i1 to i32
      %cond3A_254 = arith.constant 0 : i32
      %cond3A_255 = arith.cmpi ne, %convert_element_type3A_253, %cond3A_254 : i32
      scf.if %cond3A_255 {
        %dma_wait3A_266 = arith.constant 0 : i32
        %dma_wait3A_267 = tpu.memref_slice %arg3[%dma_wait3A_266] : memref<163840xi32, #tpu.memory_space<hbm>> -> memref<128xi32, #tpu.memory_space<hbm>>
        %dma_wait3A_268 = arith.constant 0 : i32
        %dma_wait3A_269 = tpu.memref_slice %arg3[%dma_wait3A_268] : memref<163840xi32, #tpu.memory_space<hbm>> -> memref<128xi32, #tpu.memory_space<hbm>>
        tpu.wait_dma2 semaphore(%arg18 : memref<!tpu.dma_semaphore, #tpu.memory_space<semaphore_mem>>) src(%dma_wait3A_269 : memref<128xi32, #tpu.memory_space<hbm>>) dst(%arg7 : memref<128xi32, #tpu.memory_space<vmem>>)
        %dma_wait3A_270 = arith.constant 0 : i32
        %dma_wait3A_271 = tpu.memref_slice %arg4[%dma_wait3A_270] : memref<163840xi32, #tpu.memory_space<hbm>> -> memref<128xi32, #tpu.memory_space<hbm>>
        %dma_wait3A_272 = arith.constant 0 : i32
        %dma_wait3A_273 = tpu.memref_slice %arg4[%dma_wait3A_272] : memref<163840xi32, #tpu.memory_space<hbm>> -> memref<128xi32, #tpu.memory_space<hbm>>
        tpu.wait_dma2 semaphore(%arg18 : memref<!tpu.dma_semaphore, #tpu.memory_space<semaphore_mem>>) src(%dma_wait3A_273 : memref<128xi32, #tpu.memory_space<hbm>>) dst(%arg9 : memref<128xi32, #tpu.memory_space<vmem>>)
        %ge3A = arith.constant 1 : i32
        %ge3A_274 = arith.cmpi sge, %add3A_189, %ge3A : i32
        %convert_element_type3A_275 = arith.extui %ge3A_274 : i1 to i32
        %cond3A_276 = arith.constant 0 : i32
        %cond3A_277 = arith.cmpi ne, %convert_element_type3A_275, %cond3A_276 : i32
        scf.if %cond3A_277 {
          %dma_wait3A_337 = arith.constant 0 : i32
          %dma_wait3A_338 = arith.constant 0 : i32
          %dma_wait3A_339 = tpu.memref_slice %arg24[%dma_wait3A_337, %dma_wait3A_338] : memref<10128x40xf32, #tpu.memory_space<vmem_shared>> -> memref<10128x40xf32, #tpu.memory_space<vmem_shared>>
          tpu.wait_indirect_dma semaphore(%arg22 : memref<!tpu.dma_semaphore, #tpu.memory_space<semaphore_mem>>) src(%arg15 : memref<128x40xf32, #tpu.memory_space<vmem>>) dst(%dma_wait3A_339 : memref<10128x40xf32, #tpu.memory_space<vmem_shared>>)
        } else {
        }
        %get3A_278 = arith.constant 0 : index
        %get3A_279 = tpu.vector_load %arg7[%get3A_278] {strides = array<i32>} : memref<128xi32, #tpu.memory_space<vmem>>, vector<16xi32>,
        %get3A_280 = vector.shape_cast %get3A_279 : vector<16xi32> to vector<16xi32>
        %swap3A_281 = arith.constant 0 : index
        %swap3A_282 = tpu.vector_load %arg11[%swap3A_281] {strides = array<i32>} : memref<128xi32, #tpu.memory_space<vmem>>, vector<16xi32>,
        %swap3A_283 = vector.shape_cast %swap3A_282 : vector<16xi32> to vector<16xi32>
        %swap3A_284 = vector.shape_cast %get3A_280 : vector<16xi32> to vector<16xi32>
        tpu.vector_store %arg11[%swap3A_281], %swap3A_284 {strides = array<i32>} : memref<128xi32, #tpu.memory_space<vmem>>, vector<16xi32>,
        %get3A_285 = arith.constant 16 : index
        %get3A_286 = tpu.vector_load %arg7[%get3A_285] {strides = array<i32>} : memref<128xi32, #tpu.memory_space<vmem>>, vector<16xi32>,
        %get3A_287 = vector.shape_cast %get3A_286 : vector<16xi32> to vector<16xi32>
        %swap3A_288 = arith.constant 16 : index
        %swap3A_289 = tpu.vector_load %arg11[%swap3A_288] {strides = array<i32>} : memref<128xi32, #tpu.memory_space<vmem>>, vector<16xi32>,
        %swap3A_290 = vector.shape_cast %swap3A_289 : vector<16xi32> to vector<16xi32>
        %swap3A_291 = vector.shape_cast %get3A_287 : vector<16xi32> to vector<16xi32>
        tpu.vector_store %arg11[%swap3A_288], %swap3A_291 {strides = array<i32>} : memref<128xi32, #tpu.memory_space<vmem>>, vector<16xi32>,
        %get3A_292 = arith.constant 32 : index
        %get3A_293 = tpu.vector_load %arg7[%get3A_292] {strides = array<i32>} : memref<128xi32, #tpu.memory_space<vmem>>, vector<16xi32>,
        %get3A_294 = vector.shape_cast %get3A_293 : vector<16xi32> to vector<16xi32>
        %swap3A_295 = arith.constant 32 : index
        %swap3A_296 = tpu.vector_load %arg11[%swap3A_295] {strides = array<i32>} : memref<128xi32, #tpu.memory_space<vmem>>, vector<16xi32>,
        %swap3A_297 = vector.shape_cast %swap3A_296 : vector<16xi32> to vector<16xi32>
        %swap3A_298 = vector.shape_cast %get3A_294 : vector<16xi32> to vector<16xi32>
        tpu.vector_store %arg11[%swap3A_295], %swap3A_298 {strides = array<i32>} : memref<128xi32, #tpu.memory_space<vmem>>, vector<16xi32>,
        %get3A_299 = arith.constant 48 : index
        %get3A_300 = tpu.vector_load %arg7[%get3A_299] {strides = array<i32>} : memref<128xi32, #tpu.memory_space<vmem>>, vector<16xi32>,
        %get3A_301 = vector.shape_cast %get3A_300 : vector<16xi32> to vector<16xi32>
        %swap3A_302 = arith.constant 48 : index
        %swap3A_303 = tpu.vector_load %arg11[%swap3A_302] {strides = array<i32>} : memref<128xi32, #tpu.memory_space<vmem>>, vector<16xi32>,
        %swap3A_304 = vector.shape_cast %swap3A_303 : vector<16xi32> to vector<16xi32>
        %swap3A_305 = vector.shape_cast %get3A_301 : vector<16xi32> to vector<16xi32>
        tpu.vector_store %arg11[%swap3A_302], %swap3A_305 {strides = array<i32>} : memref<128xi32, #tpu.memory_space<vmem>>, vector<16xi32>,
        %get3A_306 = arith.constant 64 : index
        %get3A_307 = tpu.vector_load %arg7[%get3A_306] {strides = array<i32>} : memref<128xi32, #tpu.memory_space<vmem>>, vector<16xi32>,
        %get3A_308 = vector.shape_cast %get3A_307 : vector<16xi32> to vector<16xi32>
        %swap3A_309 = arith.constant 64 : index
        %swap3A_310 = tpu.vector_load %arg11[%swap3A_309] {strides = array<i32>} : memref<128xi32, #tpu.memory_space<vmem>>, vector<16xi32>,
        %swap3A_311 = vector.shape_cast %swap3A_310 : vector<16xi32> to vector<16xi32>
        %swap3A_312 = vector.shape_cast %get3A_308 : vector<16xi32> to vector<16xi32>
        tpu.vector_store %arg11[%swap3A_309], %swap3A_312 {strides = array<i32>} : memref<128xi32, #tpu.memory_space<vmem>>, vector<16xi32>,
        %get3A_313 = arith.constant 80 : index
        %get3A_314 = tpu.vector_load %arg7[%get3A_313] {strides = array<i32>} : memref<128xi32, #tpu.memory_space<vmem>>, vector<16xi32>,
        %get3A_315 = vector.shape_cast %get3A_314 : vector<16xi32> to vector<16xi32>
        %swap3A_316 = arith.constant 80 : index
        %swap3A_317 = tpu.vector_load %arg11[%swap3A_316] {strides = array<i32>} : memref<128xi32, #tpu.memory_space<vmem>>, vector<16xi32>,
        %swap3A_318 = vector.shape_cast %swap3A_317 : vector<16xi32> to vector<16xi32>
        %swap3A_319 = vector.shape_cast %get3A_315 : vector<16xi32> to vector<16xi32>
        tpu.vector_store %arg11[%swap3A_316], %swap3A_319 {strides = array<i32>} : memref<128xi32, #tpu.memory_space<vmem>>, vector<16xi32>,
        %get3A_320 = arith.constant 96 : index
        %get3A_321 = tpu.vector_load %arg7[%get3A_320] {strides = array<i32>} : memref<128xi32, #tpu.memory_space<vmem>>, vector<16xi32>,
        %get3A_322 = vector.shape_cast %get3A_321 : vector<16xi32> to vector<16xi32>
        %swap3A_323 = arith.constant 96 : index
        %swap3A_324 = tpu.vector_load %arg11[%swap3A_323] {strides = array<i32>} : memref<128xi32, #tpu.memory_space<vmem>>, vector<16xi32>,
        %swap3A_325 = vector.shape_cast %swap3A_324 : vector<16xi32> to vector<16xi32>
        %swap3A_326 = vector.shape_cast %get3A_322 : vector<16xi32> to vector<16xi32>
        tpu.vector_store %arg11[%swap3A_323], %swap3A_326 {strides = array<i32>} : memref<128xi32, #tpu.memory_space<vmem>>, vector<16xi32>,
        %get3A_327 = arith.constant 112 : index
        %get3A_328 = tpu.vector_load %arg7[%get3A_327] {strides = array<i32>} : memref<128xi32, #tpu.memory_space<vmem>>, vector<16xi32>,
        %get3A_329 = vector.shape_cast %get3A_328 : vector<16xi32> to vector<16xi32>
        %swap3A_330 = arith.constant 112 : index
        %swap3A_331 = tpu.vector_load %arg11[%swap3A_330] {strides = array<i32>} : memref<128xi32, #tpu.memory_space<vmem>>, vector<16xi32>,
        %swap3A_332 = vector.shape_cast %swap3A_331 : vector<16xi32> to vector<16xi32>
        %swap3A_333 = vector.shape_cast %get3A_329 : vector<16xi32> to vector<16xi32>
        tpu.vector_store %arg11[%swap3A_330], %swap3A_333 {strides = array<i32>} : memref<128xi32, #tpu.memory_space<vmem>>, vector<16xi32>,
        %dma_start3A_334 = arith.constant 0 : i32
        %dma_start3A_335 = arith.constant 0 : i32
        %dma_start3A_336 = tpu.memref_slice %arg2[%dma_start3A_334, %dma_start3A_335] : memref<10000x40xf32, #tpu.memory_space<hbm>> -> memref<10000x40xf32, #tpu.memory_space<hbm>>
        tpu.enqueue_indirect_dma source(%dma_start3A_336 : memref<10000x40xf32, #tpu.memory_space<hbm>>) target(%arg15 : memref<128x40xf32, #tpu.memory_space<vmem>>) offsets(%arg11 : memref<128xi32, #tpu.memory_space<vmem>>) semaphore(%arg20 : memref<!tpu.dma_semaphore, #tpu.memory_space<semaphore_mem>>)
      } else {
      }
      %dma_start3A_256 = arith.constant 0 : i32
      %dma_start3A_257 = arith.constant 0 : i32
      %dma_start3A_258 = tpu.memref_slice %arg24[%dma_start3A_256, %dma_start3A_257] : memref<10128x40xf32, #tpu.memory_space<vmem_shared>> -> memref<10128x40xf32, #tpu.memory_space<vmem_shared>>
      tpu.enqueue_indirect_dma source(%arg16 : memref<128x40xf32, #tpu.memory_space<vmem>>) target(%dma_start3A_258 : memref<10128x40xf32, #tpu.memory_space<vmem_shared>>) offsets(%arg14 : memref<128xi32, #tpu.memory_space<vmem>>) semaphore(%arg23 : memref<!tpu.dma_semaphore, #tpu.memory_space<semaphore_mem>>) {add = true}
      %add3A_259 = arith.constant 2 : i32
      %add3A_260 = arith.addi %add3A_189, %add3A_259 : i32
      %lt3A_261 = arith.constant 40 : i32
      %lt3A_262 = arith.cmpi slt, %add3A_260, %lt3A_261 : i32
      %convert_element_type3A_263 = arith.extui %lt3A_262 : i1 to i32
      %cond3A_264 = arith.constant 0 : i32
      %cond3A_265 = arith.cmpi ne, %convert_element_type3A_263, %cond3A_264 : i32
      scf.if %cond3A_265 {
        %add3A_266 = arith.constant 2 : i32
        %add3A_267 = arith.addi %add3A_189, %add3A_266 : i32
        %mul3A_268 = arith.constant 32 : i32
        %mul3A_269 = arith.muli %add3A_267, %mul3A_268 : i32
        %add3A_270 = arith.addi %add3A, %mul3A_269 : i32
        %mul3A_271 = arith.constant 128 : i32
        %mul3A_272 = arith.muli %add3A_270, %mul3A_271 : i32
        %dma_start3A_273 = tpu.memref_slice %arg3[%mul3A_272] : memref<163840xi32, #tpu.memory_space<hbm>> -> memref<128xi32, #tpu.memory_space<hbm>>
        %dma_start3A_274 = tpu.memref_slice %arg3[%mul3A_272] : memref<163840xi32, #tpu.memory_space<hbm>> -> memref<128xi32, #tpu.memory_space<hbm>>
        tpu.enqueue_dma source(%dma_start3A_274 : memref<128xi32, #tpu.memory_space<hbm>>) target(%arg8 : memref<128xi32, #tpu.memory_space<vmem>>) target_semaphore(%arg19 : memref<!tpu.dma_semaphore, #tpu.memory_space<semaphore_mem>>)
        %mul3A_275 = arith.constant 32 : i32
        %mul3A_276 = arith.muli %add3A_267, %mul3A_275 : i32
        %add3A_277 = arith.addi %add3A, %mul3A_276 : i32
        %mul3A_278 = arith.constant 128 : i32
        %mul3A_279 = arith.muli %add3A_277, %mul3A_278 : i32
        %dma_start3A_280 = tpu.memref_slice %arg4[%mul3A_279] : memref<163840xi32, #tpu.memory_space<hbm>> -> memref<128xi32, #tpu.memory_space<hbm>>
        %dma_start3A_281 = tpu.memref_slice %arg4[%mul3A_279] : memref<163840xi32, #tpu.memory_space<hbm>> -> memref<128xi32, #tpu.memory_space<hbm>>
        tpu.enqueue_dma source(%dma_start3A_281 : memref<128xi32, #tpu.memory_space<hbm>>) target(%arg10 : memref<128xi32, #tpu.memory_space<vmem>>) target_semaphore(%arg19 : memref<!tpu.dma_semaphore, #tpu.memory_space<semaphore_mem>>)
      } else {
      }
    }
    %scan3A_94 = arith.constant 20 : i32
    %dma_wait3A_95 = arith.constant 0 : i32
    %dma_wait3A_96 = arith.constant 0 : i32
    %dma_wait3A_97 = tpu.memref_slice %arg24[%dma_wait3A_95, %dma_wait3A_96] : memref<10128x40xf32, #tpu.memory_space<vmem_shared>> -> memref<10128x40xf32, #tpu.memory_space<vmem_shared>>
    tpu.wait_indirect_dma semaphore(%arg22 : memref<!tpu.dma_semaphore, #tpu.memory_space<semaphore_mem>>) src(%arg15 : memref<128x40xf32, #tpu.memory_space<vmem>>) dst(%dma_wait3A_97 : memref<10128x40xf32, #tpu.memory_space<vmem_shared>>)
    %dma_wait3A_98 = arith.constant 0 : i32
    %dma_wait3A_99 = arith.constant 0 : i32
    %dma_wait3A_100 = tpu.memref_slice %arg24[%dma_wait3A_98, %dma_wait3A_99] : memref<10128x40xf32, #tpu.memory_space<vmem_shared>> -> memref<10128x40xf32, #tpu.memory_space<vmem_shared>>
    tpu.wait_indirect_dma semaphore(%arg23 : memref<!tpu.dma_semaphore, #tpu.memory_space<semaphore_mem>>) src(%arg16 : memref<128x40xf32, #tpu.memory_space<vmem>>) dst(%dma_wait3A_100 : memref<10128x40xf32, #tpu.memory_space<vmem_shared>>)
    %barrier3A_101 = arith.constant 0 : index
    tpu.barrier barrier_id(%barrier3A_101)
    %lt3A_102 = arith.constant 10 : i32
    %lt3A_103 = arith.cmpi slt, %arg1, %lt3A_102 : i32
    %convert_element_type3A_104 = arith.extui %lt3A_103 : i1 to i32
    %cond3A_105 = arith.constant 0 : i32
    %cond3A_106 = arith.cmpi ne, %convert_element_type3A_104, %cond3A_105 : i32
    scf.if %cond3A_106 {
      %mul3A_107 = arith.constant 1000 : i32
      %mul3A_108 = arith.muli %arg1, %mul3A_107 : i32
      "tpu.region"() ({
        %run_scoped3A = tpu.sem_alloc : memref<!tpu.dma_semaphore, #tpu.memory_space<semaphore_mem>>
        %dma_start3A_114 = arith.constant 0 : i32
        %dma_start3A_115 = tpu.memref_slice %arg24[%mul3A_108, %dma_start3A_114] : memref<10128x40xf32, #tpu.memory_space<vmem_shared>> -> memref<1000x40xf32, #tpu.memory_space<vmem_shared>>
        %dma_start3A_116 = arith.constant 0 : i32
        %dma_start3A_117 = tpu.memref_slice %arg24[%mul3A_108, %dma_start3A_116] : memref<10128x40xf32, #tpu.memory_space<vmem_shared>> -> memref<1000x40xf32, #tpu.memory_space<vmem_shared>>
        tpu.enqueue_dma source(%dma_start3A_117 : memref<1000x40xf32, #tpu.memory_space<vmem_shared>>) target(%arg17 : memref<1000x40xf32, #tpu.memory_space<vmem>>) target_semaphore(%run_scoped3A : memref<!tpu.dma_semaphore, #tpu.memory_space<semaphore_mem>>)
        %dma_wait3A_118 = arith.constant 0 : i32
        %dma_wait3A_119 = tpu.memref_slice %arg24[%mul3A_108, %dma_wait3A_118] : memref<10128x40xf32, #tpu.memory_space<vmem_shared>> -> memref<1000x40xf32, #tpu.memory_space<vmem_shared>>
        %dma_wait3A_120 = arith.constant 0 : i32
        %dma_wait3A_121 = tpu.memref_slice %arg24[%mul3A_108, %dma_wait3A_120] : memref<10128x40xf32, #tpu.memory_space<vmem_shared>> -> memref<1000x40xf32, #tpu.memory_space<vmem_shared>>
        tpu.wait_dma2 semaphore(%run_scoped3A : memref<!tpu.dma_semaphore, #tpu.memory_space<semaphore_mem>>) src(%dma_wait3A_121 : memref<1000x40xf32, #tpu.memory_space<vmem_shared>>) dst(%arg17 : memref<1000x40xf32, #tpu.memory_space<vmem>>)
        tpu.yield
      }) : () -> ()
      %mul3A_109 = arith.constant 10000 : i32
      %mul3A_110 = arith.muli %arg0, %mul3A_109 : i32
      %mul3A_111 = arith.constant 1000 : i32
      %mul3A_112 = arith.muli %arg1, %mul3A_111 : i32
      %add3A_113 = arith.addi %mul3A_110, %mul3A_112 : i32
      "tpu.region"() ({
        %run_scoped3A = tpu.sem_alloc : memref<!tpu.dma_semaphore, #tpu.memory_space<semaphore_mem>>
        %dma_start3A_114 = arith.constant 0 : i32
        %dma_start3A_115 = tpu.memref_slice %arg6[%add3A_113, %dma_start3A_114] : memref<20000x40xf32, #tpu.memory_space<hbm>> -> memref<1000x40xf32, #tpu.memory_space<hbm>>
        %dma_start3A_116 = arith.constant 0 : i32
        %dma_start3A_117 = tpu.memref_slice %arg6[%add3A_113, %dma_start3A_116] : memref<20000x40xf32, #tpu.memory_space<hbm>> -> memref<1000x40xf32, #tpu.memory_space<hbm>>
        tpu.enqueue_dma source(%arg17 : memref<1000x40xf32, #tpu.memory_space<vmem>>) target(%dma_start3A_117 : memref<1000x40xf32, #tpu.memory_space<hbm>>) target_semaphore(%run_scoped3A : memref<!tpu.dma_semaphore, #tpu.memory_space<semaphore_mem>>)
        %dma_wait3A_118 = arith.constant 0 : i32
        %dma_wait3A_119 = tpu.memref_slice %arg6[%add3A_113, %dma_wait3A_118] : memref<20000x40xf32, #tpu.memory_space<hbm>> -> memref<1000x40xf32, #tpu.memory_space<hbm>>
        %dma_wait3A_120 = arith.constant 0 : i32
        %dma_wait3A_121 = tpu.memref_slice %arg6[%add3A_113, %dma_wait3A_120] : memref<20000x40xf32, #tpu.memory_space<hbm>> -> memref<1000x40xf32, #tpu.memory_space<hbm>>
        tpu.wait_dma2 semaphore(%run_scoped3A : memref<!tpu.dma_semaphore, #tpu.memory_space<semaphore_mem>>) src(%arg17 : memref<1000x40xf32, #tpu.memory_space<vmem>>) dst(%dma_wait3A_121 : memref<1000x40xf32, #tpu.memory_space<hbm>>)
        tpu.yield
      }) : () -> ()
    } else {
    }
    return
  }
}

module attributes {stable_mosaic.version = 14 : i64} {
  func.func @_scale_body(%arg0: i32, %arg1: memref<1000x256xf32, #tpu.memory_space<vmem>>, %arg2: memref<2x1000x8xf32, #tpu.memory_space<vmem>>, %arg3: memref<2x1000x128xf32, #tpu.memory_space<vmem>>, %arg4: memref<1000x1xf32, #tpu.memory_space<vmem>>) attributes {dimension_semantics = [#tpu.dimension_semantics<arbitrary>], iteration_bounds = array<i64: 10>, scalar_prefetch = 0 : i64, scratch_operands = 0 : i64, tpu.core_type = #tpu.core_type<tc>, window_params = [{transform_indices = @transform_0, window_bounds = array<i64: 1000, 256>}, {transform_indices = @transform_1, window_bounds = array<i64: 2, 1000, 8>}, {transform_indices = @transform_2, window_bounds = array<i64: 2, 1000, 128>}, {transform_indices = @transform_3, window_bounds = array<i64: 1000, 1>}]} {
    %get3A = arith.constant 0 : index
    %get3A_0 = arith.constant 0 : index
    %get3A_1 = arith.constant 0 : index
    %get3A_2 = vector.load %arg2[%get3A, %get3A_0, %get3A_1] : memref<2x1000x8xf32, #tpu.memory_space<vmem>>, vector<1x1000x1xf32>
    %get3A_3 = vector.shape_cast %get3A_2 : vector<1x1000x1xf32> to vector<1000x1xf32>
    %get3A_4 = arith.constant 1 : index
    %get3A_5 = arith.constant 0 : index
    %get3A_6 = arith.constant 0 : index
    %get3A_7 = vector.load %arg2[%get3A_4, %get3A_5, %get3A_6] : memref<2x1000x8xf32, #tpu.memory_space<vmem>>, vector<1x1000x1xf32>
    %get3A_8 = vector.shape_cast %get3A_7 : vector<1x1000x1xf32> to vector<1000x1xf32>
    %add3A = arith.addf %get3A_3, %get3A_8 : vector<1000x1xf32>
    %add3A_9 = arith.constant 1.000000e+00 : f32
    %add3A_10 = vector.broadcast %add3A_9 : f32 to vector<1000x1xf32>
    %add3A_11 = arith.addf %add3A, %add3A_10 : vector<1000x1xf32>
    %rsqrt3A = math.rsqrt %add3A_11 : vector<1000x1xf32>
    %swap3A = arith.constant 0 : index
    %swap3A_12 = arith.constant 0 : index
    %swap3A_13 = vector.load %arg4[%swap3A, %swap3A_12] : memref<1000x1xf32, #tpu.memory_space<vmem>>, vector<1000x1xf32>
    tpu.vector_store %arg4[%swap3A, %swap3A_12], %rsqrt3A {strides = array<i32>} : memref<1000x1xf32, #tpu.memory_space<vmem>>, vector<1000x1xf32>,
    %get3A_14 = arith.constant 0 : index
    %get3A_15 = arith.constant 0 : index
    %get3A_16 = vector.load %arg1[%get3A_14, %get3A_15] : memref<1000x256xf32, #tpu.memory_space<vmem>>, vector<1000x256xf32>
    %mul3A = vector.broadcast %rsqrt3A : vector<1000x1xf32> to vector<1000x256xf32>
    %mul3A_17 = arith.mulf %get3A_16, %mul3A : vector<1000x256xf32>
    %slice3A = vector.extract_strided_slice %mul3A_17 {offsets = [0, 0], sizes = [1000, 128], strides = [1, 1]} : vector<1000x256xf32> to vector<1000x128xf32>
    %swap3A_18 = arith.constant 0 : index
    %swap3A_19 = arith.constant 0 : index
    %swap3A_20 = arith.constant 0 : index
    %swap3A_21 = vector.load %arg3[%swap3A_18, %swap3A_19, %swap3A_20] : memref<2x1000x128xf32, #tpu.memory_space<vmem>>, vector<1x1000x128xf32>
    %swap3A_22 = vector.shape_cast %swap3A_21 : vector<1x1000x128xf32> to vector<1000x128xf32>
    %swap3A_23 = vector.shape_cast %slice3A : vector<1000x128xf32> to vector<1x1000x128xf32>
    tpu.vector_store %arg3[%swap3A_18, %swap3A_19, %swap3A_20], %swap3A_23 {strides = array<i32>} : memref<2x1000x128xf32, #tpu.memory_space<vmem>>, vector<1x1000x128xf32>,
    %slice3A_24 = vector.extract_strided_slice %mul3A_17 {offsets = [0, 128], sizes = [1000, 128], strides = [1, 1]} : vector<1000x256xf32> to vector<1000x128xf32>
    %swap3A_25 = arith.constant 1 : index
    %swap3A_26 = arith.constant 0 : index
    %swap3A_27 = arith.constant 0 : index
    %swap3A_28 = vector.load %arg3[%swap3A_25, %swap3A_26, %swap3A_27] : memref<2x1000x128xf32, #tpu.memory_space<vmem>>, vector<1x1000x128xf32>
    %swap3A_29 = vector.shape_cast %swap3A_28 : vector<1x1000x128xf32> to vector<1000x128xf32>
    %swap3A_30 = vector.shape_cast %slice3A_24 : vector<1000x128xf32> to vector<1x1000x128xf32>
    tpu.vector_store %arg3[%swap3A_25, %swap3A_26, %swap3A_27], %swap3A_30 {strides = array<i32>} : memref<2x1000x128xf32, #tpu.memory_space<vmem>>, vector<1x1000x128xf32>,
    return
  }
  func.func @transform_0(%arg0: i32) -> (i32, i32) {
    %c0_i32 = arith.constant 0 : i32
    %c0_i32_0 = arith.constant 0 : i32
    return %arg0, %c0_i32 : i32, i32
  }
  func.func @transform_1(%arg0: i32) -> (i32, i32, i32) {
    %c0_i32 = arith.constant 0 : i32
    %c0_i32_0 = arith.constant 0 : i32
    %c0_i32_1 = arith.constant 0 : i32
    return %c0_i32, %arg0, %c0_i32_0 : i32, i32, i32
  }
  func.func @transform_2(%arg0: i32) -> (i32, i32, i32) {
    %c0_i32 = arith.constant 0 : i32
    %c0_i32_0 = arith.constant 0 : i32
    %c0_i32_1 = arith.constant 0 : i32
    return %c0_i32, %arg0, %c0_i32_0 : i32, i32, i32
  }
  func.func @transform_3(%arg0: i32) -> (i32, i32) {
    %c0_i32 = arith.constant 0 : i32
    %c0_i32_0 = arith.constant 0 : i32
    return %arg0, %c0_i32 : i32, i32
  }
}

module attributes {stable_mosaic.version = 14 : i64} {
  func.func @_mm_body(%arg0: i32, %arg1: memref<1000x128xf32, #tpu.memory_space<vmem>>, %arg2: memref<1000x128xf32, #tpu.memory_space<vmem>>, %arg3: memref<1000x128xf32, #tpu.memory_space<vmem>>, %arg4: memref<1000x128xf32, #tpu.memory_space<vmem>>, %arg5: memref<1000x1xf32, #tpu.memory_space<vmem>>, %arg6: memref<128x512xf32, #tpu.memory_space<vmem>>, %arg7: memref<128x512xf32, #tpu.memory_space<vmem>>, %arg8: memref<1x512xf32, #tpu.memory_space<vmem>>, %arg9: memref<512x40xf32, #tpu.memory_space<vmem>>, %arg10: memref<1000x40xf32, #tpu.memory_space<vmem>>) attributes {dimension_semantics = [#tpu.dimension_semantics<arbitrary>], iteration_bounds = array<i64: 10>, scalar_prefetch = 0 : i64, scratch_operands = 0 : i64, tpu.core_type = #tpu.core_type<tc>, window_params = [{transform_indices = @transform_0, window_bounds = array<i64: 1000, 128>}, {transform_indices = @transform_1, window_bounds = array<i64: 1000, 128>}, {transform_indices = @transform_2, window_bounds = array<i64: 1000, 128>}, {transform_indices = @transform_3, window_bounds = array<i64: 1000, 128>}, {transform_indices = @transform_4, window_bounds = array<i64: 1000, 1>}, {pipeline_mode = #tpu.pipeline_mode<synchronous>, transform_indices = @transform_5, window_bounds = array<i64: 128, 512>}, {pipeline_mode = #tpu.pipeline_mode<synchronous>, transform_indices = @transform_6, window_bounds = array<i64: 128, 512>}, {pipeline_mode = #tpu.pipeline_mode<synchronous>, transform_indices = @transform_7, window_bounds = array<i64: 1, 512>}, {pipeline_mode = #tpu.pipeline_mode<synchronous>, transform_indices = @transform_8, window_bounds = array<i64: 512, 40>}, {transform_indices = @transform_9, window_bounds = array<i64: 1000, 40>}]} {
    %get3A = arith.constant 0 : index
    %get3A_0 = arith.constant 0 : index
    %get3A_1 = vector.load %arg5[%get3A, %get3A_0] : memref<1000x1xf32, #tpu.memory_space<vmem>>, vector<1000x1xf32>
    %get3A_2 = arith.constant 0 : index
    %get3A_3 = arith.constant 0 : index
    %get3A_4 = vector.load %arg1[%get3A_2, %get3A_3] : memref<1000x128xf32, #tpu.memory_space<vmem>>, vector<1000x128xf32>
    %get3A_5 = arith.constant 0 : index
    %get3A_6 = arith.constant 0 : index
    %get3A_7 = vector.load %arg3[%get3A_5, %get3A_6] : memref<1000x128xf32, #tpu.memory_space<vmem>>, vector<1000x128xf32>
    %add3A = arith.addf %get3A_4, %get3A_7 : vector<1000x128xf32>
    %mul3A = vector.broadcast %get3A_1 : vector<1000x1xf32> to vector<1000x128xf32>
    %mul3A_8 = arith.mulf %add3A, %mul3A : vector<1000x128xf32>
    %get3A_9 = arith.constant 0 : index
    %get3A_10 = arith.constant 0 : index
    %get3A_11 = vector.load %arg2[%get3A_9, %get3A_10] : memref<1000x128xf32, #tpu.memory_space<vmem>>, vector<1000x128xf32>
    %get3A_12 = arith.constant 0 : index
    %get3A_13 = arith.constant 0 : index
    %get3A_14 = vector.load %arg4[%get3A_12, %get3A_13] : memref<1000x128xf32, #tpu.memory_space<vmem>>, vector<1000x128xf32>
    %add3A_15 = arith.addf %get3A_11, %get3A_14 : vector<1000x128xf32>
    %mul3A_16 = vector.broadcast %get3A_1 : vector<1000x1xf32> to vector<1000x128xf32>
    %mul3A_17 = arith.mulf %add3A_15, %mul3A_16 : vector<1000x128xf32>
    %get3A_18 = arith.constant 0 : index
    %get3A_19 = arith.constant 0 : index
    %get3A_20 = vector.load %arg6[%get3A_18, %get3A_19] : memref<128x512xf32, #tpu.memory_space<vmem>>, vector<128x512xf32>
    %dot_general3A = arith.constant dense<0.000000e+00> : vector<1000x512xf32>
    %dot_general3A_21 = tpu.matmul %mul3A_8, %get3A_20, %dot_general3A {dimension_numbers = #tpu.dot_dimension_numbers<[1], [0], [0], [1], [0, 0, 1, 1], [], []>, transpose_lhs_hint = false} : vector<1000x128xf32>, vector<128x512xf32>, vector<1000x512xf32> -> vector<1000x512xf32>
    %get3A_22 = arith.constant 0 : index
    %get3A_23 = arith.constant 0 : index
    %get3A_24 = vector.load %arg7[%get3A_22, %get3A_23] : memref<128x512xf32, #tpu.memory_space<vmem>>, vector<128x512xf32>
    %dot_general3A_25 = arith.constant dense<0.000000e+00> : vector<1000x512xf32>
    %dot_general3A_26 = tpu.matmul %mul3A_17, %get3A_24, %dot_general3A_25 {dimension_numbers = #tpu.dot_dimension_numbers<[1], [0], [0], [1], [0, 0, 1, 1], [], []>, transpose_lhs_hint = false} : vector<1000x128xf32>, vector<128x512xf32>, vector<1000x512xf32> -> vector<1000x512xf32>
    %add3A_27 = arith.addf %dot_general3A_21, %dot_general3A_26 : vector<1000x512xf32>
    %get3A_28 = arith.constant 0 : index
    %get3A_29 = arith.constant 0 : index
    %get3A_30 = vector.load %arg8[%get3A_28, %get3A_29] : memref<1x512xf32, #tpu.memory_space<vmem>>, vector<1x512xf32>
    %add3A_31 = vector.broadcast %get3A_30 : vector<1x512xf32> to vector<1000x512xf32>
    %add3A_32 = arith.addf %add3A_27, %add3A_31 : vector<1000x512xf32>
    %max3A = arith.constant 0.000000e+00 : f32
    %max3A_33 = vector.broadcast %max3A : f32 to vector<1000x512xf32>
    %max3A_34 = arith.maximumf %add3A_32, %max3A_33 : vector<1000x512xf32>
    %get3A_35 = arith.constant 0 : index
    %get3A_36 = arith.constant 0 : index
    %get3A_37 = vector.load %arg9[%get3A_35, %get3A_36] : memref<512x40xf32, #tpu.memory_space<vmem>>, vector<512x40xf32>
    %dot_general3A_38 = arith.constant dense<0.000000e+00> : vector<1000x40xf32>
    %dot_general3A_39 = tpu.matmul %max3A_34, %get3A_37, %dot_general3A_38 {dimension_numbers = #tpu.dot_dimension_numbers<[1], [0], [0], [1], [0, 0, 1, 1], [], []>, transpose_lhs_hint = false} : vector<1000x512xf32>, vector<512x40xf32>, vector<1000x40xf32> -> vector<1000x40xf32>
    %mul3A_40 = vector.broadcast %get3A_1 : vector<1000x1xf32> to vector<1000x40xf32>
    %mul3A_41 = arith.mulf %dot_general3A_39, %mul3A_40 : vector<1000x40xf32>
    %swap3A = arith.constant 0 : index
    %swap3A_42 = arith.constant 0 : index
    %swap3A_43 = vector.load %arg10[%swap3A, %swap3A_42] : memref<1000x40xf32, #tpu.memory_space<vmem>>, vector<1000x40xf32>
    tpu.vector_store %arg10[%swap3A, %swap3A_42], %mul3A_41 {strides = array<i32>} : memref<1000x40xf32, #tpu.memory_space<vmem>>, vector<1000x40xf32>,
    return
  }
  func.func @transform_0(%arg0: i32) -> (i32, i32) {
    %c0_i32 = arith.constant 0 : i32
    %c0_i32_0 = arith.constant 0 : i32
    return %arg0, %c0_i32 : i32, i32
  }
  func.func @transform_1(%arg0: i32) -> (i32, i32) {
    %c0_i32 = arith.constant 0 : i32
    %c0_i32_0 = arith.constant 0 : i32
    return %arg0, %c0_i32 : i32, i32
  }
  func.func @transform_2(%arg0: i32) -> (i32, i32) {
    %c0_i32 = arith.constant 0 : i32
    %c0_i32_0 = arith.constant 0 : i32
    return %arg0, %c0_i32 : i32, i32
  }
  func.func @transform_3(%arg0: i32) -> (i32, i32) {
    %c0_i32 = arith.constant 0 : i32
    %c0_i32_0 = arith.constant 0 : i32
    return %arg0, %c0_i32 : i32, i32
  }
  func.func @transform_4(%arg0: i32) -> (i32, i32) {
    %c0_i32 = arith.constant 0 : i32
    %c0_i32_0 = arith.constant 0 : i32
    return %arg0, %c0_i32 : i32, i32
  }
  func.func @transform_5(%arg0: i32) -> (i32, i32) {
    %c0_i32 = arith.constant 0 : i32
    %c0_i32_0 = arith.constant 0 : i32
    %c0_i32_1 = arith.constant 0 : i32
    return %c0_i32, %c0_i32_0 : i32, i32
  }
  func.func @transform_6(%arg0: i32) -> (i32, i32) {
    %c0_i32 = arith.constant 0 : i32
    %c0_i32_0 = arith.constant 0 : i32
    %c0_i32_1 = arith.constant 0 : i32
    return %c0_i32, %c0_i32_0 : i32, i32
  }
  func.func @transform_7(%arg0: i32) -> (i32, i32) {
    %c0_i32 = arith.constant 0 : i32
    %c0_i32_0 = arith.constant 0 : i32
    %c0_i32_1 = arith.constant 0 : i32
    return %c0_i32, %c0_i32_0 : i32, i32
  }
  func.func @transform_8(%arg0: i32) -> (i32, i32) {
    %c0_i32 = arith.constant 0 : i32
    %c0_i32_0 = arith.constant 0 : i32
    %c0_i32_1 = arith.constant 0 : i32
    return %c0_i32, %c0_i32_0 : i32, i32
  }
  func.func @transform_9(%arg0: i32) -> (i32, i32) {
    %c0_i32 = arith.constant 0 : i32
    %c0_i32_0 = arith.constant 0 : i32
    return %arg0, %c0_i32 : i32, i32
  }
}

module attributes {stable_mosaic.version = 14 : i64} {
  func.func @_fin_body(%arg0: i32, %arg1: memref<2x1000x40xf32, #tpu.memory_space<vmem>>, %arg2: memref<1000x40xf32, #tpu.memory_space<vmem>>, %arg3: memref<1000x1xf32, #tpu.memory_space<vmem>>, %arg4: memref<1x40xf32, #tpu.memory_space<vmem>>, %arg5: memref<1000x40xf32, #tpu.memory_space<vmem>>) attributes {dimension_semantics = [#tpu.dimension_semantics<arbitrary>], iteration_bounds = array<i64: 10>, scalar_prefetch = 0 : i64, scratch_operands = 0 : i64, tpu.core_type = #tpu.core_type<tc>, window_params = [{transform_indices = @transform_0, window_bounds = array<i64: 2, 1000, 40>}, {transform_indices = @transform_1, window_bounds = array<i64: 1000, 40>}, {transform_indices = @transform_2, window_bounds = array<i64: 1000, 1>}, {pipeline_mode = #tpu.pipeline_mode<synchronous>, transform_indices = @transform_3, window_bounds = array<i64: 1, 40>}, {transform_indices = @transform_4, window_bounds = array<i64: 1000, 40>}]} {
    %get3A = arith.constant 0 : index
    %get3A_0 = arith.constant 0 : index
    %get3A_1 = arith.constant 0 : index
    %get3A_2 = vector.load %arg1[%get3A, %get3A_0, %get3A_1] : memref<2x1000x40xf32, #tpu.memory_space<vmem>>, vector<1x1000x40xf32>
    %get3A_3 = vector.shape_cast %get3A_2 : vector<1x1000x40xf32> to vector<1000x40xf32>
    %get3A_4 = arith.constant 1 : index
    %get3A_5 = arith.constant 0 : index
    %get3A_6 = arith.constant 0 : index
    %get3A_7 = vector.load %arg1[%get3A_4, %get3A_5, %get3A_6] : memref<2x1000x40xf32, #tpu.memory_space<vmem>>, vector<1x1000x40xf32>
    %get3A_8 = vector.shape_cast %get3A_7 : vector<1x1000x40xf32> to vector<1000x40xf32>
    %add3A = arith.addf %get3A_3, %get3A_8 : vector<1000x40xf32>
    %get3A_9 = arith.constant 0 : index
    %get3A_10 = arith.constant 0 : index
    %get3A_11 = vector.load %arg2[%get3A_9, %get3A_10] : memref<1000x40xf32, #tpu.memory_space<vmem>>, vector<1000x40xf32>
    %add3A_12 = arith.addf %add3A, %get3A_11 : vector<1000x40xf32>
    %get3A_13 = arith.constant 0 : index
    %get3A_14 = arith.constant 0 : index
    %get3A_15 = vector.load %arg3[%get3A_13, %get3A_14] : memref<1000x1xf32, #tpu.memory_space<vmem>>, vector<1000x1xf32>
    %mul3A = vector.broadcast %get3A_15 : vector<1000x1xf32> to vector<1000x40xf32>
    %mul3A_16 = arith.mulf %add3A_12, %mul3A : vector<1000x40xf32>
    %get3A_17 = arith.constant 0 : index
    %get3A_18 = arith.constant 0 : index
    %get3A_19 = vector.load %arg4[%get3A_17, %get3A_18] : memref<1x40xf32, #tpu.memory_space<vmem>>, vector<1x40xf32>
    %add3A_20 = vector.broadcast %get3A_19 : vector<1x40xf32> to vector<1000x40xf32>
    %add3A_21 = arith.addf %mul3A_16, %add3A_20 : vector<1000x40xf32>
    %swap3A = arith.constant 0 : index
    %swap3A_22 = arith.constant 0 : index
    %swap3A_23 = vector.load %arg5[%swap3A, %swap3A_22] : memref<1000x40xf32, #tpu.memory_space<vmem>>, vector<1000x40xf32>
    tpu.vector_store %arg5[%swap3A, %swap3A_22], %add3A_21 {strides = array<i32>} : memref<1000x40xf32, #tpu.memory_space<vmem>>, vector<1000x40xf32>,
    return
  }
  func.func @transform_0(%arg0: i32) -> (i32, i32, i32) {
    %c0_i32 = arith.constant 0 : i32
    %c0_i32_0 = arith.constant 0 : i32
    %c0_i32_1 = arith.constant 0 : i32
    return %c0_i32, %arg0, %c0_i32_0 : i32, i32, i32
  }
  func.func @transform_1(%arg0: i32) -> (i32, i32) {
    %c0_i32 = arith.constant 0 : i32
    %c0_i32_0 = arith.constant 0 : i32
    return %arg0, %c0_i32 : i32, i32
  }
  func.func @transform_2(%arg0: i32) -> (i32, i32) {
    %c0_i32 = arith.constant 0 : i32
    %c0_i32_0 = arith.constant 0 : i32
    return %arg0, %c0_i32 : i32, i32
  }
  func.func @transform_3(%arg0: i32) -> (i32, i32) {
    %c0_i32 = arith.constant 0 : i32
    %c0_i32_0 = arith.constant 0 : i32
    %c0_i32_1 = arith.constant 0 : i32
    return %c0_i32, %c0_i32_0 : i32, i32
  }
  func.func @transform_4(%arg0: i32) -> (i32, i32) {
    %c0_i32 = arith.constant 0 : i32
    %c0_i32_0 = arith.constant 0 : i32
    return %arg0, %c0_i32 : i32, i32
  }
}

</mosaic_0001>

<sc_bundles>
// kernel: kernel.11.cloned.1.call-start
scs
__scs_entry_jumppad:
0x0: {  	(pc) =	sbr.rel $0x88, $3  }
0x1: {  	(tag) =	ssettag $0x0;
	lr =	simm.s32 $0x1  }
0x2: {  	[smem:$0x3F9B] =	sst lr;
	_ =	strace $0xD0000000  }
0x3: {  	_ = 	snop  }
0x4: {  	_ = 	snop  }
0x5: {  	_ = 	snop  }
0x6: {  	_ = 	snop  }
0x7: {  	_ = 	snop  }
__scs_overlays_trampoline_lowered:
0x8: {  	[smem:$0x3FAA] =	sst s0  }
0x9: {  	[smem:$0x3FAB] =	sst s1  }
0xa: {  	[smem:$0x3FAC] =	sst s2  }
0xb: {  	[smem:$0x3FAD] =	sst s3  }
0xc: {  	[smem:$0x3FAE] =	sst s4  }
0xd: {  	[smem:$0x3FAF] =	sst s5  }
0xe: {  	[smem:$0x3FB0] =	sst s6  }
0xf: {  	[smem:$0x3FB1] =	sst s7  }
0x10: {  	[smem:$0x3FB2] =	sst s8  }
0x11: {  	[smem:$0x3FB3] =	sst s9;
	s0 =	simm.s32 @!p0 $0x0  }
0x12: {  	s1 =	sld [smem:$0x3F99];
	s0 =	simm.s32 @p0 $0x1  }
0x13: {  	[smem:$0x3FB4] =	sst s0;
	s0 =	simm.s32 @!p1 $0x0  }
0x14: {  	s2 =	sld [smem:$0x3F98];
	s0 =	simm.s32 @p1 $0x1  }
0x15: {  	[smem:$0x3FB5] =	sst s0;
	s0 =	simm.s32 @!p2 $0x0  }
0x16: {  	s3 =	sld [smem:$0x3FDB];
	s0 =	simm.s32 @p2 $0x1  }
0x17: {  	s4 =	simm.s32 $0x1BF5;
	[smem:$0x3FB7] =	sst s0  }
0x18: {  	s0 =	sld [smem:$0x3F9A];
	_ =	swait.ge [sflag:s4], $0x0  }
0x19: {  	s7 =	sld [smem:$0x3F9B]  }
0x1a: {  	s8 =	sadd.s32 $0xFFFFE003, lr  }
0x1b: {  	s9 =	sadd.s32 $0xFFFFFEF7, lr;
	s5 =	simm.s32 $0xFFFFFFFF;
	p2 =	slt.u32 s8, $0xFFFFF086  }
0x1c: {  	p1 =	slt.u32 s9, $0xF7A;
	s5 =	simm.s32 @!p2 $0x0  }
0x1d: {  	s5 =	simm.s32 @p1 $0x1;
	p0 =	seq.s32 s7, s2  }
0x1e: {  	s7 =	smul.u32 @!p0 $0xF7A, s2;
	p2 =	seq.s32 @!p0 s5, $0x0  }
0x1f: {  	s9 =	smul.u32 $0xF7A, s1;
	s8 =	simm.s32 @!p0 $0x1BF5;
	p2 =	por !p2, p0  }
0x20: {  	[sflag:s8] =	ssyncset.s32 @!p0 $0xFFFFF086;
	s6 =	sadd.s32 @!p0 s3, s7;
	s7 =	simm.s32 @!p0 $0x108  }
0x21: {  	s3 =	sadd.s32 s3, s9;
	s6 =	sadd.s32 @!p0 $0x88, s6;
	s7 =	simm.s32 @p2 $0x1082  }
0x22: {  	[simem:s7], [sflag:s8] =	dma.local @!p0 [hbm:s6], $0xF7A  }
0x23: {  	s9 =	sor.u32 $0xD0000000, s2;
	s6 =	simm.s32 $0x108;
	_ =	swait.ge @!p0 [sflag:s8], $0x0  }
0x24: {  	s3 =	sadd.s32 $0x88, s3;
	s6 =	simm.s32 @!p1 $0x1082;
	[sflag:s4] =	ssyncset.s32 $0xFFFFF086  }
0x25: {  	[simem:s6], [sflag:s4] =	dma.local [hbm:s3], $0xF7A  }
0x26: {  	[smem:$0x3F9B] =	sst s1;
	(tag) =	ssettag s2;
	_ =	strace s9  }
0x27: {  	s1 =	sld [smem:$0x3FAB]  }
0x28: {  	s2 =	sld [smem:$0x3FAC]  }
0x29: {  	s4 =	sld [smem:$0x3FAE]  }
0x2a: {  	p0 =	seq.s32 s5, $0x0;
	s5 =	sld [smem:$0x3FAF]  }
0x2b: {  	s6 =	sld [smem:$0x3FB0]  }
0x2c: {  	s7 =	sld [smem:$0x3FB1]  }
0x2d: {  	s3 =	simm.s32 $0x108;
	s8 =	sld [smem:$0x3FB2]  }
0x2e: {  	s3 =	simm.s32 @!p0 $0x1082;
	s9 =	sld [smem:$0x3FB3]  }
0x2f: {  	lr =	sadd.s32 s0, s3;
	s0 =	sld [smem:$0x3FAA]  }
0x30: {  	s3 =	sld [smem:$0x3FAD]  }
0x31: {  	[smem:$0x3FB6] =	sst s10  }
0x32: {  	s10 =	sld [smem:$0x3FB4];
	_ =	sdelay $0x3  }
0x33: {  	p0 =	seq.s32 s10, $0x1;
	s10 =	sld [smem:$0x3FB6];
	_ =	sdelay $0x3  }
0x34: {  	[smem:$0x3FB6] =	sst s10  }
0x35: {  	s10 =	sld [smem:$0x3FB5];
	_ =	sdelay $0x3  }
0x36: {  	p1 =	seq.s32 s10, $0x1;
	s10 =	sld [smem:$0x3FB6];
	_ =	sdelay $0x3  }
0x37: {  	[smem:$0x3FB6] =	sst s10  }
0x38: {  	s10 =	sld [smem:$0x3FB7]  }
0x39: {  	_ = 	snop;
	(pc) =	sbr.ind lr, $3  }
0x3a: {  	_ = 	snop  }
0x3b: {  	_ = 	snop  }
0x3c: {  	p2 =	seq.s32 s10, $0x1;
	s10 =	sld [smem:$0x3FB6]  }
0x3d: {  	_ =	shalt  }
0x3e: {  	_ =	shalt  }
0x3f: {  	_ =	shalt  }
0x40: {  	_ =	shalt  }
0x41: {  	_ =	shalt  }
0x42: {  	_ =	shalt  }
0x43: {  	_ =	shalt  }
0x44: {  	_ =	shalt  }
0x45: {  	_ =	shalt  }
0x46: {  	_ =	shalt  }
0x47: {  	_ =	shalt  }
0x48: {  	_ =	shalt  }
0x49: {  	_ =	shalt  }
0x4a: {  	_ =	shalt  }
0x4b: {  	_ =	shalt  }
0x4c: {  	_ =	shalt  }
0x4d: {  	_ =	shalt  }
0x4e: {  	_ =	shalt  }
0x4f: {  	_ =	shalt  }
0x50: {  	_ =	shalt  }
0x51: {  	_ =	shalt  }
0x52: {  	_ =	shalt  }
0x53: {  	_ =	shalt  }
0x54: {  	_ =	shalt  }
0x55: {  	_ =	shalt  }
0x56: {  	_ =	shalt  }
0x57: {  	_ =	shalt  }
0x58: {  	_ =	shalt  }
0x59: {  	_ =	shalt  }
0x5a: {  	_ =	shalt  }
0x5b: {  	_ =	shalt  }
0x5c: {  	_ =	shalt  }
0x5d: {  	_ =	shalt  }
0x5e: {  	_ =	shalt  }
0x5f: {  	_ =	shalt  }
0x60: {  	_ =	shalt  }
0x61: {  	_ =	shalt  }
0x62: {  	_ =	shalt  }
0x63: {  	_ =	shalt  }
0x64: {  	_ =	shalt  }
0x65: {  	_ =	shalt  }
0x66: {  	_ =	shalt  }
0x67: {  	_ =	shalt  }
0x68: {  	_ =	shalt  }
0x69: {  	_ =	shalt  }
0x6a: {  	_ =	shalt  }
0x6b: {  	_ =	shalt  }
0x6c: {  	_ =	shalt  }
0x6d: {  	_ =	shalt  }
0x6e: {  	_ =	shalt  }
0x6f: {  	_ =	shalt  }
0x70: {  	_ =	shalt  }
0x71: {  	_ =	shalt  }
0x72: {  	_ =	shalt  }
0x73: {  	_ =	shalt  }
0x74: {  	_ =	shalt  }
0x75: {  	_ =	shalt  }
0x76: {  	_ =	shalt  }
0x77: {  	_ =	shalt  }
0x78: {  	_ =	shalt  }
0x79: {  	_ =	shalt  }
0x7a: {  	_ =	shalt  }
0x7b: {  	_ =	shalt  }
0x7c: {  	_ =	shalt  }
0x7d: {  	_ =	shalt  }
0x7e: {  	_ =	shalt  }
0x7f: {  	_ =	shalt  }
0x80: {  	_ =	shalt  }
0x81: {  	_ =	shalt  }
0x82: {  	_ =	shalt  }
0x83: {  	_ =	shalt  }
0x84: {  	_ =	shalt  }
0x85: {  	_ =	shalt  }
0x86: {  	_ =	shalt  }
0x87: {  	_ =	shalt  }
.Lfunc_end0:
.L_simem_size_0:
called_computation.1_lowered:
.L_overlay_start_0:
0x88: {  	s2 =	sld [smem:$0x3FD9]  }
0x89: {  	s3 =	sld [smem:$0x3FFE];
	_ =	sdelay $0x1  }
0x8a: {  	s1 =	srdreg.scid  }
0x8b: {  	s0 =	sand.u32 $0x1, s1  }
0x8c: {  	s17 =	sshll.u32 s0, $0xA;
	s2 =	sadd.s32 s3, s2  }
0x8d: {  	s2 =	sadd.s32 s2, s17  }
0x8e: {  	[smem:$0x3FC2] =	sst s2  }
0x8f: {  	_ = 	snop  }
0x90: {  	s2 =	sld [smem:$0x3FD0];
	(tm) =	ssettm $0x1  }
0x91: {  	s18 =	sld [smem:$0x3FFB];
	_ =	sdelay $0x3  }
0x92: {  	_ =	strace s18  }
0x93: {  	s3 =	sld [smem:$0x3FFC];
	_ =	sdelay $0x3  }
0x94: {  	_ =	strace s3  }
0x95: {  	s3 =	sld [smem:$0x3FFD];
	_ =	sdelay $0x3  }
0x96: {  	_ =	strace s3  }
0x97: {  	_ =	strace $0x8FFFFFFF  }
0x98: {  	s19 =	sld [smem:$0x3FDB];
	_ =	sdelay $0x1  }
0x99: {  	s4 =	simm.s32 $_scs_section_size  }
0x9a: {  	s5 =	simm.s32 $_size__tile_overlayer_lowered;
	s6 =	simm.s32 $_tile_overlayer_lowered  }
0x9b: {  	s22 =	simm.s32 $0x1BFF;
	s21 =	sshll.u32 s6, $0x1;
	s3 =	sadd.s32 s4, s19  }
0x9c: {  	s7 =	simm.s32 $0x0;
	s20 =	sshll.u32 s5, $0x1;
	s5 =	sadd.s32 s21, s3  }
0x9d: {  	[timem:s7], [sflag:s22] =	dma.local [hbm:s5], s20  }
0x9e: {  	_ =	swait.ge [sflag:s22], s20  }
0x9f: {  	s4 =	ssub.s32 $0x0, s20;
	[sflag:s22] =	ssyncset.done $0x0  }
0xa0: {  	[sflag:s22] =	ssyncadd.s32 s4;
	_ =	sdelay $0x1  }
0xa1: {  	s23 =	simm.s32 $0x1B8B  }
0xa2: {  	_ =	swait.ge [sflag:s23], $0x1  }
0xa3: {  	[sflag:s23] =	ssyncset.done $0x0  }
0xa4: {  	s25 =	simm.s32 $0x1B8E;
	s24 =	sld [smem:$0x3FFE];
	[sflag:s23] =	ssyncadd.s32 $0xFFFFFFFF  }
0xa5: {  	s26 =	simm.s32 $execute0_lowered;
	[smem:$0x3FD2] =	sst s25  }
0xa6: {  	s5 =	sshll.u32 s26, $0x1;
	_ =	strace $0x80000049;
	[dreg:$0x1] =	wrdreg $0xFFFFFFFF  }
0xa7: {  	s28 =	simm.s32 $_size_execute0_lowered;
	s3 =	sadd.s32 s3, s5;
	[dreg:$0x0] =	wrdreg $0x0  }
0xa8: {  	s5 =	sshll.u32 s28, $0x1;
	[dreg:$0x2] =	wrdreg s3  }
0xa9: {  	[dreg:$0x3] =	wrdreg s5  }
0xaa: {  	[dreg:$0x4] =	wrdreg $0xC0  }
0xab: {  	_ =	task [dreg:s7], $0x5FFFF  }
0xac: {  	[dreg:$0x1] =	wrdreg $0xFFFFFFFF  }
0xad: {  	[dreg:$0x0] =	wrdreg $0x60  }
0xae: {  	[dreg:$0x2] =	wrdreg s24  }
0xaf: {  	[dreg:$0x3] =	wrdreg s2  }
0xb0: {  	[dreg:$0x4] =	wrdreg $0x91000  }
0xb1: {  	[dreg:$0x5] =	wrdreg $0x9  }
0xb2: {  	_ =	task.clear_ibuf [dreg:s7], $0x6FFFF;
	_ =	strace $0x90000049  }
0xb3: {  	s29 =	simm.s32 $0x9;
	_ =	strace $0x8000004B  }
0xb4: {  	_ =	swait.ge [sflag:s29], $0x1  }
0xb5: {  	[sflag:s29] =	ssyncadd.s32 $0xFFFFFFFF  }
0xb6: {  	_ =	strace $0x9000004B  }
0xb7: {  	_ =	sfence  }
0xb8: {  	s30 =	sld [smem:$0x0];
	_ =	sdelay $0x2  }
0xb9: {  	s31 =	sshll.u32 s1, $0xD;
	s1 =	sshrl.u32 s1, $0x2  }
0xba: {  	s3 =	sand.u32 $0x4000, s31;
	s1 =	sadd.s32 s1, s30  }
0xbb: {  	s0 =	sor.u32 s3, s0;
	s1 =	sshll.u32 s1, $0x11  }
0xbc: {  	s0 =	sor.u32 s1, s0  }
0xbd: {  	s0 =	sadd.s32 $0x8F2B, s0  }
0xbe: {  	[sflag:s0] =	ssyncadd.remote.s32 $0x1  }
0xbf: {  	_ =	sfence.sel $0xFFFF  }
0xc0: {  	[dreg:$0x0] =	wrdreg $0xFFFFFFFF;
	(pc) =	sbr.abs _section_cstart, $3  }
0xc1: {  	[dreg:$0x1] =	wrdreg $0xFFFFFFFF  }
0xc2: {  	_ =	task.clear_ibuf [dreg:s7], $0x2FFFF;
	_ =	strace $0x9FFFFFFF  }
0xc3: {  	(tm) =	ssettm $0x7FFFFFFF  }
tec
execute0_lowered:
.L_overlay_start_1:
0x0: {  	(tag) =	ssettag $0x1  }
0x1: {  	s0 =	rddreg [dreg:$0x0]  }
0x2: {  	s3 =	rddreg [dreg:$0x2];
	s1 =	srdreg.scid  }
0x3: {  	s8 =	stileid.u32;
	s4 =	simm.s32 $0x0;
	s28 =	simm.s32 $0x280  }
0x4: {  	s29 =	simm.s32 $0xF0;
	s30 =	simm.s32 $0x3;
	s2 =	smul.u32 $0x271, s8  }
0x5: {  	s31 =	simm.s32 $0x2;
	s17 =	simm.s32 $0x0;
	s6 =	smul.u32 $0x4E200, s8  }
0x6: {  	s1 =	sand.u32 $0x1, s1;
	[smem:$0x7FF] =	sst s4;
	s21 =	smul.u32 $0x50, s8  }
0x7: {  	s5 =	sadd.s32 $0xD200, s0;
	s13 =	sadd.s32 $0x8200, s0;
	s12 =	smul.u32 $0xA, s8  }
0x8: {  	s14 =	sadd.s32 $0x2C00, s0;
	s15 =	smul.u32 $0x2710, s1;
	s1 =	ssub.s32 $0x2, s1  }
0x9: {  	_ =	strace $0x8000004A;
	s20 =	sshrl.u32 s6, $0x2;
	s7 =	sshrl.u32 s1, $0x1  }
0xa: {  	s11 =	sadd.s32 s13, s12;
	s12 =	sadd.s32 s14, s12;
	s2 =	sadd.s32 s2, s15  }
0xb: {  	s6 =	sadd.s32 s20, s3;
	s1 =	ssub.s32 s1, s7;
	v0 =	vmov s15;
	s15 =	simm.s32 $0x230  }
0xc: {  	s2 =	sshll.u32 s2, $0x4;
	s7 =	sadd.s32 $0x3E80, s6;
	s8 =	sadd.s32 $0x7D00, s6  }
0xd: {  	s9 =	sadd.s32 $0xBB80, s6;
	s10 =	sadd.s32 $0xFA00, s6;
	s26 =	smax.u32 s1, $0x1  }
0xe: {  	s1 =	simm.s32 $0x2A80;
	s0 =	sadd.s32 s2, s0;
	s2 =	sshrl.u32 s21, $0x3  }
0xf: {  	[dreg:$0xb] =	wrdreg s26;
	s21 =	simm.s32 $0x5280;
	s22 =	sadd.s32 $0x82600, s0  }
0x10: {  	s26 =	simm.s32 $0x140;
	s23 =	sadd.s32 $0x82DD0, s0;
	[dreg:$0x6] =	wrdreg s22  }
0x11: {  	s2 =	sadd.s32 $0xA0, s2;
	s24 =	sadd.s32 $0x835A0, s0;
	[dreg:$0x7] =	wrdreg s23  }
0x12: {  	s25 =	sadd.s32 $0x83D70, s0;
	s0 =	sadd.s32 $0x84540, s0;
	[dreg:$0x8] =	wrdreg s24  }
.Ltmp0:
0x13: {  	s13 =	sadd.s32 s13, s2;
	[dreg:$0x9] =	wrdreg s25;
	(pc) =	sbr.rel .LBB2_1-.Ltmp0, $4  }
0x14: {  	s2 =	sadd.s32 s14, s2;
	[dreg:$0xa] =	wrdreg s0;
	s22 =	simm.s32 $0x7  }
0x15: {  	s23 =	simm.s32 $0xA0;
	s24 =	simm.s32 $0x1;
	s25 =	simm.s32 $0x50  }
0x16: {  	s0 =	simm.s32 $0x190;
	s14 =	simm.s32 $0x5;
	[dreg:$0x4] =	wrdreg s13  }
0x17: {  	[dreg:$0x5] =	wrdreg s2;
	s2 =	simm.s32 $0x1E0;
	s13 =	simm.s32 $0x4  }
.LBB2_4:
0x18: {  	_ =	swait.ge [sflag:s30], $0x2800  }
0x19: {  	[sflag:s30] =	ssyncset.done $0x0  }
0x1a: {  	[sflag:s30] =	ssyncadd.s32 $0xFFFFD800  }
0x1b: {  	v1 =	vld [tilespmem:$0xA0]  }
0x1c: {  	v2 =	vld [tilespmem:$0xB0]  }
0x1d: {  	v3 =	vld [tilespmem:$0xC0]  }
0x1e: {  	v4 =	vld [tilespmem:$0xD0]  }
0x1f: {  	v5 =	vld [tilespmem:$0xE0]  }
0x20: {  	[tilespmem:$0x1E0] =	vst v1  }
0x21: {  	[tilespmem:$0x1F0] =	vst v2  }
0x22: {  	[tilespmem:$0x200] =	vst v3  }
0x23: {  	[tilespmem:$0x210] =	vst v4  }
0x24: {  	s16 =	simm.s32 $0x6;
	[tilespmem:$0x220] =	vst v5  }
0x25: {  	[spmem:s3] =	stream.indirect.scatter.add.f32 [tilespmem:s28], [sflag:$0x5], $0x80, s2, s25, $0xb8;
	[tilespmem:$0x1CD80] =	vst v63  }
0x26: {  	_ =	swait.ge [sflag:s16], $0x2800  }
0x27: {  	[sflag:s16] =	ssyncset.done $0x0  }
0x28: {  	[sflag:s16] =	ssyncadd.s32 $0xFFFFD800  }
0x29: {  	_ =	swait.ge [sflag:s14], $0x2800  }
0x2a: {  	[sflag:s14] =	ssyncset.done $0x0  }
0x2b: {  	[sflag:s14] =	ssyncadd.s32 $0xFFFFD800  }
0x2c: {  	[bflag:$0x0] =	sbarrier.arrive $0xFFFF  }
0x2d: {  	[tilespmem:s21], [sflag:$0x7] =	stream.linear.gather [spmem:s6], $0x3E80, $0x38;
	[tilespmem:$0x1CD80] =	vst v63  }
0x2e: {  	_ =	swait.ge [sflag:s22], $0x3E80  }
0x2f: {  	[sflag:s22] =	ssyncset.done $0x0  }
0x30: {  	s18 =	rddreg [dreg:$0x6];
	[sflag:s22] =	ssyncadd.s32 $0xFFFFC180  }
0x31: {  	[hbm4b:s18+s4] =	stream.linear.scatter [tilespmem:s21], [sflag:$0x7], $0x3E80, $0x38;
	[tilespmem:$0x1CD80] =	vst v63  }
0x32: {  	_ =	swait.ge [sflag:s22], $0x3E80  }
0x33: {  	[sflag:s22] =	ssyncset.done $0x0  }
0x34: {  	[sflag:s22] =	ssyncadd.s32 $0xFFFFC180  }
0x35: {  	[tilespmem:s21], [sflag:$0x7] =	stream.linear.gather [spmem:s7], $0x3E80, $0x38;
	[tilespmem:$0x1CD80] =	vst v63  }
0x36: {  	_ =	swait.ge [sflag:s22], $0x3E80  }
0x37: {  	[sflag:s22] =	ssyncset.done $0x0  }
0x38: {  	s19 =	rddreg [dreg:$0x7];
	[sflag:s22] =	ssyncadd.s32 $0xFFFFC180  }
0x39: {  	[hbm4b:s19+s4] =	stream.linear.scatter [tilespmem:s21], [sflag:$0x7], $0x3E80, $0x38;
	[tilespmem:$0x1CD80] =	vst v63  }
0x3a: {  	_ =	swait.ge [sflag:s22], $0x3E80  }
0x3b: {  	[sflag:s22] =	ssyncset.done $0x0  }
0x3c: {  	[sflag:s22] =	ssyncadd.s32 $0xFFFFC180  }
0x3d: {  	[tilespmem:s21], [sflag:$0x7] =	stream.linear.gather [spmem:s8], $0x3E80, $0x38;
	[tilespmem:$0x1CD80] =	vst v63  }
0x3e: {  	_ =	swait.ge [sflag:s22], $0x3E80  }
0x3f: {  	[sflag:s22] =	ssyncset.done $0x0  }
0x40: {  	s20 =	rddreg [dreg:$0x8];
	[sflag:s22] =	ssyncadd.s32 $0xFFFFC180  }
0x41: {  	[hbm4b:s20+s4] =	stream.linear.scatter [tilespmem:s21], [sflag:$0x7], $0x3E80, $0x38;
	[tilespmem:$0x1CD80] =	vst v63  }
0x42: {  	_ =	swait.ge [sflag:s22], $0x3E80  }
0x43: {  	[sflag:s22] =	ssyncset.done $0x0  }
0x44: {  	[sflag:s22] =	ssyncadd.s32 $0xFFFFC180  }
0x45: {  	[tilespmem:s21], [sflag:$0x7] =	stream.linear.gather [spmem:s9], $0x3E80, $0x38;
	[tilespmem:$0x1CD80] =	vst v63  }
0x46: {  	_ =	swait.ge [sflag:s22], $0x3E80  }
0x47: {  	[sflag:s22] =	ssyncset.done $0x0  }
0x48: {  	s18 =	rddreg [dreg:$0x9];
	[sflag:s22] =	ssyncadd.s32 $0xFFFFC180  }
0x49: {  	[hbm4b:s18+s4] =	stream.linear.scatter [tilespmem:s21], [sflag:$0x7], $0x3E80, $0x38;
	[tilespmem:$0x1CD80] =	vst v63  }
0x4a: {  	_ =	swait.ge [sflag:s22], $0x3E80  }
0x4b: {  	[sflag:s22] =	ssyncset.done $0x0  }
0x4c: {  	[sflag:s22] =	ssyncadd.s32 $0xFFFFC180  }
0x4d: {  	[tilespmem:s21], [sflag:$0x7] =	stream.linear.gather [spmem:s10], $0x3E80, $0x38;
	[tilespmem:$0x1CD80] =	vst v63  }
0x4e: {  	_ =	swait.ge [sflag:s22], $0x3E80  }
0x4f: {  	[sflag:s22] =	ssyncset.done $0x0  }
0x50: {  	s19 =	rddreg [dreg:$0xa];
	[sflag:s22] =	ssyncadd.s32 $0xFFFFC180  }
0x51: {  	[hbm4b:s19+s4] =	stream.linear.scatter [tilespmem:s21], [sflag:$0x7], $0x3E80, $0x38;
	[tilespmem:$0x1CD80] =	vst v63  }
0x52: {  	_ =	swait.ge [sflag:s22], $0x3E80  }
0x53: {  	s17 =	sadd.s32 $0x1, s17;
	s20 =	rddreg [dreg:$0xb]  }
0x54: {  	p0 =	sne.s32 s17, s20  }
.Ltmp1:
0x55: {  	_ = 	snop;
	(pc) =	sbr.rel @!p0 .LBB2_5-.Ltmp1, $3  }
0x56: {  	_ =	sdelay $0x1  }
0x57: {  	[sflag:s22] =	ssyncset.done $0x0  }
0x58: {  	[sflag:s22] =	ssyncadd.s32 $0xFFFFC180  }
.LBB2_1:
0x59: {  	s16 =	rddreg [dreg:$0x1]  }
0x5a: {  	[tilespmem:s21], [sflag:$0x7] =	stream.linear.gather [hbm4b:s16+s4], $0x3E80, $0x38;
	[tilespmem:$0x1CD80] =	vst v63  }
0x5b: {  	_ =	swait.ge [sflag:s22], $0x3E80  }
0x5c: {  	[sflag:s22] =	ssyncset.done $0x0  }
0x5d: {  	[sflag:s22] =	ssyncadd.s32 $0xFFFFC180  }
0x5e: {  	[spmem:s6] =	stream.linear.scatter [tilespmem:s21], [sflag:$0x7], $0x3E80, $0x38;
	[tilespmem:$0x1CD80] =	vst v63  }
0x5f: {  	_ =	swait.ge [sflag:s22], $0x3E80  }
0x60: {  	[sflag:s22] =	ssyncset.done $0x0  }
0x61: {  	[sflag:s22] =	ssyncadd.s32 $0xFFFFC180  }
0x62: {  	[spmem:s7] =	stream.linear.scatter [tilespmem:s21], [sflag:$0x7], $0x3E80, $0x38;
	[tilespmem:$0x1CD80] =	vst v63  }
0x63: {  	_ =	swait.ge [sflag:s22], $0x3E80  }
0x64: {  	[sflag:s22] =	ssyncset.done $0x0  }
0x65: {  	[sflag:s22] =	ssyncadd.s32 $0xFFFFC180  }
0x66: {  	[spmem:s8] =	stream.linear.scatter [tilespmem:s21], [sflag:$0x7], $0x3E80, $0x38;
	[tilespmem:$0x1CD80] =	vst v63  }
0x67: {  	_ =	swait.ge [sflag:s22], $0x3E80  }
0x68: {  	[sflag:s22] =	ssyncset.done $0x0  }
0x69: {  	[sflag:s22] =	ssyncadd.s32 $0xFFFFC180  }
0x6a: {  	[spmem:s9] =	stream.linear.scatter [tilespmem:s21], [sflag:$0x7], $0x3E80, $0x38;
	[tilespmem:$0x1CD80] =	vst v63  }
0x6b: {  	_ =	swait.ge [sflag:s22], $0x3E80  }
0x6c: {  	[sflag:s22] =	ssyncset.done $0x0  }
0x6d: {  	[sflag:s22] =	ssyncadd.s32 $0xFFFFC180  }
0x6e: {  	[spmem:s10] =	stream.linear.scatter [tilespmem:s21], [sflag:$0x7], $0x3E80, $0x38;
	[tilespmem:$0x1CD80] =	vst v63  }
0x6f: {  	_ =	swait.ge [sflag:s22], $0x3E80  }
0x70: {  	[sflag:s22] =	ssyncset.done $0x0  }
0x71: {  	[sflag:s22] =	ssyncadd.s32 $0xFFFFC180  }
0x72: {  	[bflag:$0x0] =	sbarrier.arrive $0xFFFF  }
0x73: {  	[tilespmem:s4], [sflag:$0x1] =	stream.linear.gather [hbm4b:s11+s4], $0x50, $0x38;
	[tilespmem:$0x1CD80] =	vst v63  }
0x74: {  	_ = 	snop  }
0x75: {  	[tilespmem:s23], [sflag:$0x1] =	stream.linear.gather [hbm4b:s12+s4], $0x50, $0x38;
	[tilespmem:$0x1CD80] =	vst v63  }
0x76: {  	_ =	swait.ge [sflag:s24], $0x50  }
0x77: {  	[sflag:s24] =	ssyncset.done $0x0  }
0x78: {  	[sflag:s24] =	ssyncadd.s32 $0xFFFFFFB0  }
0x79: {  	_ =	swait.ge [sflag:s24], $0x50  }
0x7a: {  	[sflag:s24] =	ssyncset.done $0x0  }
0x7b: {  	[sflag:s24] =	ssyncadd.s32 $0xFFFFFFB0  }
0x7c: {  	v1 =	vld [tilespmem:$0x0]  }
0x7d: {  	v2 =	vld [tilespmem:$0x10]  }
0x7e: {  	v3 =	vld [tilespmem:$0x20]  }
0x7f: {  	v4 =	vld [tilespmem:$0x30]  }
0x80: {  	v5 =	vld [tilespmem:$0x40]  }
0x81: {  	v1 =	vadd.s32 v0, v1  }
0x82: {  	[tilespmem:$0x140] =	vst v1;
	v1 =	vadd.s32 v0, v2  }
0x83: {  	[tilespmem:$0x150] =	vst v1;
	v1 =	vadd.s32 v0, v3  }
0x84: {  	[tilespmem:$0x160] =	vst v1;
	v1 =	vadd.s32 v0, v4  }
0x85: {  	[tilespmem:$0x170] =	vst v1;
	v1 =	vadd.s32 v0, v5  }
0x86: {  	[tilespmem:$0x180] =	vst v1  }
0x87: {  	[tilespmem:s28], [sflag:$0x3] =	stream.indirect.gather [hbm4b:s5+s25], $0x80, s26, s25, $0xb8;
	[tilespmem:$0x1CD80] =	vst v63  }
0x88: {  	s19 =	rddreg [dreg:$0x4]  }
0x89: {  	[tilespmem:s25], [sflag:$0x2] =	stream.linear.gather [hbm4b:s19+s4], $0x50, $0x38;
	[tilespmem:$0x1CD80] =	vst v63  }
0x8a: {  	s18 =	simm.s32 $0x0;
	s20 =	rddreg [dreg:$0x5]  }
0x8b: {  	[tilespmem:s29], [sflag:$0x2] =	stream.linear.gather [hbm4b:s20+s4], $0x50, $0x38;
	[tilespmem:$0x1CD80] =	vst v63  }
.LBB2_2:
0x8c: {  	_ =	swait.ge [sflag:s30], $0x2800  }
0x8d: {  	[sflag:s30] =	ssyncset.done $0x0  }
0x8e: {  	[sflag:s30] =	ssyncadd.s32 $0xFFFFD800  }
0x8f: {  	v1 =	vld [tilespmem:$0xA0]  }
0x90: {  	v2 =	vld [tilespmem:$0xB0]  }
0x91: {  	v3 =	vld [tilespmem:$0xC0]  }
0x92: {  	v4 =	vld [tilespmem:$0xD0]  }
0x93: {  	v5 =	vld [tilespmem:$0xE0]  }
0x94: {  	[tilespmem:$0x1E0] =	vst v1  }
0x95: {  	[tilespmem:$0x1F0] =	vst v2  }
0x96: {  	[tilespmem:$0x200] =	vst v3  }
0x97: {  	[tilespmem:$0x210] =	vst v4  }
0x98: {  	[tilespmem:$0x220] =	vst v5  }
0x99: {  	_ =	swait.ge [sflag:s31], $0x50  }
0x9a: {  	[sflag:s31] =	ssyncset.done $0x0  }
0x9b: {  	[sflag:s31] =	ssyncadd.s32 $0xFFFFFFB0  }
0x9c: {  	_ =	swait.ge [sflag:s31], $0x50  }
0x9d: {  	p0 =	seq.s32 s18, $0x0;
	[sflag:s31] =	ssyncset.done $0x0  }
0x9e: {  	s19 =	simm.s32 @!p0 $0x6;
	[sflag:s31] =	ssyncadd.s32 $0xFFFFFFB0  }
0x9f: {  	_ =	swait.ge @!p0 [sflag:s19], $0x2800  }
0xa0: {  	[sflag:s19] =	ssyncset.done @!p0 $0x0  }
0xa1: {  	[sflag:s19] =	ssyncadd.s32 @!p0 $0xFFFFD800  }
0xa2: {  	v1 =	vld [tilespmem:$0x50]  }
0xa3: {  	v2 =	vld [tilespmem:$0x60]  }
0xa4: {  	v3 =	vld [tilespmem:$0x70]  }
0xa5: {  	v58 =	vld [tilespmem:$0x80]  }
0xa6: {  	v59 =	vld [tilespmem:$0x90]  }
0xa7: {  	v1 =	vadd.s32 v0, v1  }
0xa8: {  	[tilespmem:$0x190] =	vst v1;
	v1 =	vadd.s32 v0, v2  }
0xa9: {  	[tilespmem:$0x1A0] =	vst v1;
	v1 =	vadd.s32 v0, v3  }
0xaa: {  	[tilespmem:$0x1B0] =	vst v1;
	v1 =	vadd.s32 v0, v58  }
0xab: {  	[tilespmem:$0x1C0] =	vst v1;
	v1 =	vadd.s32 v0, v59  }
0xac: {  	[tilespmem:$0x1D0] =	vst v1  }
0xad: {  	[tilespmem:s1], [sflag:$0x4] =	stream.indirect.gather [hbm4b:s5+s25], $0x80, s0, s25, $0xb8;
	[tilespmem:$0x1CD80] =	vst v63  }
0xae: {  	s19 =	sadd.s32 s18, s11  }
0xaf: {  	[spmem:s3] =	stream.indirect.scatter.add.f32 [tilespmem:s28], [sflag:$0x5], $0x80, s2, s25, $0xb8;
	[tilespmem:$0x1CD80] =	vst v63  }
0xb0: {  	s20 =	sadd.s32 $0x140, s19  }
0xb1: {  	[tilespmem:s4], [sflag:$0x1] =	stream.linear.gather [hbm4b:s20+s4], $0x50, $0x38;
	[tilespmem:$0x1CD80] =	vst v63  }
0xb2: {  	s20 =	sadd.s32 s18, s12  }
0xb3: {  	s16 =	sadd.s32 $0x140, s20  }
0xb4: {  	[tilespmem:s23], [sflag:$0x1] =	stream.linear.gather [hbm4b:s16+s4], $0x50, $0x38;
	[tilespmem:$0x1CD80] =	vst v63  }
0xb5: {  	_ =	swait.ge [sflag:s13], $0x2800  }
0xb6: {  	[sflag:s13] =	ssyncset.done $0x0  }
0xb7: {  	[sflag:s13] =	ssyncadd.s32 $0xFFFFD800  }
0xb8: {  	v1 =	vld [tilespmem:$0xF0]  }
0xb9: {  	v2 =	vld [tilespmem:$0x100]  }
0xba: {  	v3 =	vld [tilespmem:$0x110]  }
0xbb: {  	v60 =	vld [tilespmem:$0x120]  }
0xbc: {  	v61 =	vld [tilespmem:$0x130]  }
0xbd: {  	[tilespmem:$0x230] =	vst v1  }
0xbe: {  	[tilespmem:$0x240] =	vst v2  }
0xbf: {  	[tilespmem:$0x250] =	vst v3  }
0xc0: {  	[tilespmem:$0x260] =	vst v60  }
0xc1: {  	[tilespmem:$0x270] =	vst v61  }
0xc2: {  	_ =	swait.ge [sflag:s24], $0x50  }
0xc3: {  	[sflag:s24] =	ssyncset.done $0x0  }
0xc4: {  	[sflag:s24] =	ssyncadd.s32 $0xFFFFFFB0  }
0xc5: {  	_ =	swait.ge [sflag:s24], $0x50  }
0xc6: {  	[sflag:s24] =	ssyncset.done $0x0  }
0xc7: {  	[sflag:s24] =	ssyncadd.s32 $0xFFFFFFB0  }
0xc8: {  	_ =	swait.ge [sflag:s14], $0x2800  }
0xc9: {  	[sflag:s14] =	ssyncset.done $0x0  }
0xca: {  	[sflag:s14] =	ssyncadd.s32 $0xFFFFD800  }
0xcb: {  	v1 =	vld [tilespmem:$0x0]  }
0xcc: {  	v2 =	vld [tilespmem:$0x10]  }
0xcd: {  	v3 =	vld [tilespmem:$0x20]  }
0xce: {  	v62 =	vld [tilespmem:$0x30]  }
0xcf: {  	v63 =	vld [tilespmem:$0x40]  }
0xd0: {  	v1 =	vadd.s32 v0, v1  }
0xd1: {  	[tilespmem:$0x140] =	vst v1;
	v1 =	vadd.s32 v0, v2  }
0xd2: {  	[tilespmem:$0x150] =	vst v1;
	v1 =	vadd.s32 v0, v3  }
0xd3: {  	p0 =	seq.s32 s18, $0x4C40;
	[tilespmem:$0x160] =	vst v1;
	v1 =	vadd.s32 v0, v62  }
.Ltmp2:
0xd4: {  	[tilespmem:$0x170] =	vst v1;
	v1 =	vadd.s32 v0, v63;
	(pc) =	sbr.rel @p0 .LBB2_4-.Ltmp2, $4  }
0xd5: {  	[tilespmem:$0x180] =	vst v1  }
0xd6: {  	[tilespmem:s28], [sflag:$0x3] =	stream.indirect.gather [hbm4b:s5+s25], $0x80, s26, s25, $0xb8;
	[tilespmem:$0x1CD80] =	vst v63  }
0xd7: {  	_ = 	snop  }
0xd8: {  	[spmem:s3] =	stream.indirect.scatter.add.f32 [tilespmem:s1], [sflag:$0x6], $0x80, s15, s25, $0xb8;
	[tilespmem:$0x1CD80] =	vst v63  }
.Ltmp3:
0xd9: {  	(pc) =	sbr.rel .LBB2_2-.Ltmp3, $4  }
0xda: {  	s16 =	sadd.s32 $0x1E0, s19  }
0xdb: {  	[tilespmem:s25], [sflag:$0x2] =	stream.linear.gather [hbm4b:s16+s4], $0x50, $0x38;
	[tilespmem:$0x1CD80] =	vst v63  }
0xdc: {  	s20 =	sadd.s32 $0x1E0, s20;
	s18 =	sadd.s32 $0x140, s18  }
0xdd: {  	[tilespmem:s29], [sflag:$0x2] =	stream.linear.gather [hbm4b:s20+s4], $0x50, $0x38;
	[tilespmem:$0x1CD80] =	vst v63  }
.LBB2_5:
0xde: {  	_ =	sfence.sel $0x180000  }
0xdf: {  	[bflag:$0x0] =	sbarrier.arrive $0xFFFF  }
0xe0: {  	_ =	strace $0x9000004A  }
0xe1: {  	s0 =	stileid.u32;
	[bflag:$0x2] =	sbarrier.arrive $0xFFFF  }
0xe2: {  	p0 =	sne.s32 s0, $0x0;
	s0 =	rddreg [dreg:$0x3]  }
0xe3: {  	s0 =	sadd.s32 @!p0 $0x100000, s0  }
0xe4: {  	[sflag:s0] =	ssyncadd.tile.s32 @!p0 $0x1;
	_ =	shalt  }
.Lfunc_end2:
_tile_overlayer_lowered:
.L_overlay_start_2:
0xe5: {  	(tag) =	ssettag $0x2  }
0xe6: {  	s0 =	rddreg [dreg:$0x0];
	s2 =	stileid.u32  }
0xe7: {  	s1 =	rddreg [dreg:$0x1];
	p0 =	sne.s32 s2, $0x0  }
0xe8: {  	s3 =	rddreg [dreg:$0x2];
	[bflag:$0x3] =	sbarrier.arrive $0xFFFF;
	s2 =	simm.s32 @!p0 $0x1C07  }
0xe9: {  	[timem:s3], [sflag:s2] =	dma.local @!p0 [hbm:s0], s1  }
0xea: {  	s0 =	simm.s32 @!p0 $0x7  }
0xeb: {  	_ =	swait.ge @!p0 [sflag:s0], s1  }
0xec: {  	s1 =	ssub.s32 @!p0 $0x0, s1;
	[sflag:s0] =	ssyncset.done @!p0 $0x0  }
0xed: {  	[sflag:s0] =	ssyncadd.s32 @!p0 s1  }
0xee: {  	[bflag:$0x3] =	sbarrier.arrive $0xFFFF  }
0xef: {  	_ =	shalt  }

// kernel: kernel.14.cloned.1.call-start
scs
__scs_entry_jumppad:
0x0: {  	(pc) =	sbr.rel $0x88, $3  }
0x1: {  	(tag) =	ssettag $0x0;
	lr =	simm.s32 $0x1  }
0x2: {  	[smem:$0x3F9B] =	sst lr;
	_ =	strace $0xD0000000  }
0x3: {  	_ = 	snop  }
0x4: {  	_ = 	snop  }
0x5: {  	_ = 	snop  }
0x6: {  	_ = 	snop  }
0x7: {  	_ = 	snop  }
__scs_overlays_trampoline_lowered:
0x8: {  	[smem:$0x3FAA] =	sst s0  }
0x9: {  	[smem:$0x3FAB] =	sst s1  }
0xa: {  	[smem:$0x3FAC] =	sst s2  }
0xb: {  	[smem:$0x3FAD] =	sst s3  }
0xc: {  	[smem:$0x3FAE] =	sst s4  }
0xd: {  	[smem:$0x3FAF] =	sst s5  }
0xe: {  	[smem:$0x3FB0] =	sst s6  }
0xf: {  	[smem:$0x3FB1] =	sst s7  }
0x10: {  	[smem:$0x3FB2] =	sst s8  }
0x11: {  	[smem:$0x3FB3] =	sst s9;
	s0 =	simm.s32 @!p0 $0x0  }
0x12: {  	s1 =	sld [smem:$0x3F99];
	s0 =	simm.s32 @p0 $0x1  }
0x13: {  	[smem:$0x3FB4] =	sst s0;
	s0 =	simm.s32 @!p1 $0x0  }
0x14: {  	s2 =	sld [smem:$0x3F98];
	s0 =	simm.s32 @p1 $0x1  }
0x15: {  	[smem:$0x3FB5] =	sst s0;
	s0 =	simm.s32 @!p2 $0x0  }
0x16: {  	s3 =	sld [smem:$0x3FDB];
	s0 =	simm.s32 @p2 $0x1  }
0x17: {  	s4 =	simm.s32 $0x1BF5;
	[smem:$0x3FB7] =	sst s0  }
0x18: {  	s0 =	sld [smem:$0x3F9A];
	_ =	swait.ge [sflag:s4], $0x0  }
0x19: {  	s7 =	sld [smem:$0x3F9B]  }
0x1a: {  	s8 =	sadd.s32 $0xFFFFE003, lr  }
0x1b: {  	s9 =	sadd.s32 $0xFFFFFEF7, lr;
	s5 =	simm.s32 $0xFFFFFFFF;
	p2 =	slt.u32 s8, $0xFFFFF086  }
0x1c: {  	p1 =	slt.u32 s9, $0xF7A;
	s5 =	simm.s32 @!p2 $0x0  }
0x1d: {  	s5 =	simm.s32 @p1 $0x1;
	p0 =	seq.s32 s7, s2  }
0x1e: {  	s7 =	smul.u32 @!p0 $0xF7A, s2;
	p2 =	seq.s32 @!p0 s5, $0x0  }
0x1f: {  	s9 =	smul.u32 $0xF7A, s1;
	s8 =	simm.s32 @!p0 $0x1BF5;
	p2 =	por !p2, p0  }
0x20: {  	[sflag:s8] =	ssyncset.s32 @!p0 $0xFFFFF086;
	s6 =	sadd.s32 @!p0 s3, s7;
	s7 =	simm.s32 @!p0 $0x108  }
0x21: {  	s3 =	sadd.s32 s3, s9;
	s6 =	sadd.s32 @!p0 $0x88, s6;
	s7 =	simm.s32 @p2 $0x1082  }
0x22: {  	[simem:s7], [sflag:s8] =	dma.local @!p0 [hbm:s6], $0xF7A  }
0x23: {  	s9 =	sor.u32 $0xD0000000, s2;
	s6 =	simm.s32 $0x108;
	_ =	swait.ge @!p0 [sflag:s8], $0x0  }
0x24: {  	s3 =	sadd.s32 $0x88, s3;
	s6 =	simm.s32 @!p1 $0x1082;
	[sflag:s4] =	ssyncset.s32 $0xFFFFF086  }
0x25: {  	[simem:s6], [sflag:s4] =	dma.local [hbm:s3], $0xF7A  }
0x26: {  	[smem:$0x3F9B] =	sst s1;
	(tag) =	ssettag s2;
	_ =	strace s9  }
0x27: {  	s1 =	sld [smem:$0x3FAB]  }
0x28: {  	s2 =	sld [smem:$0x3FAC]  }
0x29: {  	s4 =	sld [smem:$0x3FAE]  }
0x2a: {  	p0 =	seq.s32 s5, $0x0;
	s5 =	sld [smem:$0x3FAF]  }
0x2b: {  	s6 =	sld [smem:$0x3FB0]  }
0x2c: {  	s7 =	sld [smem:$0x3FB1]  }
0x2d: {  	s3 =	simm.s32 $0x108;
	s8 =	sld [smem:$0x3FB2]  }
0x2e: {  	s3 =	simm.s32 @!p0 $0x1082;
	s9 =	sld [smem:$0x3FB3]  }
0x2f: {  	lr =	sadd.s32 s0, s3;
	s0 =	sld [smem:$0x3FAA]  }
0x30: {  	s3 =	sld [smem:$0x3FAD]  }
0x31: {  	[smem:$0x3FB6] =	sst s10  }
0x32: {  	s10 =	sld [smem:$0x3FB4];
	_ =	sdelay $0x3  }
0x33: {  	p0 =	seq.s32 s10, $0x1;
	s10 =	sld [smem:$0x3FB6];
	_ =	sdelay $0x3  }
0x34: {  	[smem:$0x3FB6] =	sst s10  }
0x35: {  	s10 =	sld [smem:$0x3FB5];
	_ =	sdelay $0x3  }
0x36: {  	p1 =	seq.s32 s10, $0x1;
	s10 =	sld [smem:$0x3FB6];
	_ =	sdelay $0x3  }
0x37: {  	[smem:$0x3FB6] =	sst s10  }
0x38: {  	s10 =	sld [smem:$0x3FB7]  }
0x39: {  	_ = 	snop;
	(pc) =	sbr.ind lr, $3  }
0x3a: {  	_ = 	snop  }
0x3b: {  	_ = 	snop  }
0x3c: {  	p2 =	seq.s32 s10, $0x1;
	s10 =	sld [smem:$0x3FB6]  }
0x3d: {  	_ =	shalt  }
0x3e: {  	_ =	shalt  }
0x3f: {  	_ =	shalt  }
0x40: {  	_ =	shalt  }
0x41: {  	_ =	shalt  }
0x42: {  	_ =	shalt  }
0x43: {  	_ =	shalt  }
0x44: {  	_ =	shalt  }
0x45: {  	_ =	shalt  }
0x46: {  	_ =	shalt  }
0x47: {  	_ =	shalt  }
0x48: {  	_ =	shalt  }
0x49: {  	_ =	shalt  }
0x4a: {  	_ =	shalt  }
0x4b: {  	_ =	shalt  }
0x4c: {  	_ =	shalt  }
0x4d: {  	_ =	shalt  }
0x4e: {  	_ =	shalt  }
0x4f: {  	_ =	shalt  }
0x50: {  	_ =	shalt  }
0x51: {  	_ =	shalt  }
0x52: {  	_ =	shalt  }
0x53: {  	_ =	shalt  }
0x54: {  	_ =	shalt  }
0x55: {  	_ =	shalt  }
0x56: {  	_ =	shalt  }
0x57: {  	_ =	shalt  }
0x58: {  	_ =	shalt  }
0x59: {  	_ =	shalt  }
0x5a: {  	_ =	shalt  }
0x5b: {  	_ =	shalt  }
0x5c: {  	_ =	shalt  }
0x5d: {  	_ =	shalt  }
0x5e: {  	_ =	shalt  }
0x5f: {  	_ =	shalt  }
0x60: {  	_ =	shalt  }
0x61: {  	_ =	shalt  }
0x62: {  	_ =	shalt  }
0x63: {  	_ =	shalt  }
0x64: {  	_ =	shalt  }
0x65: {  	_ =	shalt  }
0x66: {  	_ =	shalt  }
0x67: {  	_ =	shalt  }
0x68: {  	_ =	shalt  }
0x69: {  	_ =	shalt  }
0x6a: {  	_ =	shalt  }
0x6b: {  	_ =	shalt  }
0x6c: {  	_ =	shalt  }
0x6d: {  	_ =	shalt  }
0x6e: {  	_ =	shalt  }
0x6f: {  	_ =	shalt  }
0x70: {  	_ =	shalt  }
0x71: {  	_ =	shalt  }
0x72: {  	_ =	shalt  }
0x73: {  	_ =	shalt  }
0x74: {  	_ =	shalt  }
0x75: {  	_ =	shalt  }
0x76: {  	_ =	shalt  }
0x77: {  	_ =	shalt  }
0x78: {  	_ =	shalt  }
0x79: {  	_ =	shalt  }
0x7a: {  	_ =	shalt  }
0x7b: {  	_ =	shalt  }
0x7c: {  	_ =	shalt  }
0x7d: {  	_ =	shalt  }
0x7e: {  	_ =	shalt  }
0x7f: {  	_ =	shalt  }
0x80: {  	_ =	shalt  }
0x81: {  	_ =	shalt  }
0x82: {  	_ =	shalt  }
0x83: {  	_ =	shalt  }
0x84: {  	_ =	shalt  }
0x85: {  	_ =	shalt  }
0x86: {  	_ =	shalt  }
0x87: {  	_ =	shalt  }
.Lfunc_end0:
.L_simem_size_0:
called_computation.2_lowered:
.L_overlay_start_0:
0x88: {  	s2 =	sld [smem:$0x3FD9]  }
0x89: {  	s3 =	sld [smem:$0x3FFE];
	_ =	sdelay $0x1  }
0x8a: {  	s1 =	srdreg.scid  }
0x8b: {  	s0 =	sand.u32 $0x1, s1  }
0x8c: {  	s17 =	sshll.u32 s0, $0xA;
	s2 =	sadd.s32 s3, s2  }
0x8d: {  	s2 =	sadd.s32 s2, s17  }
0x8e: {  	[smem:$0x3FC2] =	sst s2  }
0x8f: {  	_ = 	snop  }
0x90: {  	s2 =	sld [smem:$0x3FD0];
	(tm) =	ssettm $0x1  }
0x91: {  	s18 =	sld [smem:$0x3FFB];
	_ =	sdelay $0x3  }
0x92: {  	_ =	strace s18  }
0x93: {  	s3 =	sld [smem:$0x3FFC];
	_ =	sdelay $0x3  }
0x94: {  	_ =	strace s3  }
0x95: {  	s3 =	sld [smem:$0x3FFD];
	_ =	sdelay $0x3  }
0x96: {  	_ =	strace s3  }
0x97: {  	_ =	strace $0x8FFFFFFF  }
0x98: {  	s19 =	sld [smem:$0x3FDB];
	_ =	sdelay $0x1  }
0x99: {  	s4 =	simm.s32 $_scs_section_size  }
0x9a: {  	s5 =	simm.s32 $_size__tile_overlayer_lowered;
	s6 =	simm.s32 $_tile_overlayer_lowered  }
0x9b: {  	s22 =	simm.s32 $0x1BFF;
	s21 =	sshll.u32 s6, $0x1;
	s3 =	sadd.s32 s4, s19  }
0x9c: {  	s7 =	simm.s32 $0x0;
	s20 =	sshll.u32 s5, $0x1;
	s5 =	sadd.s32 s21, s3  }
0x9d: {  	[timem:s7], [sflag:s22] =	dma.local [hbm:s5], s20  }
0x9e: {  	_ =	swait.ge [sflag:s22], s20  }
0x9f: {  	s4 =	ssub.s32 $0x0, s20;
	[sflag:s22] =	ssyncset.done $0x0  }
0xa0: {  	[sflag:s22] =	ssyncadd.s32 s4;
	_ =	sdelay $0x1  }
0xa1: {  	s23 =	simm.s32 $0x1B8B  }
0xa2: {  	_ =	swait.ge [sflag:s23], $0x1  }
0xa3: {  	[sflag:s23] =	ssyncset.done $0x0  }
0xa4: {  	s25 =	simm.s32 $0x1B8E;
	s24 =	sld [smem:$0x3FFE];
	[sflag:s23] =	ssyncadd.s32 $0xFFFFFFFF  }
0xa5: {  	s26 =	simm.s32 $execute0_lowered;
	[smem:$0x3FD2] =	sst s25  }
0xa6: {  	s5 =	sshll.u32 s26, $0x1;
	_ =	strace $0x8000004C;
	[dreg:$0x1] =	wrdreg $0xFFFFFFFF  }
0xa7: {  	s28 =	simm.s32 $_size_execute0_lowered;
	s3 =	sadd.s32 s3, s5;
	[dreg:$0x0] =	wrdreg $0x0  }
0xa8: {  	s5 =	sshll.u32 s28, $0x1;
	[dreg:$0x2] =	wrdreg s3  }
0xa9: {  	[dreg:$0x3] =	wrdreg s5  }
0xaa: {  	[dreg:$0x4] =	wrdreg $0xC0  }
0xab: {  	_ =	task [dreg:s7], $0x5FFFF  }
0xac: {  	[dreg:$0x1] =	wrdreg $0xFFFFFFFF  }
0xad: {  	[dreg:$0x0] =	wrdreg $0x60  }
0xae: {  	[dreg:$0x2] =	wrdreg s2  }
0xaf: {  	[dreg:$0x3] =	wrdreg s24  }
0xb0: {  	[dreg:$0x4] =	wrdreg $0xC8400  }
0xb1: {  	[dreg:$0x5] =	wrdreg $0x9  }
0xb2: {  	_ =	task.clear_ibuf [dreg:s7], $0x6FFFF;
	_ =	strace $0x9000004C  }
0xb3: {  	s29 =	simm.s32 $0x9;
	_ =	strace $0x8000004E  }
0xb4: {  	_ =	swait.ge [sflag:s29], $0x1  }
0xb5: {  	[sflag:s29] =	ssyncadd.s32 $0xFFFFFFFF  }
0xb6: {  	_ =	strace $0x9000004E  }
0xb7: {  	_ =	sfence  }
0xb8: {  	s30 =	sld [smem:$0x0];
	_ =	sdelay $0x2  }
0xb9: {  	s31 =	sshll.u32 s1, $0xD;
	s1 =	sshrl.u32 s1, $0x2  }
0xba: {  	s3 =	sand.u32 $0x4000, s31;
	s1 =	sadd.s32 s1, s30  }
0xbb: {  	s0 =	sor.u32 s3, s0;
	s1 =	sshll.u32 s1, $0x11  }
0xbc: {  	s0 =	sor.u32 s1, s0  }
0xbd: {  	s0 =	sadd.s32 $0x8F2B, s0  }
0xbe: {  	[sflag:s0] =	ssyncadd.remote.s32 $0x1  }
0xbf: {  	_ =	sfence.sel $0xFFFF  }
0xc0: {  	[dreg:$0x0] =	wrdreg $0xFFFFFFFF;
	(pc) =	sbr.abs _section_cstart, $3  }
0xc1: {  	[dreg:$0x1] =	wrdreg $0xFFFFFFFF  }
0xc2: {  	_ =	task.clear_ibuf [dreg:s7], $0x2FFFF;
	_ =	strace $0x9FFFFFFF  }
0xc3: {  	(tm) =	ssettm $0x7FFFFFFF  }
tec
execute0_lowered:
.L_overlay_start_1:
0x0: {  	(tag) =	ssettag $0x1  }
0x1: {  	s1 =	rddreg [dreg:$0x0]  }
0x2: {  	s0 =	rddreg [dreg:$0x1]  }
0x3: {  	s2 =	rddreg [dreg:$0x2];
	s3 =	srdreg.scid;
	s4 =	simm.s32 $0x0  }
0x4: {  	s16 =	stileid.u32;
	s18 =	simm.s32 $0x1;
	s19 =	simm.s32 $0x80  }
0x5: {  	s20 =	simm.s32 $0x200;
	s21 =	simm.s32 $0x400;
	s22 =	simm.s32 $0x180  }
0x6: {  	s28 =	simm.s32 $0x300;
	s29 =	simm.s32 $0x4;
	s30 =	simm.s32 $0x380  }
0x7: {  	s31 =	simm.s32 $0x5;
	s3 =	sand.u32 $0x1, s3;
	[smem:$0x7FF] =	sst s4  }
0x8: {  	s6 =	smul.u32 $0x1388, s16;
	s13 =	sadd.s32 $0x8200, s0;
	s14 =	sadd.s32 $0x2C00, s0  }
0x9: {  	s8 =	smul.u32 $0x27100, s16;
	s23 =	sadd.s32 $0xD200, s0;
	s15 =	sshll.u32 s16, $0x5  }
0xa: {  	p0 =	sgt.u32 s16, $0x9;
	s16 =	simm.s32 $0x7;
	s5 =	smul.u32 $0xC350, s3  }
0xb: {  	_ =	strace $0x8000004D;
	s7 =	ssub.s32 $0x2, s3;
	[dreg:$0x4] =	wrdreg s23  }
0xc: {  	s3 =	sshll.u32 s3, $0x4;
	s26 =	sadd.s32 s15, s13;
	s23 =	simm.s32 $0x3  }
0xd: {  	s24 =	sshrl.u32 s7, $0x1;
	s8 =	sshrl.u32 s8, $0x2;
	s9 =	sor.u32 s3, s15  }
0xe: {  	s6 =	sadd.s32 s6, s5;
	s12 =	ssub.s32 s7, s24;
	s25 =	sadd.s32 s13, s9  }
0xf: {  	s10 =	sor.u32 $0x200, s9;
	s24 =	simm.s32 $0x2;
	s0 =	sadd.s32 s6, s0  }
.Ltmp0:
0x10: {  	s6 =	sadd.s32 s8, s2;
	[dreg:$0x5] =	wrdreg s25;
	(pc) =	sbr.rel .LBB2_1-.Ltmp0, $4  }
0x11: {  	s8 =	sadd.s32 s14, s9;
	s9 =	sadd.s32 s13, s10;
	s10 =	sadd.s32 s14, s10  }
0x12: {  	s12 =	smax.u32 s12, $0x1;
	s14 =	sadd.s32 s15, s14;
	s13 =	sadd.s32 s3, s26  }
0x13: {  	s25 =	simm.s32 $0x280;
	s26 =	simm.s32 $0x1800;
	s11 =	sadd.s32 $0xE600, s0  }
0x14: {  	s14 =	sadd.s32 s3, s14;
	s0 =	simm.s32 $0x6;
	s3 =	simm.s32 $0x0  }
.LBB2_4:
0x15: {  	[spmem:s2] =	stream.indirect.scatter.add.f32 [tilespmem:s26], [sflag:$0x6], $0x28, s30, s19, $0xb8;
	[tilespmem:$0x12B28] =	vst v63  }
0x16: {  	_ =	swait.ge [sflag:s31], $0x1400  }
0x17: {  	[sflag:s31] =	ssyncset.done $0x0  }
0x18: {  	[sflag:s31] =	ssyncadd.s32 $0xFFFFEC00  }
0x19: {  	_ =	swait.ge [sflag:s0], $0x1400  }
0x1a: {  	[sflag:s0] =	ssyncset.done $0x0  }
0x1b: {  	[sflag:s0] =	ssyncadd.s32 $0xFFFFEC00  }
0x1c: {  	s5 =	simm.s32 @!p0 $0x2C00;
	s7 =	simm.s32 @!p0 $0x7;
	[bflag:$0x0] =	sbarrier.arrive $0xFFFF  }
0x1d: {  	[tilespmem:s5], [sflag:$0x7] =	stream.linear.gather @!p0 [spmem:s6], $0x9C40, $0x38;
	[tilespmem:$0x12B28] =	vst v63  }
0x1e: {  	s3 =	sadd.s32 $0x1, s3;
	_ =	swait.ge @!p0 [sflag:s7], $0x9C40  }
0x1f: {  	p1 =	sne.s32 s3, s12;
	[sflag:s7] =	ssyncset.done @!p0 $0x0  }
.Ltmp1:
0x20: {  	s15 =	simm.s32 @!p0 $0x0;
	[sflag:s7] =	ssyncadd.s32 @!p0 $0xFFFF63C0;
	(pc) =	sbr.rel @!p1 .LBB2_5-.Ltmp1, $4  }
0x21: {  	[hbm4b:s11+s15] =	stream.linear.scatter @!p0 [tilespmem:s5], [sflag:$0x7], $0x9C40, $0x38;
	[tilespmem:$0x12B28] =	vst v63  }
0x22: {  	_ =	swait.ge @!p0 [sflag:s7], $0x9C40  }
0x23: {  	[sflag:s7] =	ssyncset.done @!p0 $0x0  }
0x24: {  	[sflag:s7] =	ssyncadd.s32 @!p0 $0xFFFF63C0  }
.LBB2_1:
0x25: {  	s5 =	rddreg [dreg:$0x4];
	s7 =	simm.s32 $0x2C00  }
0x26: {  	[tilespmem:s7], [sflag:$0x7] =	stream.linear.gather [hbm4b:s5+s4], $0x9C40, $0x38;
	[tilespmem:$0x12B28] =	vst v63  }
0x27: {  	_ =	swait.ge [sflag:s16], $0x9C40  }
0x28: {  	[sflag:s16] =	ssyncset.done $0x0  }
0x29: {  	s15 =	simm.s32 @!p0 $0x2C00;
	[sflag:s16] =	ssyncadd.s32 $0xFFFF63C0  }
0x2a: {  	[spmem:s6] =	stream.linear.scatter @!p0 [tilespmem:s15], [sflag:$0x7], $0x9C40, $0x38;
	[tilespmem:$0x12B28] =	vst v63  }
0x2b: {  	s15 =	simm.s32 @!p0 $0x7  }
0x2c: {  	_ =	swait.ge @!p0 [sflag:s15], $0x9C40  }
0x2d: {  	[sflag:s15] =	ssyncset.done @!p0 $0x0  }
0x2e: {  	[sflag:s15] =	ssyncadd.s32 @!p0 $0xFFFF63C0  }
0x2f: {  	[bflag:$0x0] =	sbarrier.arrive $0xFFFF  }
0x30: {  	s15 =	rddreg [dreg:$0x5]  }
0x31: {  	[tilespmem:s4], [sflag:$0x1] =	stream.linear.gather [hbm4b:s15+s4], $0x80, $0x38;
	[tilespmem:$0x12B28] =	vst v63  }
0x32: {  	s17 =	simm.s32 $0x100  }
0x33: {  	[tilespmem:s17], [sflag:$0x1] =	stream.linear.gather [hbm4b:s8+s4], $0x80, $0x38;
	[tilespmem:$0x12B28] =	vst v63  }
0x34: {  	_ =	swait.ge [sflag:s18], $0x80  }
0x35: {  	[sflag:s18] =	ssyncset.done $0x0  }
0x36: {  	[sflag:s18] =	ssyncadd.s32 $0xFFFFFF80  }
0x37: {  	_ =	swait.ge [sflag:s18], $0x80  }
0x38: {  	[sflag:s18] =	ssyncset.done $0x0  }
0x39: {  	[sflag:s18] =	ssyncadd.s32 $0xFFFFFF80  }
0x3a: {  	v0 =	vld [tilespmem:$0x0]  }
0x3b: {  	v1 =	vld [tilespmem:$0x10]  }
0x3c: {  	v2 =	vld [tilespmem:$0x20]  }
0x3d: {  	v3 =	vld [tilespmem:$0x30]  }
0x3e: {  	v4 =	vld [tilespmem:$0x40]  }
0x3f: {  	v61 =	vld [tilespmem:$0x50];
	[tilespmem:$0x200] =	vst v0  }
0x40: {  	v62 =	vld [tilespmem:$0x60];
	[tilespmem:$0x210] =	vst v1  }
0x41: {  	v63 =	vld [tilespmem:$0x70];
	[tilespmem:$0x220] =	vst v2  }
0x42: {  	[tilespmem:$0x230] =	vst v3  }
0x43: {  	[tilespmem:$0x240] =	vst v4  }
0x44: {  	[tilespmem:$0x250] =	vst v61  }
0x45: {  	[tilespmem:$0x260] =	vst v62  }
0x46: {  	[tilespmem:$0x270] =	vst v63  }
0x47: {  	[tilespmem:s21], [sflag:$0x3] =	stream.indirect.gather [hbm4b:s1+s19], $0x28, s20, s19, $0xb8;
	[tilespmem:$0x12B28] =	vst v63  }
0x48: {  	_ = 	snop  }
0x49: {  	[tilespmem:s19], [sflag:$0x2] =	stream.linear.gather [hbm4b:s9+s4], $0x80, $0x38;
	[tilespmem:$0x12B28] =	vst v63  }
0x4a: {  	s15 =	simm.s32 $0x0  }
0x4b: {  	[tilespmem:s22], [sflag:$0x2] =	stream.linear.gather [hbm4b:s10+s4], $0x80, $0x38;
	[tilespmem:$0x12B28] =	vst v63  }
.LBB2_2:
0x4c: {  	_ =	swait.ge [sflag:s23], $0x1400  }
0x4d: {  	[sflag:s23] =	ssyncset.done $0x0  }
0x4e: {  	[sflag:s23] =	ssyncadd.s32 $0xFFFFEC00  }
0x4f: {  	v0 =	vld [tilespmem:$0x100]  }
0x50: {  	v1 =	vld [tilespmem:$0x110]  }
0x51: {  	v2 =	vld [tilespmem:$0x120]  }
0x52: {  	v3 =	vld [tilespmem:$0x130]  }
0x53: {  	v4 =	vld [tilespmem:$0x140]  }
0x54: {  	v45 =	vld [tilespmem:$0x150];
	[tilespmem:$0x300] =	vst v0  }
0x55: {  	v46 =	vld [tilespmem:$0x160];
	[tilespmem:$0x310] =	vst v1  }
0x56: {  	v47 =	vld [tilespmem:$0x170];
	[tilespmem:$0x320] =	vst v2  }
0x57: {  	[tilespmem:$0x330] =	vst v3  }
0x58: {  	[tilespmem:$0x340] =	vst v4  }
0x59: {  	[tilespmem:$0x350] =	vst v45  }
0x5a: {  	[tilespmem:$0x360] =	vst v46  }
0x5b: {  	[tilespmem:$0x370] =	vst v47  }
0x5c: {  	_ =	swait.ge [sflag:s24], $0x80  }
0x5d: {  	[sflag:s24] =	ssyncset.done $0x0  }
0x5e: {  	[sflag:s24] =	ssyncadd.s32 $0xFFFFFF80  }
0x5f: {  	_ =	swait.ge [sflag:s24], $0x80  }
0x60: {  	p1 =	seq.s32 s15, $0x0;
	[sflag:s24] =	ssyncset.done $0x0  }
0x61: {  	s17 =	simm.s32 @!p1 $0x6;
	[sflag:s24] =	ssyncadd.s32 $0xFFFFFF80  }
0x62: {  	_ =	swait.ge @!p1 [sflag:s17], $0x1400  }
0x63: {  	[sflag:s17] =	ssyncset.done @!p1 $0x0  }
0x64: {  	[sflag:s17] =	ssyncadd.s32 @!p1 $0xFFFFEC00  }
0x65: {  	v48 =	vld [tilespmem:$0x80]  }
0x66: {  	v49 =	vld [tilespmem:$0x90]  }
0x67: {  	v50 =	vld [tilespmem:$0xA0]  }
0x68: {  	v51 =	vld [tilespmem:$0xB0]  }
0x69: {  	v52 =	vld [tilespmem:$0xC0]  }
0x6a: {  	v53 =	vld [tilespmem:$0xD0];
	[tilespmem:$0x280] =	vst v48  }
0x6b: {  	v54 =	vld [tilespmem:$0xE0];
	[tilespmem:$0x290] =	vst v49  }
0x6c: {  	v55 =	vld [tilespmem:$0xF0];
	[tilespmem:$0x2A0] =	vst v50  }
0x6d: {  	[tilespmem:$0x2B0] =	vst v51  }
0x6e: {  	[tilespmem:$0x2C0] =	vst v52  }
0x6f: {  	[tilespmem:$0x2D0] =	vst v53  }
0x70: {  	[tilespmem:$0x2E0] =	vst v54  }
0x71: {  	p1 =	seq.s32 s15, $0x4C00;
	[tilespmem:$0x2F0] =	vst v55  }
0x72: {  	[tilespmem:s26], [sflag:$0x4] =	stream.indirect.gather [hbm4b:s1+s19], $0x28, s25, s19, $0xb8;
	[tilespmem:$0x12B28] =	vst v63  }
0x73: {  	s17 =	sadd.s32 @!p1 s15, s13  }
0x74: {  	[spmem:s2] =	stream.indirect.scatter.add.f32 [tilespmem:s21], [sflag:$0x5], $0x28, s28, s19, $0xb8;
	[tilespmem:$0x12B28] =	vst v63  }
0x75: {  	s5 =	simm.s32 @!p1 $0x0;
	s17 =	sadd.s32 @!p1 $0x400, s17  }
0x76: {  	[tilespmem:s5], [sflag:$0x1] =	stream.linear.gather @!p1 [hbm4b:s17+s5], $0x80, $0x38;
	[tilespmem:$0x12B28] =	vst v63  }
0x77: {  	s17 =	sadd.s32 @!p1 s15, s14  }
0x78: {  	s7 =	simm.s32 @!p1 $0x100;
	s17 =	sadd.s32 @!p1 $0x400, s17  }
0x79: {  	[tilespmem:s7], [sflag:$0x1] =	stream.linear.gather @!p1 [hbm4b:s17+s5], $0x80, $0x38;
	[tilespmem:$0x12B28] =	vst v63  }
0x7a: {  	_ =	swait.ge [sflag:s29], $0x1400  }
0x7b: {  	[sflag:s29] =	ssyncset.done $0x0  }
0x7c: {  	[sflag:s29] =	ssyncadd.s32 $0xFFFFEC00  }
0x7d: {  	v56 =	vld [tilespmem:$0x180]  }
0x7e: {  	v57 =	vld [tilespmem:$0x190]  }
0x7f: {  	v58 =	vld [tilespmem:$0x1A0]  }
0x80: {  	v59 =	vld [tilespmem:$0x1B0]  }
0x81: {  	v60 =	vld [tilespmem:$0x1C0]  }
0x82: {  	v61 =	vld [tilespmem:$0x1D0];
	[tilespmem:$0x380] =	vst v56  }
0x83: {  	v62 =	vld [tilespmem:$0x1E0];
	[tilespmem:$0x390] =	vst v57  }
0x84: {  	v63 =	vld [tilespmem:$0x1F0];
	[tilespmem:$0x3A0] =	vst v58  }
.Ltmp2:
0x85: {  	[tilespmem:$0x3B0] =	vst v59;
	(pc) =	sbr.rel @p1 .LBB2_4-.Ltmp2, $4  }
0x86: {  	[tilespmem:$0x3C0] =	vst v60  }
0x87: {  	[tilespmem:$0x3D0] =	vst v61  }
0x88: {  	[tilespmem:$0x3E0] =	vst v62  }
0x89: {  	[tilespmem:$0x3F0] =	vst v63  }
0x8a: {  	_ =	swait.ge [sflag:s18], $0x80  }
0x8b: {  	[sflag:s18] =	ssyncset.done $0x0  }
0x8c: {  	[sflag:s18] =	ssyncadd.s32 $0xFFFFFF80  }
0x8d: {  	_ =	swait.ge [sflag:s18], $0x80  }
0x8e: {  	[sflag:s18] =	ssyncset.done $0x0  }
0x8f: {  	[sflag:s18] =	ssyncadd.s32 $0xFFFFFF80  }
0x90: {  	_ =	swait.ge [sflag:s31], $0x1400  }
0x91: {  	[sflag:s31] =	ssyncset.done $0x0  }
0x92: {  	[sflag:s31] =	ssyncadd.s32 $0xFFFFEC00  }
0x93: {  	v0 =	vld [tilespmem:$0x0]  }
0x94: {  	v1 =	vld [tilespmem:$0x10]  }
0x95: {  	v2 =	vld [tilespmem:$0x20]  }
0x96: {  	v3 =	vld [tilespmem:$0x30]  }
0x97: {  	v4 =	vld [tilespmem:$0x40]  }
0x98: {  	v61 =	vld [tilespmem:$0x50];
	[tilespmem:$0x200] =	vst v0  }
0x99: {  	v62 =	vld [tilespmem:$0x60];
	[tilespmem:$0x210] =	vst v1  }
0x9a: {  	v63 =	vld [tilespmem:$0x70];
	[tilespmem:$0x220] =	vst v2  }
0x9b: {  	[tilespmem:$0x230] =	vst v3  }
0x9c: {  	[tilespmem:$0x240] =	vst v4  }
0x9d: {  	[tilespmem:$0x250] =	vst v61  }
0x9e: {  	[tilespmem:$0x260] =	vst v62  }
0x9f: {  	[tilespmem:$0x270] =	vst v63  }
0xa0: {  	[tilespmem:s21], [sflag:$0x3] =	stream.indirect.gather [hbm4b:s1+s19], $0x28, s20, s19, $0xb8;
	[tilespmem:$0x12B28] =	vst v63  }
0xa1: {  	_ = 	snop  }
0xa2: {  	[spmem:s2] =	stream.indirect.scatter.add.f32 [tilespmem:s26], [sflag:$0x6], $0x28, s30, s19, $0xb8;
	[tilespmem:$0x12B28] =	vst v63  }
.Ltmp3:
0xa3: {  	s5 =	sadd.s32 s15, s13;
	(pc) =	sbr.rel .LBB2_2-.Ltmp3, $4  }
0xa4: {  	s17 =	sadd.s32 s15, s14;
	s5 =	sadd.s32 $0x600, s5  }
0xa5: {  	[tilespmem:s19], [sflag:$0x2] =	stream.linear.gather [hbm4b:s5+s4], $0x80, $0x38;
	[tilespmem:$0x12B28] =	vst v63  }
0xa6: {  	s15 =	sadd.s32 $0x400, s15;
	s5 =	sadd.s32 $0x600, s17  }
0xa7: {  	[tilespmem:s22], [sflag:$0x2] =	stream.linear.gather [hbm4b:s5+s4], $0x80, $0x38;
	[tilespmem:$0x12B28] =	vst v63  }
.LBB2_5:
0xa8: {  	_ =	sfence.sel $0x180000  }
0xa9: {  	[bflag:$0x0] =	sbarrier.arrive $0xFFFF  }
0xaa: {  	_ =	strace $0x9000004D  }
0xab: {  	s0 =	stileid.u32;
	[bflag:$0x2] =	sbarrier.arrive $0xFFFF  }
0xac: {  	p0 =	sne.s32 s0, $0x0;
	s0 =	rddreg [dreg:$0x3]  }
0xad: {  	s0 =	sadd.s32 @!p0 $0x100000, s0  }
0xae: {  	[sflag:s0] =	ssyncadd.tile.s32 @!p0 $0x1;
	_ =	shalt  }
.Lfunc_end2:
_tile_overlayer_lowered:
.L_overlay_start_2:
0xaf: {  	(tag) =	ssettag $0x2  }
0xb0: {  	s0 =	rddreg [dreg:$0x0];
	s2 =	stileid.u32  }
0xb1: {  	s1 =	rddreg [dreg:$0x1];
	p0 =	sne.s32 s2, $0x0  }
0xb2: {  	s3 =	rddreg [dreg:$0x2];
	[bflag:$0x3] =	sbarrier.arrive $0xFFFF;
	s2 =	simm.s32 @!p0 $0x1C07  }
0xb3: {  	[timem:s3], [sflag:s2] =	dma.local @!p0 [hbm:s0], s1  }
0xb4: {  	s0 =	simm.s32 @!p0 $0x7  }
0xb5: {  	_ =	swait.ge @!p0 [sflag:s0], s1  }
0xb6: {  	s1 =	ssub.s32 @!p0 $0x0, s1;
	[sflag:s0] =	ssyncset.done @!p0 $0x0  }
0xb7: {  	[sflag:s0] =	ssyncadd.s32 @!p0 s1  }
0xb8: {  	[bflag:$0x3] =	sbarrier.arrive $0xFFFF  }
0xb9: {  	_ =	shalt  }

// kernel: kernel.8.cloned.1.call-start
scs
__scs_entry_jumppad:
0x0: {  	(pc) =	sbr.rel $0x88, $3  }
0x1: {  	(tag) =	ssettag $0x0;
	lr =	simm.s32 $0x1  }
0x2: {  	[smem:$0x3F9B] =	sst lr;
	_ =	strace $0xD0000000  }
0x3: {  	_ = 	snop  }
0x4: {  	_ = 	snop  }
0x5: {  	_ = 	snop  }
0x6: {  	_ = 	snop  }
0x7: {  	_ = 	snop  }
__scs_overlays_trampoline_lowered:
0x8: {  	[smem:$0x3FAA] =	sst s0  }
0x9: {  	[smem:$0x3FAB] =	sst s1  }
0xa: {  	[smem:$0x3FAC] =	sst s2  }
0xb: {  	[smem:$0x3FAD] =	sst s3  }
0xc: {  	[smem:$0x3FAE] =	sst s4  }
0xd: {  	[smem:$0x3FAF] =	sst s5  }
0xe: {  	[smem:$0x3FB0] =	sst s6  }
0xf: {  	[smem:$0x3FB1] =	sst s7  }
0x10: {  	[smem:$0x3FB2] =	sst s8  }
0x11: {  	[smem:$0x3FB3] =	sst s9;
	s0 =	simm.s32 @!p0 $0x0  }
0x12: {  	s1 =	sld [smem:$0x3F99];
	s0 =	simm.s32 @p0 $0x1  }
0x13: {  	[smem:$0x3FB4] =	sst s0;
	s0 =	simm.s32 @!p1 $0x0  }
0x14: {  	s2 =	sld [smem:$0x3F98];
	s0 =	simm.s32 @p1 $0x1  }
0x15: {  	[smem:$0x3FB5] =	sst s0;
	s0 =	simm.s32 @!p2 $0x0  }
0x16: {  	s3 =	sld [smem:$0x3FDB];
	s0 =	simm.s32 @p2 $0x1  }
0x17: {  	s4 =	simm.s32 $0x1BF5;
	[smem:$0x3FB7] =	sst s0  }
0x18: {  	s0 =	sld [smem:$0x3F9A];
	_ =	swait.ge [sflag:s4], $0x0  }
0x19: {  	s7 =	sld [smem:$0x3F9B]  }
0x1a: {  	s8 =	sadd.s32 $0xFFFFE003, lr  }
0x1b: {  	s9 =	sadd.s32 $0xFFFFFEF7, lr;
	s5 =	simm.s32 $0xFFFFFFFF;
	p2 =	slt.u32 s8, $0xFFFFF086  }
0x1c: {  	p1 =	slt.u32 s9, $0xF7A;
	s5 =	simm.s32 @!p2 $0x0  }
0x1d: {  	s5 =	simm.s32 @p1 $0x1;
	p0 =	seq.s32 s7, s2  }
0x1e: {  	s7 =	smul.u32 @!p0 $0xF7A, s2;
	p2 =	seq.s32 @!p0 s5, $0x0  }
0x1f: {  	s9 =	smul.u32 $0xF7A, s1;
	s8 =	simm.s32 @!p0 $0x1BF5;
	p2 =	por !p2, p0  }
0x20: {  	[sflag:s8] =	ssyncset.s32 @!p0 $0xFFFFF086;
	s6 =	sadd.s32 @!p0 s3, s7;
	s7 =	simm.s32 @!p0 $0x108  }
0x21: {  	s3 =	sadd.s32 s3, s9;
	s6 =	sadd.s32 @!p0 $0x88, s6;
	s7 =	simm.s32 @p2 $0x1082  }
0x22: {  	[simem:s7], [sflag:s8] =	dma.local @!p0 [hbm:s6], $0xF7A  }
0x23: {  	s9 =	sor.u32 $0xD0000000, s2;
	s6 =	simm.s32 $0x108;
	_ =	swait.ge @!p0 [sflag:s8], $0x0  }
0x24: {  	s3 =	sadd.s32 $0x88, s3;
	s6 =	simm.s32 @!p1 $0x1082;
	[sflag:s4] =	ssyncset.s32 $0xFFFFF086  }
0x25: {  	[simem:s6], [sflag:s4] =	dma.local [hbm:s3], $0xF7A  }
0x26: {  	[smem:$0x3F9B] =	sst s1;
	(tag) =	ssettag s2;
	_ =	strace s9  }
0x27: {  	s1 =	sld [smem:$0x3FAB]  }
0x28: {  	s2 =	sld [smem:$0x3FAC]  }
0x29: {  	s4 =	sld [smem:$0x3FAE]  }
0x2a: {  	p0 =	seq.s32 s5, $0x0;
	s5 =	sld [smem:$0x3FAF]  }
0x2b: {  	s6 =	sld [smem:$0x3FB0]  }
0x2c: {  	s7 =	sld [smem:$0x3FB1]  }
0x2d: {  	s3 =	simm.s32 $0x108;
	s8 =	sld [smem:$0x3FB2]  }
0x2e: {  	s3 =	simm.s32 @!p0 $0x1082;
	s9 =	sld [smem:$0x3FB3]  }
0x2f: {  	lr =	sadd.s32 s0, s3;
	s0 =	sld [smem:$0x3FAA]  }
0x30: {  	s3 =	sld [smem:$0x3FAD]  }
0x31: {  	[smem:$0x3FB6] =	sst s10  }
0x32: {  	s10 =	sld [smem:$0x3FB4];
	_ =	sdelay $0x3  }
0x33: {  	p0 =	seq.s32 s10, $0x1;
	s10 =	sld [smem:$0x3FB6];
	_ =	sdelay $0x3  }
0x34: {  	[smem:$0x3FB6] =	sst s10  }
0x35: {  	s10 =	sld [smem:$0x3FB5];
	_ =	sdelay $0x3  }
0x36: {  	p1 =	seq.s32 s10, $0x1;
	s10 =	sld [smem:$0x3FB6];
	_ =	sdelay $0x3  }
0x37: {  	[smem:$0x3FB6] =	sst s10  }
0x38: {  	s10 =	sld [smem:$0x3FB7]  }
0x39: {  	_ = 	snop;
	(pc) =	sbr.ind lr, $3  }
0x3a: {  	_ = 	snop  }
0x3b: {  	_ = 	snop  }
0x3c: {  	p2 =	seq.s32 s10, $0x1;
	s10 =	sld [smem:$0x3FB6]  }
0x3d: {  	_ =	shalt  }
0x3e: {  	_ =	shalt  }
0x3f: {  	_ =	shalt  }
0x40: {  	_ =	shalt  }
0x41: {  	_ =	shalt  }
0x42: {  	_ =	shalt  }
0x43: {  	_ =	shalt  }
0x44: {  	_ =	shalt  }
0x45: {  	_ =	shalt  }
0x46: {  	_ =	shalt  }
0x47: {  	_ =	shalt  }
0x48: {  	_ =	shalt  }
0x49: {  	_ =	shalt  }
0x4a: {  	_ =	shalt  }
0x4b: {  	_ =	shalt  }
0x4c: {  	_ =	shalt  }
0x4d: {  	_ =	shalt  }
0x4e: {  	_ =	shalt  }
0x4f: {  	_ =	shalt  }
0x50: {  	_ =	shalt  }
0x51: {  	_ =	shalt  }
0x52: {  	_ =	shalt  }
0x53: {  	_ =	shalt  }
0x54: {  	_ =	shalt  }
0x55: {  	_ =	shalt  }
0x56: {  	_ =	shalt  }
0x57: {  	_ =	shalt  }
0x58: {  	_ =	shalt  }
0x59: {  	_ =	shalt  }
0x5a: {  	_ =	shalt  }
0x5b: {  	_ =	shalt  }
0x5c: {  	_ =	shalt  }
0x5d: {  	_ =	shalt  }
0x5e: {  	_ =	shalt  }
0x5f: {  	_ =	shalt  }
0x60: {  	_ =	shalt  }
0x61: {  	_ =	shalt  }
0x62: {  	_ =	shalt  }
0x63: {  	_ =	shalt  }
0x64: {  	_ =	shalt  }
0x65: {  	_ =	shalt  }
0x66: {  	_ =	shalt  }
0x67: {  	_ =	shalt  }
0x68: {  	_ =	shalt  }
0x69: {  	_ =	shalt  }
0x6a: {  	_ =	shalt  }
0x6b: {  	_ =	shalt  }
0x6c: {  	_ =	shalt  }
0x6d: {  	_ =	shalt  }
0x6e: {  	_ =	shalt  }
0x6f: {  	_ =	shalt  }
0x70: {  	_ =	shalt  }
0x71: {  	_ =	shalt  }
0x72: {  	_ =	shalt  }
0x73: {  	_ =	shalt  }
0x74: {  	_ =	shalt  }
0x75: {  	_ =	shalt  }
0x76: {  	_ =	shalt  }
0x77: {  	_ =	shalt  }
0x78: {  	_ =	shalt  }
0x79: {  	_ =	shalt  }
0x7a: {  	_ =	shalt  }
0x7b: {  	_ =	shalt  }
0x7c: {  	_ =	shalt  }
0x7d: {  	_ =	shalt  }
0x7e: {  	_ =	shalt  }
0x7f: {  	_ =	shalt  }
0x80: {  	_ =	shalt  }
0x81: {  	_ =	shalt  }
0x82: {  	_ =	shalt  }
0x83: {  	_ =	shalt  }
0x84: {  	_ =	shalt  }
0x85: {  	_ =	shalt  }
0x86: {  	_ =	shalt  }
0x87: {  	_ =	shalt  }
.Lfunc_end0:
.L_simem_size_0:
called_computation_lowered:
.L_overlay_start_0:
0x88: {  	s2 =	sld [smem:$0x3FD9]  }
0x89: {  	s3 =	sld [smem:$0x3FFE];
	_ =	sdelay $0x1  }
0x8a: {  	s1 =	srdreg.scid  }
0x8b: {  	s0 =	sand.u32 $0x1, s1  }
0x8c: {  	s17 =	sshll.u32 s0, $0xA;
	s2 =	sadd.s32 s3, s2  }
0x8d: {  	s2 =	sadd.s32 s2, s17  }
0x8e: {  	[smem:$0x3FC2] =	sst s2  }
0x8f: {  	_ = 	snop  }
0x90: {  	s2 =	sld [smem:$0x3FD0];
	(tm) =	ssettm $0x1  }
0x91: {  	s18 =	sld [smem:$0x3FFB];
	_ =	sdelay $0x3  }
0x92: {  	_ =	strace s18  }
0x93: {  	s3 =	sld [smem:$0x3FFC];
	_ =	sdelay $0x3  }
0x94: {  	_ =	strace s3  }
0x95: {  	s3 =	sld [smem:$0x3FFD];
	_ =	sdelay $0x3  }
0x96: {  	_ =	strace s3  }
0x97: {  	_ =	strace $0x8FFFFFFF  }
0x98: {  	s19 =	sld [smem:$0x3FDB];
	_ =	sdelay $0x1  }
0x99: {  	s4 =	simm.s32 $_scs_section_size  }
0x9a: {  	s5 =	simm.s32 $_size__tile_overlayer_lowered;
	s6 =	simm.s32 $_tile_overlayer_lowered  }
0x9b: {  	s22 =	simm.s32 $0x1BFF;
	s21 =	sshll.u32 s6, $0x1;
	s3 =	sadd.s32 s4, s19  }
0x9c: {  	s7 =	simm.s32 $0x0;
	s20 =	sshll.u32 s5, $0x1;
	s5 =	sadd.s32 s21, s3  }
0x9d: {  	[timem:s7], [sflag:s22] =	dma.local [hbm:s5], s20  }
0x9e: {  	_ =	swait.ge [sflag:s22], s20  }
0x9f: {  	s4 =	ssub.s32 $0x0, s20;
	[sflag:s22] =	ssyncset.done $0x0  }
0xa0: {  	[sflag:s22] =	ssyncadd.s32 s4;
	_ =	sdelay $0x1  }
0xa1: {  	s23 =	simm.s32 $0x1B8B  }
0xa2: {  	_ =	swait.ge [sflag:s23], $0x1  }
0xa3: {  	[sflag:s23] =	ssyncset.done $0x0  }
0xa4: {  	s25 =	simm.s32 $0x1B8E;
	s24 =	sld [smem:$0x3FFE];
	[sflag:s23] =	ssyncadd.s32 $0xFFFFFFFF  }
0xa5: {  	s26 =	simm.s32 $execute0_lowered;
	[smem:$0x3FD2] =	sst s25  }
0xa6: {  	s5 =	sshll.u32 s26, $0x1;
	_ =	strace $0x80000046;
	[dreg:$0x1] =	wrdreg $0xFFFFFFFF  }
0xa7: {  	s28 =	simm.s32 $_size_execute0_lowered;
	s3 =	sadd.s32 s3, s5;
	[dreg:$0x0] =	wrdreg $0x0  }
0xa8: {  	s5 =	sshll.u32 s28, $0x1;
	[dreg:$0x2] =	wrdreg s3  }
0xa9: {  	[dreg:$0x3] =	wrdreg s5  }
0xaa: {  	[dreg:$0x4] =	wrdreg $0xC0  }
0xab: {  	_ =	task [dreg:s7], $0x5FFFF  }
0xac: {  	[dreg:$0x1] =	wrdreg $0xFFFFFFFF  }
0xad: {  	[dreg:$0x0] =	wrdreg $0x60  }
0xae: {  	[dreg:$0x2] =	wrdreg s24  }
0xaf: {  	[dreg:$0x3] =	wrdreg s2  }
0xb0: {  	[dreg:$0x4] =	wrdreg $0x25400  }
0xb1: {  	[dreg:$0x5] =	wrdreg $0x9  }
0xb2: {  	_ =	task.clear_ibuf [dreg:s7], $0x6FFFF;
	_ =	strace $0x90000046  }
0xb3: {  	s29 =	simm.s32 $0x9;
	_ =	strace $0x80000048  }
0xb4: {  	_ =	swait.ge [sflag:s29], $0x1  }
0xb5: {  	[sflag:s29] =	ssyncadd.s32 $0xFFFFFFFF  }
0xb6: {  	_ =	strace $0x90000048  }
0xb7: {  	_ =	sfence  }
0xb8: {  	s30 =	sld [smem:$0x0];
	_ =	sdelay $0x2  }
0xb9: {  	s31 =	sshll.u32 s1, $0xD;
	s1 =	sshrl.u32 s1, $0x2  }
0xba: {  	s3 =	sand.u32 $0x4000, s31;
	s1 =	sadd.s32 s1, s30  }
0xbb: {  	s0 =	sor.u32 s3, s0;
	s1 =	sshll.u32 s1, $0x11  }
0xbc: {  	s0 =	sor.u32 s1, s0  }
0xbd: {  	s0 =	sadd.s32 $0x8F2B, s0  }
0xbe: {  	[sflag:s0] =	ssyncadd.remote.s32 $0x1  }
0xbf: {  	_ =	sfence.sel $0xFFFF  }
0xc0: {  	[dreg:$0x0] =	wrdreg $0xFFFFFFFF;
	(pc) =	sbr.abs _section_cstart, $3  }
0xc1: {  	[dreg:$0x1] =	wrdreg $0xFFFFFFFF  }
0xc2: {  	_ =	task.clear_ibuf [dreg:s7], $0x2FFFF;
	_ =	strace $0x9FFFFFFF  }
0xc3: {  	(tm) =	ssettm $0x7FFFFFFF  }
tec
execute0_lowered:
.L_overlay_start_1:
0x0: {  	(tag) =	ssettag $0x1  }
0x1: {  	s5 =	rddreg [dreg:$0x0]  }
0x2: {  	s8 =	rddreg [dreg:$0x1]  }
0x3: {  	s1 =	rddreg [dreg:$0x2]  }
0x4: {  	s0 =	rddreg [dreg:$0x3];
	s2 =	simm.s32 $0x0;
	s3 =	srdreg.scid  }
0x5: {  	s16 =	simm.s32 $0x1;
	s17 =	simm.s32 $0x80;
	s18 =	simm.s32 $0x100  }
0x6: {  	s19 =	simm.s32 $0x2;
	s20 =	simm.s32 $0x180;
	s21 =	simm.s32 $0x3  }
0x7: {  	s22 =	simm.s32 $0x4;
	s23 =	simm.s32 $0x0;
	[smem:$0x7FF] =	sst s2  }
0x8: {  	s6 =	sand.u32 $0x1, s3;
	s10 =	sadd.s32 $0x2C00, s5;
	s3 =	stileid.u32  }
0x9: {  	s4 =	sadd.s32 $0x8000, s5;
	s5 =	sadd.s32 $0x7C00, s5;
	s30 =	smul.u32 $0x7D00, s3  }
0xa: {  	_ =	strace $0x80000047;
	s7 =	ssub.s32 $0x2, s6;
	s31 =	smul.u32 $0x3E8, s3  }
0xb: {  	s12 =	sshll.u32 s3, $0x5;
	s13 =	sshll.u32 s6, $0x4;
	s15 =	smul.u32 $0x2710, s6  }
0xc: {  	p0 =	sgt.u32 s3, $0x9;
	s9 =	sshrl.u32 s7, $0x1;
	s14 =	sor.u32 s13, s12  }
.Ltmp0:
0xd: {  	s12 =	sadd.s32 s12, s10;
	s11 =	ssub.s32 s7, s9;
	(pc) =	sbr.rel .LBB2_1-.Ltmp0, $4  }
0xe: {  	s7 =	sshrl.u32 s30, $0x2;
	s9 =	sadd.s32 s8, s31;
	s12 =	sadd.s32 s13, s12  }
0xf: {  	s13 =	simm.s32 $0x600;
	s6 =	sadd.s32 s7, s1;
	s7 =	sadd.s32 s10, s14  }
0x10: {  	s9 =	sadd.s32 s15, s9;
	s10 =	smax.u32 s11, $0x1;
	s14 =	simm.s32 $0x5  }
0x11: {  	s15 =	simm.s32 $0x200;
	s8 =	sadd.s32 $0x400, s7;
	s11 =	sadd.s32 $0x200, s7  }
.LBB2_4:
0x12: {  	[spmem:s1] =	stream.indirect.scatter.add.f32 [tilespmem:s15], [sflag:$0x4], $0x8, s20, s17, $0xb8;
	[tilespmem:$0x3908] =	vst v63  }
0x13: {  	_ =	swait.ge [sflag:s21], $0x400  }
0x14: {  	[sflag:s21] =	ssyncset.done $0x0  }
0x15: {  	[sflag:s21] =	ssyncadd.s32 $0xFFFFFC00  }
0x16: {  	_ =	swait.ge [sflag:s22], $0x400  }
0x17: {  	[sflag:s22] =	ssyncset.done $0x0  }
0x18: {  	[sflag:s22] =	ssyncadd.s32 $0xFFFFFC00  }
0x19: {  	s24 =	simm.s32 @!p0 $0x600;
	s25 =	simm.s32 @!p0 $0x5;
	[bflag:$0x0] =	sbarrier.arrive $0xFFFF  }
0x1a: {  	[tilespmem:s24], [sflag:$0x5] =	stream.linear.gather @!p0 [spmem:s6], $0x1F40, $0x38;
	[tilespmem:$0x3908] =	vst v63  }
0x1b: {  	s23 =	sadd.s32 $0x1, s23;
	_ =	swait.ge @!p0 [sflag:s25], $0x1F40  }
0x1c: {  	p1 =	sne.s32 s23, s10;
	[sflag:s25] =	ssyncset.done @!p0 $0x0  }
.Ltmp1:
0x1d: {  	s26 =	simm.s32 @!p0 $0x0;
	[sflag:s25] =	ssyncadd.s32 @!p0 $0xFFFFE0C0;
	(pc) =	sbr.rel @!p1 .LBB2_5-.Ltmp1, $4  }
0x1e: {  	[hbm4b:s9+s26] =	stream.linear.scatter @!p0 [tilespmem:s24], [sflag:$0x5], $0x1F40, $0x38;
	[tilespmem:$0x3908] =	vst v63  }
0x1f: {  	_ =	swait.ge @!p0 [sflag:s25], $0x1F40  }
0x20: {  	[sflag:s25] =	ssyncset.done @!p0 $0x0  }
0x21: {  	[sflag:s25] =	ssyncadd.s32 @!p0 $0xFFFFE0C0  }
.LBB2_1:
0x22: {  	[tilespmem:s13], [sflag:$0x5] =	stream.linear.gather [hbm4b:s5+s2], $0x1F40, $0x38;
	[tilespmem:$0x3908] =	vst v63  }
0x23: {  	_ =	swait.ge [sflag:s14], $0x1F40  }
0x24: {  	[sflag:s14] =	ssyncset.done $0x0  }
0x25: {  	[sflag:s14] =	ssyncadd.s32 $0xFFFFE0C0  }
0x26: {  	[tilespmem:s15], [sflag:$0x5] =	stream.linear.gather [hbm4b:s4+s2], $0x400, $0x38;
	[tilespmem:$0x3908] =	vst v63  }
0x27: {  	_ =	swait.ge [sflag:s14], $0x400  }
0x28: {  	[sflag:s14] =	ssyncset.done $0x0  }
0x29: {  	s24 =	simm.s32 @!p0 $0x600;
	[sflag:s14] =	ssyncadd.s32 $0xFFFFFC00  }
0x2a: {  	[spmem:s6] =	stream.linear.scatter @!p0 [tilespmem:s24], [sflag:$0x5], $0x1F40, $0x38;
	[tilespmem:$0x3908] =	vst v63  }
0x2b: {  	s24 =	simm.s32 @!p0 $0x5  }
0x2c: {  	_ =	swait.ge @!p0 [sflag:s24], $0x1F40  }
0x2d: {  	[sflag:s24] =	ssyncset.done @!p0 $0x0  }
0x2e: {  	[sflag:s24] =	ssyncadd.s32 @!p0 $0xFFFFE0C0  }
0x2f: {  	[bflag:$0x0] =	sbarrier.arrive $0xFFFF  }
0x30: {  	[tilespmem:s2], [sflag:$0x1] =	stream.linear.gather [hbm4b:s7+s2], $0x80, $0x38;
	[tilespmem:$0x3908] =	vst v63  }
0x31: {  	_ =	swait.ge [sflag:s16], $0x80  }
0x32: {  	[sflag:s16] =	ssyncset.done $0x0  }
0x33: {  	[sflag:s16] =	ssyncadd.s32 $0xFFFFFF80  }
0x34: {  	v0 =	vld [tilespmem:$0x0]  }
0x35: {  	v1 =	vld [tilespmem:$0x10]  }
0x36: {  	v2 =	vld [tilespmem:$0x20]  }
0x37: {  	v3 =	vld [tilespmem:$0x30]  }
0x38: {  	v4 =	vld [tilespmem:$0x40]  }
0x39: {  	v53 =	vld [tilespmem:$0x50];
	[tilespmem:$0x100] =	vst v0  }
0x3a: {  	v54 =	vld [tilespmem:$0x60];
	[tilespmem:$0x110] =	vst v1  }
0x3b: {  	v55 =	vld [tilespmem:$0x70];
	[tilespmem:$0x120] =	vst v2  }
0x3c: {  	[tilespmem:$0x130] =	vst v3  }
0x3d: {  	[tilespmem:$0x140] =	vst v4  }
0x3e: {  	[tilespmem:$0x150] =	vst v53  }
0x3f: {  	[tilespmem:$0x160] =	vst v54  }
0x40: {  	[tilespmem:$0x170] =	vst v55  }
0x41: {  	[tilespmem:s17], [sflag:$0x2] =	stream.linear.gather [hbm4b:s11+s2], $0x80, $0x38;
	[tilespmem:$0x3908] =	vst v63  }
0x42: {  	_ = 	snop  }
0x43: {  	[spmem:s1] =	stream.indirect.scatter.add.f32 [tilespmem:s15], [sflag:$0x3], $0x8, s18, s17, $0xb8;
	[tilespmem:$0x3908] =	vst v63  }
0x44: {  	_ =	swait.ge [sflag:s19], $0x80  }
0x45: {  	[sflag:s19] =	ssyncset.done $0x0  }
0x46: {  	[sflag:s19] =	ssyncadd.s32 $0xFFFFFF80  }
0x47: {  	v56 =	vld [tilespmem:$0x80]  }
0x48: {  	v57 =	vld [tilespmem:$0x90]  }
0x49: {  	v58 =	vld [tilespmem:$0xA0]  }
0x4a: {  	v59 =	vld [tilespmem:$0xB0]  }
0x4b: {  	v60 =	vld [tilespmem:$0xC0]  }
0x4c: {  	v61 =	vld [tilespmem:$0xD0];
	[tilespmem:$0x180] =	vst v56  }
0x4d: {  	v62 =	vld [tilespmem:$0xE0];
	[tilespmem:$0x190] =	vst v57  }
0x4e: {  	v63 =	vld [tilespmem:$0xF0];
	[tilespmem:$0x1A0] =	vst v58  }
0x4f: {  	[tilespmem:$0x1B0] =	vst v59  }
0x50: {  	[tilespmem:$0x1C0] =	vst v60  }
0x51: {  	[tilespmem:$0x1D0] =	vst v61  }
0x52: {  	[tilespmem:$0x1E0] =	vst v62  }
0x53: {  	[tilespmem:$0x1F0] =	vst v63  }
0x54: {  	[tilespmem:s2], [sflag:$0x1] =	stream.linear.gather [hbm4b:s8+s2], $0x80, $0x38;
	[tilespmem:$0x3908] =	vst v63  }
0x55: {  	s24 =	simm.s32 $0xFFFFB800  }
0x56: {  	[spmem:s1] =	stream.indirect.scatter.add.f32 [tilespmem:s15], [sflag:$0x4], $0x8, s20, s17, $0xb8;
	[tilespmem:$0x3908] =	vst v63  }
.LBB2_2:
0x57: {  	_ =	swait.ge [sflag:s16], $0x80  }
0x58: {  	[sflag:s16] =	ssyncset.done $0x0  }
0x59: {  	[sflag:s16] =	ssyncadd.s32 $0xFFFFFF80  }
0x5a: {  	_ =	swait.ge [sflag:s21], $0x400  }
0x5b: {  	[sflag:s21] =	ssyncset.done $0x0  }
0x5c: {  	[sflag:s21] =	ssyncadd.s32 $0xFFFFFC00  }
0x5d: {  	v0 =	vld [tilespmem:$0x0]  }
0x5e: {  	v1 =	vld [tilespmem:$0x10]  }
0x5f: {  	v2 =	vld [tilespmem:$0x20]  }
0x60: {  	v3 =	vld [tilespmem:$0x30]  }
0x61: {  	v4 =	vld [tilespmem:$0x40]  }
0x62: {  	v53 =	vld [tilespmem:$0x50];
	[tilespmem:$0x100] =	vst v0  }
0x63: {  	v54 =	vld [tilespmem:$0x60];
	[tilespmem:$0x110] =	vst v1  }
0x64: {  	v55 =	vld [tilespmem:$0x70];
	[tilespmem:$0x120] =	vst v2  }
0x65: {  	[tilespmem:$0x130] =	vst v3  }
0x66: {  	[tilespmem:$0x140] =	vst v4  }
0x67: {  	[tilespmem:$0x150] =	vst v53  }
0x68: {  	s25 =	sadd.s32 s24, s12;
	[tilespmem:$0x160] =	vst v54  }
0x69: {  	s26 =	sadd.s32 $0x4E00, s25;
	[tilespmem:$0x170] =	vst v55  }
0x6a: {  	[tilespmem:s17], [sflag:$0x2] =	stream.linear.gather [hbm4b:s26+s2], $0x80, $0x38;
	[tilespmem:$0x3908] =	vst v63  }
0x6b: {  	_ = 	snop  }
0x6c: {  	[spmem:s1] =	stream.indirect.scatter.add.f32 [tilespmem:s15], [sflag:$0x3], $0x8, s18, s17, $0xb8;
	[tilespmem:$0x3908] =	vst v63  }
0x6d: {  	_ =	swait.ge [sflag:s19], $0x80  }
0x6e: {  	[sflag:s19] =	ssyncset.done $0x0  }
0x6f: {  	[sflag:s19] =	ssyncadd.s32 $0xFFFFFF80  }
0x70: {  	_ =	swait.ge [sflag:s22], $0x400  }
0x71: {  	[sflag:s22] =	ssyncset.done $0x0  }
0x72: {  	[sflag:s22] =	ssyncadd.s32 $0xFFFFFC00  }
0x73: {  	v56 =	vld [tilespmem:$0x80]  }
0x74: {  	v57 =	vld [tilespmem:$0x90]  }
0x75: {  	v58 =	vld [tilespmem:$0xA0]  }
0x76: {  	v59 =	vld [tilespmem:$0xB0]  }
0x77: {  	v60 =	vld [tilespmem:$0xC0]  }
0x78: {  	v61 =	vld [tilespmem:$0xD0];
	[tilespmem:$0x180] =	vst v56  }
0x79: {  	v62 =	vld [tilespmem:$0xE0];
	[tilespmem:$0x190] =	vst v57  }
0x7a: {  	p1 =	seq.s32 s24, $0x0;
	v63 =	vld [tilespmem:$0xF0];
	[tilespmem:$0x1A0] =	vst v58  }
.Ltmp2:
0x7b: {  	[tilespmem:$0x1B0] =	vst v59;
	(pc) =	sbr.rel @p1 .LBB2_4-.Ltmp2, $4  }
0x7c: {  	[tilespmem:$0x1C0] =	vst v60  }
0x7d: {  	[tilespmem:$0x1D0] =	vst v61  }
0x7e: {  	[tilespmem:$0x1E0] =	vst v62  }
0x7f: {  	[tilespmem:$0x1F0] =	vst v63  }
.Ltmp3:
0x80: {  	(pc) =	sbr.rel .LBB2_2-.Ltmp3, $4  }
0x81: {  	s25 =	sadd.s32 $0x5000, s25  }
0x82: {  	[tilespmem:s2], [sflag:$0x1] =	stream.linear.gather [hbm4b:s25+s2], $0x80, $0x38;
	[tilespmem:$0x3908] =	vst v63  }
0x83: {  	s24 =	sadd.s32 $0x400, s24  }
0x84: {  	[spmem:s1] =	stream.indirect.scatter.add.f32 [tilespmem:s15], [sflag:$0x4], $0x8, s20, s17, $0xb8;
	[tilespmem:$0x3908] =	vst v63  }
.LBB2_5:
0x85: {  	_ =	sfence.sel $0x180000  }
0x86: {  	[bflag:$0x0] =	sbarrier.arrive $0xFFFF  }
0x87: {  	p0 =	sne.s32 s3, $0x0;
	_ =	strace $0x90000047  }
0x88: {  	s0 =	sadd.s32 @!p0 $0x100000, s0;
	[bflag:$0x2] =	sbarrier.arrive $0xFFFF  }
0x89: {  	[sflag:s0] =	ssyncadd.tile.s32 @!p0 $0x1;
	_ =	shalt  }
.Lfunc_end2:
_tile_overlayer_lowered:
.L_overlay_start_2:
0x8a: {  	(tag) =	ssettag $0x2  }
0x8b: {  	s0 =	rddreg [dreg:$0x0];
	s2 =	stileid.u32  }
0x8c: {  	s1 =	rddreg [dreg:$0x1];
	p0 =	sne.s32 s2, $0x0  }
0x8d: {  	s3 =	rddreg [dreg:$0x2];
	[bflag:$0x3] =	sbarrier.arrive $0xFFFF;
	s2 =	simm.s32 @!p0 $0x1C05  }
0x8e: {  	[timem:s3], [sflag:s2] =	dma.local @!p0 [hbm:s0], s1  }
0x8f: {  	s0 =	simm.s32 @!p0 $0x5  }
0x90: {  	_ =	swait.ge @!p0 [sflag:s0], s1  }
0x91: {  	s1 =	ssub.s32 @!p0 $0x0, s1;
	[sflag:s0] =	ssyncset.done @!p0 $0x0  }
0x92: {  	[sflag:s0] =	ssyncadd.s32 @!p0 s1  }
0x93: {  	[bflag:$0x3] =	sbarrier.arrive $0xFFFF  }
0x94: {  	_ =	shalt  }

</sc_bundles>
